<compile_context>
chip_gen: v7x
topology: tpu7x:2x2x1
jax: 0.10.2.dev20260603
libtpu: 0.0.44.dev20260713+nightly
codegen_flags: <defaults>
</compile_context>

<pallas_src>
import functools

import jax
import jax.numpy as jnp
import numpy as np
from jax.experimental import pallas as pl
from jax.experimental.pallas import tpu as pltpu
from jax.experimental.pallas import tpu_sc as plsc

S, D, H, E, K, F = 2048, 1024, 16, 8, 2, 2048
DH = D // H
BT = 256
BQ = 256
BK = 256
TM = 256
PAD_P = K * S + E * TM
NT = PAD_P // TM
BF = 512
RL = 128
NEG = -1e30
EPS = 1e-5


def _row_sum(x):
    w = x.shape[1]
    acc = x[:, 0:128]
    for c in range(1, w // 128):
        acc = acc + x[:, c * 128:(c + 1) * 128]
    a = acc[:, 0:8]
    for m in range(1, 16):
        a = a + acc[:, m * 8:(m + 1) * 8]
    a = a[:, 0:4] + a[:, 4:8]
    a = a[:, 0:2] + a[:, 2:4]
    return a[:, 0:1] + a[:, 1:2]


def _ln(x, g, b):
    mu = _row_sum(x) / x.shape[1]
    xc = x - mu
    var = _row_sum(xc * xc) / x.shape[1]
    return xc / jnp.sqrt(var + EPS) * g + b



def _ln_qkv_body(x_ref, g_ref, b_ref, wq_ref, bq_ref, wk_ref, bk_ref,
                 wv_ref, bv_ref, q_ref, k_ref, v_ref):
    h = _ln(x_ref[...], g_ref[...], b_ref[...])
    q_ref[...] = jnp.dot(h, wq_ref[...], preferred_element_type=jnp.float32) + bq_ref[...]
    k_ref[...] = jnp.dot(h, wk_ref[...], preferred_element_type=jnp.float32) + bk_ref[...]
    v_ref[...] = jnp.dot(h, wv_ref[...], preferred_element_type=jnp.float32) + bv_ref[...]


def _ln_qkv(xs, g, b, Wq, bq, Wk, bk, Wv, bv):
    row = pl.BlockSpec((BT, D), lambda i: (i, 0))
    full = pl.BlockSpec((D, D), lambda i: (0, 0))
    vec = pl.BlockSpec((1, D), lambda i: (0, 0))
    return pl.pallas_call(
        _ln_qkv_body,
        grid=(S // BT,),
        in_specs=[row, vec, vec, full, vec, full, vec, full, vec],
        out_specs=[row, row, row],
        out_shape=[jax.ShapeDtypeStruct((S, D), jnp.float32)] * 3,
    )(xs, g, b, Wq, bq, Wk, bk, Wv, bv)



def _attn_body(q_ref, k_ref, v_ref, o_ref):
    i = pl.program_id(1)
    q = q_ref[0]
    s = jax.lax.dot_general(q, k_ref[0], (((1,), (1,)), ((), ())),
                            preferred_element_type=jnp.float32) / np.float32(np.sqrt(DH))
    rows = i * BQ + jax.lax.broadcasted_iota(jnp.int32, (BQ, S), 0)
    cols = jax.lax.broadcasted_iota(jnp.int32, (BQ, S), 1)
    s = jnp.where(rows >= cols, s, -jnp.inf)
    m = jnp.max(s, axis=1, keepdims=True)
    u = jnp.exp(s - m)
    l = jnp.sum(u, axis=1, keepdims=True)
    o_ref[0] = jnp.dot(u, v_ref[0], preferred_element_type=jnp.float32) / l


def _attn(q, k, v):
    qspec = pl.BlockSpec((1, BQ, DH), lambda h, i: (h, i, 0))
    kvspec = pl.BlockSpec((1, S, DH), lambda h, i: (h, 0, 0))
    return pl.pallas_call(
        _attn_body,
        grid=(H, S // BQ),
        in_specs=[qspec, kvspec, kvspec],
        out_specs=qspec,
        out_shape=jax.ShapeDtypeStruct((H, S, DH), jnp.float32),
    )(q, k, v)



def _proj_router_body(attn_ref, x_ref, wo_ref, bo_ref, g_ref, b_ref,
                      wr_ref, br_ref, xm_ref, h2_ref, probs_ref, idx_ref, w_ref):
    xm = x_ref[...] + (jnp.dot(attn_ref[...], wo_ref[...],
                               preferred_element_type=jnp.float32) + bo_ref[...])
    xm_ref[...] = xm
    h2 = _ln(xm, g_ref[...], b_ref[...])
    h2_ref[...] = h2
    logit = jnp.dot(h2, wr_ref[...], preferred_element_type=jnp.float32) + br_ref[...]
    lane = jax.lax.broadcasted_iota(jnp.int32, logit.shape, 1)
    m1 = jnp.max(logit, axis=1, keepdims=True)
    i1 = jnp.min(jnp.where(logit == m1, lane, RL - 1), axis=1, keepdims=True)
    l2 = jnp.where(lane == i1, NEG, logit)
    m2 = jnp.max(l2, axis=1, keepdims=True)
    i2 = jnp.min(jnp.where(l2 == m2, lane, RL - 1), axis=1, keepdims=True)
    pe = jnp.exp(logit - m1)
    probs_ref[...] = pe / jnp.sum(pe, axis=1, keepdims=True)
    e2 = jnp.exp(m2 - m1)
    denom = 1.0 + e2
    w1 = 1.0 / denom
    w2 = e2 / denom
    idx_ref[...] = jnp.where(lane == 0, i1, i2)
    w_ref[...] = jnp.where(lane == 0, w1, w2)


def _proj_router(attn, xs, Wo, bo, g, b, Wr_pad, br_pad):
    row = pl.BlockSpec((BT, D), lambda i: (i, 0))
    rrow = pl.BlockSpec((BT, RL), lambda i: (i, 0))
    return pl.pallas_call(
        _proj_router_body,
        grid=(S // BT,),
        in_specs=[row, row,
                  pl.BlockSpec((D, D), lambda i: (0, 0)),
                  pl.BlockSpec((1, D), lambda i: (0, 0)),
                  pl.BlockSpec((1, D), lambda i: (0, 0)),
                  pl.BlockSpec((1, D), lambda i: (0, 0)),
                  pl.BlockSpec((D, RL), lambda i: (0, 0)),
                  pl.BlockSpec((1, RL), lambda i: (0, 0))],
        out_specs=[row, row, rrow, rrow, rrow],
        out_shape=[jax.ShapeDtypeStruct((S, D), jnp.float32),
                   jax.ShapeDtypeStruct((S, D), jnp.float32),
                   jax.ShapeDtypeStruct((S, RL), jnp.float32),
                   jax.ShapeDtypeStruct((S, RL), jnp.int32),
                   jax.ShapeDtypeStruct((S, RL), jnp.float32)],
    )(attn, xs, Wo, bo, g, b, Wr_pad, br_pad)



def _sc_gather(data, idx):
    N, Dd = data.shape
    M = idx.shape[0]
    SUB = 8
    CH = Dd // SUB
    W = 128
    data8 = data.reshape(N * SUB, CH)
    idx8 = (idx[:, None] * SUB + jnp.arange(SUB, dtype=jnp.int32)[None, :]
            ).reshape(1, M * SUB)
    mesh = plsc.VectorSubcoreMesh(core_axis_name="c", subcore_axis_name="s")

    @functools.partial(
        pl.kernel,
        out_type=jax.ShapeDtypeStruct((M * SUB, CH), data.dtype),
        mesh=mesh)
    def gk(x_hbm, i_hbm, o_hbm):
        def body(i_vmem, o_vmem):
            pltpu.sync_copy(x_hbm.at[i_vmem.at[0]], o_vmem)

        pltpu.emit_pipeline(
            body,
            grid=(M * SUB // W,),
            in_specs=[pl.BlockSpec((1, W), index_map=lambda i: (0, i))],
            out_specs=[pl.BlockSpec((W, CH), index_map=lambda i: (i, 0))],
            core_axis_name=("c", "s"),
            dimension_semantics=(pltpu.PARALLEL,),
        )(i_hbm, o_hbm)

    return gk(data8, idx8).reshape(M, Dd)



def _gate_up_body(te_ref, hs_ref, wg_ref, bg_ref, wu_ref, bu_ref, a_ref):
    hs = hs_ref[...]
    g = jnp.dot(hs, wg_ref[0], preferred_element_type=jnp.float32) + bg_ref[0]
    u = jnp.dot(hs, wu_ref[0], preferred_element_type=jnp.float32) + bu_ref[0]
    a_ref[...] = g * jax.lax.logistic(g) * u


def _gate_up(hs, Wg, bg3, Wu, bu3, te):
    grid_spec = pltpu.PrefetchScalarGridSpec(
        num_scalar_prefetch=1,
        grid=(F // BF, NT),
        in_specs=[
            pl.BlockSpec((TM, D), lambda f, t, te: (t, 0)),
            pl.BlockSpec((1, D, BF), lambda f, t, te: (te[t], 0, f)),
            pl.BlockSpec((1, 1, BF), lambda f, t, te: (te[t], 0, f)),
            pl.BlockSpec((1, D, BF), lambda f, t, te: (te[t], 0, f)),
            pl.BlockSpec((1, 1, BF), lambda f, t, te: (te[t], 0, f)),
        ],
        out_specs=pl.BlockSpec((TM, BF), lambda f, t, te: (t, f)),
    )
    return pl.pallas_call(
        _gate_up_body,
        grid_spec=grid_spec,
        out_shape=jax.ShapeDtypeStruct((PAD_P, F), jnp.float32),
    )(te, hs, Wg, bg3, Wu, bu3)


def _down_body(te_ref, a_ref, wd_ref, bd_ref, eo_ref):
    eo_ref[...] = jnp.dot(a_ref[...], wd_ref[0],
                          preferred_element_type=jnp.float32) + bd_ref[0]


def _down(a, Wd, bd3, te):
    grid_spec = pltpu.PrefetchScalarGridSpec(
        num_scalar_prefetch=1,
        grid=(NT,),
        in_specs=[
            pl.BlockSpec((TM, F), lambda t, te: (t, 0)),
            pl.BlockSpec((1, F, D), lambda t, te: (te[t], 0, 0)),
            pl.BlockSpec((1, 1, D), lambda t, te: (te[t], 0, 0)),
        ],
        out_specs=pl.BlockSpec((TM, D), lambda t, te: (t, 0)),
    )
    return pl.pallas_call(
        _down_body,
        grid_spec=grid_spec,
        out_shape=jax.ShapeDtypeStruct((PAD_P, D), jnp.float32),
    )(te, a, Wd, bd3)



def _combine_body(xm_ref, r2_ref, w_ref, o_ref):
    w1 = w_ref[:, 0:1]
    w2 = w_ref[:, 1:2]
    o_ref[...] = xm_ref[...] + w1 * r2_ref[:, :D] + w2 * r2_ref[:, D:]


def _combine(xm, r2, w):
    return pl.pallas_call(
        _combine_body,
        grid=(S // BT,),
        in_specs=[pl.BlockSpec((BT, D), lambda i: (i, 0)),
                  pl.BlockSpec((BT, 2 * D), lambda i: (i, 0)),
                  pl.BlockSpec((BT, RL), lambda i: (i, 0))],
        out_specs=pl.BlockSpec((BT, D), lambda i: (i, 0)),
        out_shape=jax.ShapeDtypeStruct((S, D), jnp.float32),
    )(xm, r2, w)



def _routing(idx2):
    ee = idx2.reshape(-1).astype(jnp.int32)
    order = jnp.argsort(ee, stable=True).astype(jnp.int32)
    counts = jnp.sum((ee[:, None] == jnp.arange(E)[None, :]).astype(jnp.int32), axis=0)
    padded = ((counts + TM - 1) // TM) * TM
    cum_pad = jnp.cumsum(padded)
    poff = cum_pad - padded
    cum_cnt = jnp.cumsum(counts)
    uoff = cum_cnt - counts
    e_sorted = ee[order]
    j = jnp.arange(K * S, dtype=jnp.int32)
    pos_sorted = (poff[e_sorted] + (j - uoff[e_sorted])).astype(jnp.int32)
    pos = jnp.zeros(K * S, jnp.int32).at[order].set(pos_sorted)
    src = jnp.zeros(PAD_P, jnp.int32).at[pos_sorted].set(order // K)
    te = jnp.searchsorted(cum_pad, jnp.arange(NT, dtype=jnp.int32) * TM,
                          side='right').astype(jnp.int32)
    te = jnp.minimum(te, E - 1)
    return pos, src, te


def kernel(x, ln1_g, ln1_b, ln2_g, ln2_b, Wq, bq, Wk, bk, Wv, bv, Wo, bo,
           Wr, br, Wg, bg, Wu, bu, Wd, bd):
    xs = x[0]
    g1 = ln1_g.reshape(1, D)
    b1 = ln1_b.reshape(1, D)
    g2 = ln2_g.reshape(1, D)
    b2 = ln2_b.reshape(1, D)
    Wr_pad = jnp.pad(Wr, ((0, 0), (0, RL - E)))
    br_pad = jnp.pad(br, (0, RL - E), constant_values=NEG).reshape(1, RL)

    q, k, v = _ln_qkv(xs, g1, b1, Wq, bq.reshape(1, D), Wk, bk.reshape(1, D),
                      Wv, bv.reshape(1, D))
    q = q.reshape(S, H, DH).transpose(1, 0, 2)
    k = k.reshape(S, H, DH).transpose(1, 0, 2)
    v = v.reshape(S, H, DH).transpose(1, 0, 2)
    attn = _attn(q, k, v).transpose(1, 0, 2).reshape(S, D)
    xm, h2, probs_pad, idx_pad, w_pad = _proj_router(
        attn, xs, Wo, bo.reshape(1, D), g2, b2, Wr_pad, br_pad)

    idx2 = idx_pad[:, :K]
    pos, src, te = _routing(idx2)

    hs = _sc_gather(h2, src)
    a = _gate_up(hs, Wg, bg.reshape(E, 1, F), Wu, bu.reshape(E, 1, F), te)
    eo = _down(a, Wd, bd.reshape(E, 1, D), te)
    r = _sc_gather(eo, pos)
    out = _combine(xm, r.reshape(S, K * D), w_pad)

    return (out[None], probs_pad[:, :E][None], idx2[None])

# --- scband reference (transcript-rebuilt; emitter-appended) ---
"""Pipeline reference for scband-mo-etransformer-block-85633057948180 (READ-ONLY COPY).

The authoritative reference and input builder live on the scoring server;
editing this copy changes nothing except your own understanding.
"""

import jax, jax.numpy as jnp
import numpy as np

B, S, D, H, E, K, F = 1, 2048, 1024, 16, 8, 2, 2048
DH = D // H


def _init_linear(key, fan_in, fan_out):
    k1, k2 = jax.random.split(key)
    bound = 1.0 / np.sqrt(fan_in)
    W = jax.random.uniform(k1, (fan_in, fan_out), jnp.float32, -bound, bound)
    b = jax.random.uniform(k2, (fan_out,), jnp.float32, -bound, bound)
    return W, b


def _stack_experts(key, fan_in, fan_out):
    keys = jax.random.split(key, E)
    Ws, bs = zip(*[_init_linear(k, fan_in, fan_out) for k in keys])
    return jnp.stack(Ws), jnp.stack(bs)


def setup_inputs(seed=0):
    key = jax.random.key(seed)
    ks = jax.random.split(key, 16)
    Wq, bq = _init_linear(ks[1], D, D)
    Wk, bk = _init_linear(ks[2], D, D)
    Wv, bv = _init_linear(ks[3], D, D)
    Wo, bo = _init_linear(ks[4], D, D)
    Wr, br = _init_linear(ks[5], D, E)
    Wg, bg = _stack_experts(ks[6], D, F)
    Wu, bu = _stack_experts(ks[7], D, F)
    Wd, bd = _stack_experts(ks[8], F, D)
    return {
        "x": jax.random.normal(ks[0], (B, S, D), jnp.float32),
        "ln1_g": jnp.ones((D,), jnp.float32), "ln1_b": jnp.zeros((D,), jnp.float32),
        "ln2_g": jnp.ones((D,), jnp.float32), "ln2_b": jnp.zeros((D,), jnp.float32),
        "Wq": Wq, "bq": bq, "Wk": Wk, "bk": bk, "Wv": Wv, "bv": bv,
        "Wo": Wo, "bo": bo, "Wr": Wr, "br": br,
        "Wg": Wg, "bg": bg, "Wu": Wu, "bu": bu, "Wd": Wd, "bd": bd,
    }


def _layernorm(x, g, b, eps=1e-5):
    mu = jnp.mean(x, axis=-1, keepdims=True)
    var = jnp.var(x, axis=-1, keepdims=True)
    return (x - mu) / jnp.sqrt(var + eps) * g + b


def _forward(x, ln1_g, ln1_b, ln2_g, ln2_b, Wq, bq, Wk, bk, Wv, bv, Wo, bo, Wr, br, Wg, bg, Wu, bu, Wd, bd):
    h = _layernorm(x, ln1_g, ln1_b)
    q = (h @ Wq + bq).reshape(B, S, H, DH).transpose(0, 2, 1, 3)
    k = (h @ Wk + bk).reshape(B, S, H, DH).transpose(0, 2, 1, 3)
    v = (h @ Wv + bv).reshape(B, S, H, DH).transpose(0, 2, 1, 3)
    att = q @ k.transpose(0, 1, 3, 2) / np.sqrt(DH)
    mask = jnp.tril(jnp.ones((S, S), jnp.float32))[None, None]
    att = jnp.where(mask == 0, -jnp.inf, att)
    att = jax.nn.softmax(att, axis=-1)
    attn_out = (att @ v).transpose(0, 2, 1, 3).reshape(B, S, D) @ Wo + bo
    x = x + attn_out
    h2 = _layernorm(x, ln2_g, ln2_b)
    flat = h2.reshape(-1, D)
    logits = flat @ Wr + br
    router_probs = jax.nn.softmax(logits, axis=-1)
    topk_vals, topk_idx = jax.lax.top_k(logits, K)
    topk_probs = jax.nn.softmax(topk_vals, axis=-1)
    # combine weight per expert (sum over slots where that expert was selected)
    comb = jnp.sum(jax.nn.one_hot(topk_idx, E, dtype=flat.dtype) * topk_probs[..., None], axis=1)  # [T, E]
    # dense all-expert SwiGLU, math-equivalent to masked dispatch since comb==0 for unselected experts
    g = jax.nn.silu(jnp.einsum('td,edf->tef', flat, Wg) + bg)
    u = jnp.einsum('td,edf->tef', flat, Wu) + bu
    eo = jnp.einsum('tef,efd->ted', g * u, Wd) + bd
    moe_out = jnp.einsum('te,ted->td', comb, eo)
    x = x + moe_out.reshape(B, S, D)
    return x, router_probs.reshape(B, S, E), topk_idx.reshape(B, S, K)


def reference(x, ln1_g, ln1_b, ln2_g, ln2_b, Wq, bq, Wk, bk, Wv, bv, Wo, bo, Wr, br, Wg, bg, Wu, bu, Wd, bd):
    return _forward(x, ln1_g, ln1_b, ln2_g, ln2_b, Wq, bq, Wk, bk, Wv, bv, Wo, bo, Wr, br, Wg, bg, Wu, bu, Wd, bd)

if __name__ == "__main__":
    import jax
    _d = setup_inputs()
    print(jax.jit(kernel)(*tuple(_d.values())))

</pallas_src>

<mosaic_0001>
#map = affine_map<(d0, d1) -> (0, 0)>
module attributes {stable_mosaic.version = 14 : i64} {
  func.func @gk(%arg0: i32, %arg1: i32, %arg2: memref<49152x128xf32, #tpu.memory_space<hbm>>, %arg3: memref<1x32768xi32, #tpu.memory_space<hbm>>, %arg4: memref<32768x128xf32, #tpu.memory_space<hbm>>) attributes {dimension_semantics = [#tpu.dimension_semantics<core_parallel>, #tpu.dimension_semantics<subcore_parallel>], iteration_bounds = array<i64: 2, 16>, scalar_prefetch = 0 : i64, scratch_operands = 0 : i64, tpu.core_type = #tpu.core_type<sc_vector_subcore>, window_params = [{transform_indices = #map}, {transform_indices = #map}, {transform_indices = #map}]} {
    %mul3A = arith.constant 1 : i32
    %mul3A_0 = arith.muli %arg1, %mul3A : i32
    %add3A = arith.constant 0 : i32
    %add3A_1 = arith.addi %add3A, %mul3A_0 : i32
    %mul3A_2 = arith.constant 16 : i32
    %mul3A_3 = arith.muli %arg0, %mul3A_2 : i32
    %add3A_4 = arith.addi %add3A_1, %mul3A_3 : i32
    %mul3A_5 = arith.constant 8 : i32
    %mul3A_6 = arith.muli %add3A_4, %mul3A_5 : i32
    "tpu.region"() ({
      %run_scoped3A = memref.alloca() : memref<2x1x128xi32, #tpu.memory_space<vmem>>
      %run_scoped3A_7 = tpu.sem_alloc : memref<2x!tpu.dma_semaphore, #tpu.memory_space<semaphore_mem>>
      %run_scoped3A_8 = memref.alloca() : memref<2x128x128xf32, #tpu.memory_space<vmem>>
      %run_scoped3A_9 = tpu.sem_alloc : memref<2x!tpu.dma_semaphore, #tpu.memory_space<semaphore_mem>>
      %add3A_10 = arith.constant 0 : i32
      %add3A_11 = arith.addi %add3A_10, %mul3A_6 : i32
      %select_n3A = arith.constant true
      %select_n3A_12 = arith.constant 0 : i32
      %select_n3A_13 = arith.constant -1 : i32
      %select_n3A_14 = arith.select %select_n3A, %select_n3A_13, %select_n3A_12 : i32
      %eq3A = arith.constant -1 : i32
      %eq3A_15 = arith.cmpi eq, %select_n3A_14, %eq3A : i32
      %select_n3A_16 = arith.constant 7 : i32
      %select_n3A_17 = arith.select %eq3A_15, %select_n3A_16, %select_n3A_14 : i32
      %add3A_18 = arith.addi %select_n3A_17, %mul3A_6 : i32
      %select_n3A_19 = arith.constant true
      %select_n3A_20 = arith.constant 0 : i32
      %select_n3A_21 = arith.constant 1 : i32
      %select_n3A_22 = arith.select %select_n3A_19, %select_n3A_21, %select_n3A_20 : i32
      %eq3A_23 = arith.constant 8 : i32
      %eq3A_24 = arith.cmpi eq, %select_n3A_22, %eq3A_23 : i32
      %select_n3A_25 = arith.constant 0 : i32
      %select_n3A_26 = arith.select %eq3A_24, %select_n3A_25, %select_n3A_22 : i32
      %add3A_27 = arith.addi %select_n3A_26, %mul3A_6 : i32
      %add3A_28 = arith.constant 1 : i32
      %add3A_29 = arith.addi %select_n3A_26, %add3A_28 : i32
      %select_n3A_30 = arith.constant true
      %select_n3A_31 = arith.select %select_n3A_30, %add3A_29, %select_n3A_26 : i32
      %eq3A_32 = arith.constant 8 : i32
      %eq3A_33 = arith.cmpi eq, %select_n3A_31, %eq3A_32 : i32
      %select_n3A_34 = arith.constant 0 : i32
      %select_n3A_35 = arith.select %eq3A_33, %select_n3A_34, %select_n3A_31 : i32
      %add3A_36 = arith.addi %select_n3A_35, %mul3A_6 : i32
      "tpu.trace_start"() <{level = 10 : i32, message = "ep_initialize_0"}> : () -> ()
      %rem3A = arith.constant 0 : i32
      %rem3A_37 = arith.constant 2 : i32
      %rem3A_38 = arith.remui %rem3A, %rem3A_37 : i32
      %mul3A_39 = arith.constant 128 : i32
      %mul3A_40 = arith.muli %mul3A_39, %add3A_11 : i32
      %dma_start3A = arith.constant 0 : i32
      %dma_start3A_41 = arith.constant 0 : i32
      %dma_start3A_42 = tpu.memref_slice %run_scoped3A[%rem3A_38, %dma_start3A, %dma_start3A_41] : memref<2x1x128xi32, #tpu.memory_space<vmem>> -> memref<1x1x128xi32, #tpu.memory_space<vmem>>
      %dma_start3A_43 = tpu.memref_squeeze %dma_start3A_42 : memref<1x1x128xi32, #tpu.memory_space<vmem>> -> memref<1x128xi32, #tpu.memory_space<vmem>>
      %dma_start3A_44 = arith.constant 0 : i32
      %dma_start3A_45 = tpu.memref_slice %arg3[%dma_start3A_44, %mul3A_40] : memref<1x32768xi32, #tpu.memory_space<hbm>> -> memref<1x128xi32, #tpu.memory_space<hbm>>
      %dma_start3A_46 = tpu.memref_slice %run_scoped3A_7[%rem3A_38] : memref<2x!tpu.dma_semaphore, #tpu.memory_space<semaphore_mem>> -> memref<1x!tpu.dma_semaphore, #tpu.memory_space<semaphore_mem>>
      %dma_start3A_47 = tpu.memref_squeeze %dma_start3A_46 : memref<1x!tpu.dma_semaphore, #tpu.memory_space<semaphore_mem>> -> memref<!tpu.dma_semaphore, #tpu.memory_space<semaphore_mem>>
      %dma_start3A_48 = arith.constant 0 : i32
      %dma_start3A_49 = arith.constant 0 : i32
      %dma_start3A_50 = tpu.memref_slice %run_scoped3A[%rem3A_38, %dma_start3A_48, %dma_start3A_49] : memref<2x1x128xi32, #tpu.memory_space<vmem>> -> memref<1x1x128xi32, #tpu.memory_space<vmem>>
      %dma_start3A_51 = tpu.memref_squeeze %dma_start3A_50 : memref<1x1x128xi32, #tpu.memory_space<vmem>> -> memref<1x128xi32, #tpu.memory_space<vmem>>
      %dma_start3A_52 = arith.constant 0 : i32
      %dma_start3A_53 = tpu.memref_slice %arg3[%dma_start3A_52, %mul3A_40] : memref<1x32768xi32, #tpu.memory_space<hbm>> -> memref<1x128xi32, #tpu.memory_space<hbm>>
      tpu.enqueue_dma source(%dma_start3A_53 : memref<1x128xi32, #tpu.memory_space<hbm>>) target(%dma_start3A_51 : memref<1x128xi32, #tpu.memory_space<vmem>>) target_semaphore(%dma_start3A_47 : memref<!tpu.dma_semaphore, #tpu.memory_space<semaphore_mem>>)
      %add3A_54 = arith.constant 0 : i32
      %add3A_55 = arith.constant 1 : i32
      %add3A_56 = arith.addi %add3A_54, %add3A_55 : i32
      %select_n3A_57 = arith.constant true
      %select_n3A_58 = arith.constant 0 : i32
      %select_n3A_59 = arith.select %select_n3A_57, %add3A_56, %select_n3A_58 : i32
      "tpu.trace_stop"() : () -> ()
      %scan3A = arith.constant 0 : i32
      %scan3A_60 = arith.constant 0 : i32
      %scan3A_61 = arith.constant 0 : i32
      %scan3A_62 = arith.constant 0 : i32
      %scan3A_63 = arith.constant 0 : i32
      %scan3A_64 = arith.constant 8 : i32
      %scan3A_65 = arith.addi %scan3A_63, %scan3A_64 : i32
      %scan3A_66 = arith.constant 1 : i32
      %scan3A_67:5 = scf.for %scan3A_121 = %scan3A_63 to %scan3A_65 step %scan3A_66 iter_args(%scan3A_122 = %select_n3A_59, %scan3A_123 = %scan3A, %scan3A_124 = %scan3A_60, %scan3A_125 = %scan3A_61, %scan3A_126 = %scan3A_62) -> (i32, i32, i32, i32, i32)  : i32 {
        %eq3A_127 = arith.constant 0 : i32
        %eq3A_128 = arith.cmpi eq, %scan3A_121, %eq3A_127 : i32
        %eq3A_129 = arith.constant 7 : i32
        %eq3A_130 = arith.cmpi eq, %scan3A_121, %eq3A_129 : i32
        %add3A_131 = arith.addi %scan3A_126, %mul3A_6 : i32
        %sub3A_132 = arith.constant 1 : i32
        %sub3A_133 = arith.subi %scan3A_126, %sub3A_132 : i32
        %select_n3A_134 = arith.constant true
        %select_n3A_135 = arith.select %select_n3A_134, %sub3A_133, %scan3A_126 : i32
        %eq3A_136 = arith.constant -1 : i32
        %eq3A_137 = arith.cmpi eq, %select_n3A_135, %eq3A_136 : i32
        %select_n3A_138 = arith.constant 7 : i32
        %select_n3A_139 = arith.select %eq3A_137, %select_n3A_138, %select_n3A_135 : i32
        %add3A_140 = arith.addi %select_n3A_139, %mul3A_6 : i32
        %add3A_141 = arith.constant 1 : i32
        %add3A_142 = arith.addi %scan3A_126, %add3A_141 : i32
        %select_n3A_143 = arith.constant true
        %select_n3A_144 = arith.select %select_n3A_143, %add3A_142, %scan3A_126 : i32
        %eq3A_145 = arith.constant 8 : i32
        %eq3A_146 = arith.cmpi eq, %select_n3A_144, %eq3A_145 : i32
        %select_n3A_147 = arith.constant 0 : i32
        %select_n3A_148 = arith.select %eq3A_146, %select_n3A_147, %select_n3A_144 : i32
        %add3A_149 = arith.addi %select_n3A_148, %mul3A_6 : i32
        %add3A_150 = arith.constant 1 : i32
        %add3A_151 = arith.addi %select_n3A_148, %add3A_150 : i32
        %select_n3A_152 = arith.constant true
        %select_n3A_153 = arith.select %select_n3A_152, %add3A_151, %select_n3A_148 : i32
        %eq3A_154 = arith.constant 8 : i32
        %eq3A_155 = arith.cmpi eq, %select_n3A_153, %eq3A_154 : i32
        %select_n3A_156 = arith.constant 0 : i32
        %select_n3A_157 = arith.select %eq3A_155, %select_n3A_156, %select_n3A_153 : i32
        %add3A_158 = arith.addi %select_n3A_157, %mul3A_6 : i32
        %ne3A = arith.cmpi ne, %add3A_131, %add3A_149 : i32
        %or3A = arith.constant false
        %or3A_159 = arith.ori %or3A, %ne3A : i1
        %ge3A = arith.constant 7 : i32
        %ge3A_160 = arith.cmpi sge, %scan3A_121, %ge3A : i32
        %not3A = arith.constant true
        %not3A_161 = arith.xori %ge3A_160, %not3A : i1
        %and3A = arith.andi %or3A_159, %not3A_161 : i1
        %convert_element_type3A = arith.extui %and3A : i1 to i32
        %cond3A = arith.constant 0 : i32
        %cond3A_162 = arith.cmpi ne, %convert_element_type3A, %cond3A : i32
        scf.if %cond3A_162 {
          "tpu.trace_start"() <{level = 10 : i32, message = "ep_copy_in"}> : () -> ()
          %rem3A_264 = arith.constant 2 : i32
          %rem3A_265 = arith.remui %scan3A_122, %rem3A_264 : i32
          %mul3A_266 = arith.constant 128 : i32
          %mul3A_267 = arith.muli %mul3A_266, %add3A_149 : i32
          %dma_start3A_268 = arith.constant 0 : i32
          %dma_start3A_269 = arith.constant 0 : i32
          %dma_start3A_270 = tpu.memref_slice %run_scoped3A[%rem3A_265, %dma_start3A_268, %dma_start3A_269] : memref<2x1x128xi32, #tpu.memory_space<vmem>> -> memref<1x1x128xi32, #tpu.memory_space<vmem>>
          %dma_start3A_271 = tpu.memref_squeeze %dma_start3A_270 : memref<1x1x128xi32, #tpu.memory_space<vmem>> -> memref<1x128xi32, #tpu.memory_space<vmem>>
          %dma_start3A_272 = arith.constant 0 : i32
          %dma_start3A_273 = tpu.memref_slice %arg3[%dma_start3A_272, %mul3A_267] : memref<1x32768xi32, #tpu.memory_space<hbm>> -> memref<1x128xi32, #tpu.memory_space<hbm>>
          %dma_start3A_274 = tpu.memref_slice %run_scoped3A_7[%rem3A_265] : memref<2x!tpu.dma_semaphore, #tpu.memory_space<semaphore_mem>> -> memref<1x!tpu.dma_semaphore, #tpu.memory_space<semaphore_mem>>
          %dma_start3A_275 = tpu.memref_squeeze %dma_start3A_274 : memref<1x!tpu.dma_semaphore, #tpu.memory_space<semaphore_mem>> -> memref<!tpu.dma_semaphore, #tpu.memory_space<semaphore_mem>>
          %dma_start3A_276 = arith.constant 0 : i32
          %dma_start3A_277 = arith.constant 0 : i32
          %dma_start3A_278 = tpu.memref_slice %run_scoped3A[%rem3A_265, %dma_start3A_276, %dma_start3A_277] : memref<2x1x128xi32, #tpu.memory_space<vmem>> -> memref<1x1x128xi32, #tpu.memory_space<vmem>>
          %dma_start3A_279 = tpu.memref_squeeze %dma_start3A_278 : memref<1x1x128xi32, #tpu.memory_space<vmem>> -> memref<1x128xi32, #tpu.memory_space<vmem>>
          %dma_start3A_280 = arith.constant 0 : i32
          %dma_start3A_281 = tpu.memref_slice %arg3[%dma_start3A_280, %mul3A_267] : memref<1x32768xi32, #tpu.memory_space<hbm>> -> memref<1x128xi32, #tpu.memory_space<hbm>>
          tpu.enqueue_dma source(%dma_start3A_281 : memref<1x128xi32, #tpu.memory_space<hbm>>) target(%dma_start3A_279 : memref<1x128xi32, #tpu.memory_space<vmem>>) target_semaphore(%dma_start3A_275 : memref<!tpu.dma_semaphore, #tpu.memory_space<semaphore_mem>>)
          "tpu.trace_stop"() : () -> ()
        } else {
        }
        %and3A_163 = arith.constant true
        %and3A_164 = arith.andi %and3A, %and3A_163 : i1
        %add3A_165 = arith.constant 1 : i32
        %add3A_166 = arith.addi %scan3A_122, %add3A_165 : i32
        %select_n3A_167 = arith.select %and3A_164, %add3A_166, %scan3A_122 : i32
        %ne3A_168 = arith.cmpi ne, %add3A_131, %add3A_149 : i32
        %or3A_169 = arith.constant false
        %or3A_170 = arith.ori %or3A_169, %ne3A_168 : i1
        %or3A_171 = arith.constant false
        %or3A_172 = arith.ori %or3A_170, %or3A_171 : i1
        %ge3A_173 = arith.constant 7 : i32
        %ge3A_174 = arith.cmpi sge, %scan3A_121, %ge3A_173 : i32
        %not3A_175 = arith.constant true
        %not3A_176 = arith.xori %ge3A_174, %not3A_175 : i1
        %and3A_177 = arith.andi %or3A_172, %not3A_176 : i1
        %ne3A_178 = arith.cmpi ne, %add3A_131, %add3A_140 : i32
        %or3A_179 = arith.constant false
        %or3A_180 = arith.ori %or3A_179, %ne3A_178 : i1
        %or3A_181 = arith.ori %or3A_180, %eq3A_128 : i1
        %convert_element_type3A_182 = arith.extui %or3A_181 : i1 to i32
        %cond3A_183 = arith.constant 0 : i32
        %cond3A_184 = arith.cmpi ne, %convert_element_type3A_182, %cond3A_183 : i32
        scf.if %cond3A_184 {
          "tpu.trace_start"() <{level = 10 : i32, message = "ep_wait_in"}> : () -> ()
          %mul3A_264 = arith.constant 128 : i32
          %mul3A_265 = arith.muli %mul3A_264, %add3A_131 : i32
          %rem3A_266 = arith.constant 2 : i32
          %rem3A_267 = arith.remui %scan3A_123, %rem3A_266 : i32
          %dma_wait3A_268 = arith.constant 0 : i32
          %dma_wait3A_269 = arith.constant 0 : i32
          %dma_wait3A_270 = tpu.memref_slice %run_scoped3A[%rem3A_267, %dma_wait3A_268, %dma_wait3A_269] : memref<2x1x128xi32, #tpu.memory_space<vmem>> -> memref<1x1x128xi32, #tpu.memory_space<vmem>>
          %dma_wait3A_271 = tpu.memref_squeeze %dma_wait3A_270 : memref<1x1x128xi32, #tpu.memory_space<vmem>> -> memref<1x128xi32, #tpu.memory_space<vmem>>
          %dma_wait3A_272 = arith.constant 0 : i32
          %dma_wait3A_273 = tpu.memref_slice %arg3[%dma_wait3A_272, %mul3A_265] : memref<1x32768xi32, #tpu.memory_space<hbm>> -> memref<1x128xi32, #tpu.memory_space<hbm>>
          %dma_wait3A_274 = tpu.memref_slice %run_scoped3A_7[%rem3A_267] : memref<2x!tpu.dma_semaphore, #tpu.memory_space<semaphore_mem>> -> memref<1x!tpu.dma_semaphore, #tpu.memory_space<semaphore_mem>>
          %dma_wait3A_275 = tpu.memref_squeeze %dma_wait3A_274 : memref<1x!tpu.dma_semaphore, #tpu.memory_space<semaphore_mem>> -> memref<!tpu.dma_semaphore, #tpu.memory_space<semaphore_mem>>
          %dma_wait3A_276 = arith.constant 0 : i32
          %dma_wait3A_277 = arith.constant 0 : i32
          %dma_wait3A_278 = tpu.memref_slice %run_scoped3A[%rem3A_267, %dma_wait3A_276, %dma_wait3A_277] : memref<2x1x128xi32, #tpu.memory_space<vmem>> -> memref<1x1x128xi32, #tpu.memory_space<vmem>>
          %dma_wait3A_279 = tpu.memref_squeeze %dma_wait3A_278 : memref<1x1x128xi32, #tpu.memory_space<vmem>> -> memref<1x128xi32, #tpu.memory_space<vmem>>
          %dma_wait3A_280 = arith.constant 0 : i32
          %dma_wait3A_281 = tpu.memref_slice %arg3[%dma_wait3A_280, %mul3A_265] : memref<1x32768xi32, #tpu.memory_space<hbm>> -> memref<1x128xi32, #tpu.memory_space<hbm>>
          tpu.wait_dma2 semaphore(%dma_wait3A_275 : memref<!tpu.dma_semaphore, #tpu.memory_space<semaphore_mem>>) src(%dma_wait3A_281 : memref<1x128xi32, #tpu.memory_space<hbm>>) dst(%dma_wait3A_279 : memref<1x128xi32, #tpu.memory_space<vmem>>)
          "tpu.trace_stop"() : () -> ()
        } else {
        }
        %ne3A_185 = arith.cmpi ne, %add3A_131, %add3A_140 : i32
        %or3A_186 = arith.constant false
        %or3A_187 = arith.ori %or3A_186, %ne3A_185 : i1
        %or3A_188 = arith.constant false
        %or3A_189 = arith.ori %or3A_187, %or3A_188 : i1
        %or3A_190 = arith.ori %or3A_189, %eq3A_128 : i1
        %convert_element_type3A_191 = arith.extui %or3A_190 : i1 to i32
        %cond3A_192 = arith.constant 0 : i32
        %cond3A_193 = arith.cmpi ne, %convert_element_type3A_191, %cond3A_192 : i32
        scf.if %cond3A_193 {
        } else {
        }
        %rem3A_194 = arith.constant 2 : i32
        %rem3A_195 = arith.remui %scan3A_123, %rem3A_194 : i32
        %rem3A_196 = arith.constant 2 : i32
        %rem3A_197 = arith.remui %scan3A_124, %rem3A_196 : i32
        %run_scoped3A_198 = arith.constant 0 : i32
        "tpu.trace_start"() <{level = 10 : i32, message = "ep_run_kernel"}> : () -> ()
        "tpu.region"() ({
          %run_scoped3A_264 = tpu.sem_alloc : memref<!tpu.dma_semaphore, #tpu.memory_space<semaphore_mem>>
          %dma_start3A_265 = arith.constant 0 : i32
          %dma_start3A_266 = arith.constant 0 : i32
          %dma_start3A_267 = tpu.memref_slice %run_scoped3A_8[%rem3A_197, %dma_start3A_265, %dma_start3A_266] : memref<2x128x128xf32, #tpu.memory_space<vmem>> -> memref<1x128x128xf32, #tpu.memory_space<vmem>>
          %dma_start3A_268 = tpu.memref_squeeze %dma_start3A_267 : memref<1x128x128xf32, #tpu.memory_space<vmem>> -> memref<128x128xf32, #tpu.memory_space<vmem>>
          %dma_start3A_269 = arith.constant 0 : i32
          %dma_start3A_270 = arith.constant 0 : i32
          %dma_start3A_271 = tpu.memref_slice %run_scoped3A[%rem3A_195, %dma_start3A_269, %dma_start3A_270] : memref<2x1x128xi32, #tpu.memory_space<vmem>> -> memref<1x1x128xi32, #tpu.memory_space<vmem>>
          %dma_start3A_272 = tpu.memref_squeeze %dma_start3A_271 : memref<1x1x128xi32, #tpu.memory_space<vmem>> -> memref<1x128xi32, #tpu.memory_space<vmem>>
          %dma_start3A_273 = arith.constant 0 : i32
          %dma_start3A_274 = tpu.memref_slice %dma_start3A_272[%run_scoped3A_198, %dma_start3A_273] : memref<1x128xi32, #tpu.memory_space<vmem>> -> memref<1x128xi32, #tpu.memory_space<vmem>>
          %dma_start3A_275 = tpu.memref_squeeze %dma_start3A_274 : memref<1x128xi32, #tpu.memory_space<vmem>> -> memref<128xi32, #tpu.memory_space<vmem>>
          %dma_start3A_276 = arith.constant 0 : i32
          %dma_start3A_277 = arith.constant 0 : i32
          %dma_start3A_278 = tpu.memref_slice %arg2[%dma_start3A_276, %dma_start3A_277] : memref<49152x128xf32, #tpu.memory_space<hbm>> -> memref<49152x128xf32, #tpu.memory_space<hbm>>
          tpu.enqueue_indirect_dma source(%dma_start3A_278 : memref<49152x128xf32, #tpu.memory_space<hbm>>) target(%dma_start3A_268 : memref<128x128xf32, #tpu.memory_space<vmem>>) offsets(%dma_start3A_275 : memref<128xi32, #tpu.memory_space<vmem>>) semaphore(%run_scoped3A_264 : memref<!tpu.dma_semaphore, #tpu.memory_space<semaphore_mem>>)
          %dma_wait3A_279 = arith.constant 0 : i32
          %dma_wait3A_280 = arith.constant 0 : i32
          %dma_wait3A_281 = tpu.memref_slice %run_scoped3A_8[%rem3A_197, %dma_wait3A_279, %dma_wait3A_280] : memref<2x128x128xf32, #tpu.memory_space<vmem>> -> memref<1x128x128xf32, #tpu.memory_space<vmem>>
          %dma_wait3A_282 = tpu.memref_squeeze %dma_wait3A_281 : memref<1x128x128xf32, #tpu.memory_space<vmem>> -> memref<128x128xf32, #tpu.memory_space<vmem>>
          %dma_wait3A_283 = arith.constant 0 : i32
          %dma_wait3A_284 = arith.constant 0 : i32
          %dma_wait3A_285 = tpu.memref_slice %run_scoped3A[%rem3A_195, %dma_wait3A_283, %dma_wait3A_284] : memref<2x1x128xi32, #tpu.memory_space<vmem>> -> memref<1x1x128xi32, #tpu.memory_space<vmem>>
          %dma_wait3A_286 = tpu.memref_squeeze %dma_wait3A_285 : memref<1x1x128xi32, #tpu.memory_space<vmem>> -> memref<1x128xi32, #tpu.memory_space<vmem>>
          %dma_wait3A_287 = arith.constant 0 : i32
          %dma_wait3A_288 = tpu.memref_slice %dma_wait3A_286[%run_scoped3A_198, %dma_wait3A_287] : memref<1x128xi32, #tpu.memory_space<vmem>> -> memref<1x128xi32, #tpu.memory_space<vmem>>
          %dma_wait3A_289 = tpu.memref_squeeze %dma_wait3A_288 : memref<1x128xi32, #tpu.memory_space<vmem>> -> memref<128xi32, #tpu.memory_space<vmem>>
          %dma_wait3A_290 = arith.constant 0 : i32
          %dma_wait3A_291 = arith.constant 0 : i32
          %dma_wait3A_292 = tpu.memref_slice %arg2[%dma_wait3A_290, %dma_wait3A_291] : memref<49152x128xf32, #tpu.memory_space<hbm>> -> memref<49152x128xf32, #tpu.memory_space<hbm>>
          tpu.wait_indirect_dma semaphore(%run_scoped3A_264 : memref<!tpu.dma_semaphore, #tpu.memory_space<semaphore_mem>>) src(%dma_wait3A_292 : memref<49152x128xf32, #tpu.memory_space<hbm>>) dst(%dma_wait3A_282 : memref<128x128xf32, #tpu.memory_space<vmem>>)
          tpu.yield
        }) : () -> ()
        "tpu.trace_stop"() : () -> ()
        %ne3A_199 = arith.cmpi ne, %add3A_131, %add3A_149 : i32
        %or3A_200 = arith.constant false
        %or3A_201 = arith.ori %or3A_200, %ne3A_199 : i1
        %or3A_202 = arith.ori %or3A_201, %eq3A_130 : i1
        %convert_element_type3A_203 = arith.extui %or3A_202 : i1 to i32
        %cond3A_204 = arith.constant 0 : i32
        %cond3A_205 = arith.cmpi ne, %convert_element_type3A_203, %cond3A_204 : i32
        scf.if %cond3A_205 {
        } else {
        }
        %and3A_206 = arith.constant false
        %and3A_207 = arith.andi %or3A_202, %and3A_206 : i1
        %ne3A_208 = arith.cmpi ne, %add3A_131, %add3A_149 : i32
        %or3A_209 = arith.constant false
        %or3A_210 = arith.ori %or3A_209, %ne3A_208 : i1
        %or3A_211 = arith.constant false
        %or3A_212 = arith.ori %or3A_210, %or3A_211 : i1
        %or3A_213 = arith.ori %or3A_212, %eq3A_130 : i1
        %convert_element_type3A_214 = arith.extui %or3A_213 : i1 to i32
        %cond3A_215 = arith.constant 0 : i32
        %cond3A_216 = arith.cmpi ne, %convert_element_type3A_214, %cond3A_215 : i32
        scf.if %cond3A_216 {
          "tpu.trace_start"() <{level = 10 : i32, message = "ep_copy_out"}> : () -> ()
          %rem3A_264 = arith.constant 2 : i32
          %rem3A_265 = arith.remui %scan3A_124, %rem3A_264 : i32
          %mul3A_266 = arith.constant 128 : i32
          %mul3A_267 = arith.muli %mul3A_266, %add3A_131 : i32
          %dma_start3A_268 = arith.constant 0 : i32
          %dma_start3A_269 = arith.constant 0 : i32
          %dma_start3A_270 = tpu.memref_slice %run_scoped3A_8[%rem3A_265, %dma_start3A_268, %dma_start3A_269] : memref<2x128x128xf32, #tpu.memory_space<vmem>> -> memref<1x128x128xf32, #tpu.memory_space<vmem>>
          %dma_start3A_271 = tpu.memref_squeeze %dma_start3A_270 : memref<1x128x128xf32, #tpu.memory_space<vmem>> -> memref<128x128xf32, #tpu.memory_space<vmem>>
          %dma_start3A_272 = arith.constant 0 : i32
          %dma_start3A_273 = tpu.memref_slice %arg4[%mul3A_267, %dma_start3A_272] : memref<32768x128xf32, #tpu.memory_space<hbm>> -> memref<128x128xf32, #tpu.memory_space<hbm>>
          %dma_start3A_274 = tpu.memref_slice %run_scoped3A_9[%rem3A_265] : memref<2x!tpu.dma_semaphore, #tpu.memory_space<semaphore_mem>> -> memref<1x!tpu.dma_semaphore, #tpu.memory_space<semaphore_mem>>
          %dma_start3A_275 = tpu.memref_squeeze %dma_start3A_274 : memref<1x!tpu.dma_semaphore, #tpu.memory_space<semaphore_mem>> -> memref<!tpu.dma_semaphore, #tpu.memory_space<semaphore_mem>>
          %dma_start3A_276 = arith.constant 0 : i32
          %dma_start3A_277 = tpu.memref_slice %arg4[%mul3A_267, %dma_start3A_276] : memref<32768x128xf32, #tpu.memory_space<hbm>> -> memref<128x128xf32, #tpu.memory_space<hbm>>
          %dma_start3A_278 = arith.constant 0 : i32
          %dma_start3A_279 = arith.constant 0 : i32
          %dma_start3A_280 = tpu.memref_slice %run_scoped3A_8[%rem3A_265, %dma_start3A_278, %dma_start3A_279] : memref<2x128x128xf32, #tpu.memory_space<vmem>> -> memref<1x128x128xf32, #tpu.memory_space<vmem>>
          %dma_start3A_281 = tpu.memref_squeeze %dma_start3A_280 : memref<1x128x128xf32, #tpu.memory_space<vmem>> -> memref<128x128xf32, #tpu.memory_space<vmem>>
          tpu.enqueue_dma source(%dma_start3A_281 : memref<128x128xf32, #tpu.memory_space<vmem>>) target(%dma_start3A_277 : memref<128x128xf32, #tpu.memory_space<hbm>>) target_semaphore(%dma_start3A_275 : memref<!tpu.dma_semaphore, #tpu.memory_space<semaphore_mem>>)
          "tpu.trace_stop"() : () -> ()
        } else {
        }
        %and3A_217 = arith.constant true
        %and3A_218 = arith.andi %or3A_213, %and3A_217 : i1
        %add3A_219 = arith.constant 1 : i32
        %add3A_220 = arith.addi %scan3A_124, %add3A_219 : i32
        %select_n3A_221 = arith.select %and3A_218, %add3A_220, %scan3A_124 : i32
        %ne3A_222 = arith.cmpi ne, %add3A_131, %add3A_140 : i32
        %or3A_223 = arith.constant false
        %or3A_224 = arith.ori %or3A_223, %ne3A_222 : i1
        %not3A_225 = arith.constant true
        %not3A_226 = arith.xori %eq3A_128, %not3A_225 : i1
        %and3A_227 = arith.andi %or3A_224, %not3A_226 : i1
        %convert_element_type3A_228 = arith.extui %and3A_227 : i1 to i32
        %cond3A_229 = arith.constant 0 : i32
        %cond3A_230 = arith.cmpi ne, %convert_element_type3A_228, %cond3A_229 : i32
        scf.if %cond3A_230 {
        } else {
        }
        %and3A_231 = arith.constant false
        %and3A_232 = arith.andi %and3A_227, %and3A_231 : i1
        %ne3A_233 = arith.cmpi ne, %add3A_131, %add3A_140 : i32
        %or3A_234 = arith.constant false
        %or3A_235 = arith.ori %or3A_234, %ne3A_233 : i1
        %or3A_236 = arith.constant false
        %or3A_237 = arith.ori %or3A_235, %or3A_236 : i1
        %not3A_238 = arith.constant true
        %not3A_239 = arith.xori %eq3A_128, %not3A_238 : i1
        %and3A_240 = arith.andi %or3A_237, %not3A_239 : i1
        %convert_element_type3A_241 = arith.extui %and3A_240 : i1 to i32
        %cond3A_242 = arith.constant 0 : i32
        %cond3A_243 = arith.cmpi ne, %convert_element_type3A_241, %cond3A_242 : i32
        scf.if %cond3A_243 {
          "tpu.trace_start"() <{level = 10 : i32, message = "ep_wait_out"}> : () -> ()
          %rem3A_264 = arith.constant 2 : i32
          %rem3A_265 = arith.remui %scan3A_125, %rem3A_264 : i32
          %mul3A_266 = arith.constant 128 : i32
          %mul3A_267 = arith.muli %mul3A_266, %add3A_140 : i32
          %dma_wait3A_268 = arith.constant 0 : i32
          %dma_wait3A_269 = arith.constant 0 : i32
          %dma_wait3A_270 = tpu.memref_slice %run_scoped3A_8[%rem3A_265, %dma_wait3A_268, %dma_wait3A_269] : memref<2x128x128xf32, #tpu.memory_space<vmem>> -> memref<1x128x128xf32, #tpu.memory_space<vmem>>
          %dma_wait3A_271 = tpu.memref_squeeze %dma_wait3A_270 : memref<1x128x128xf32, #tpu.memory_space<vmem>> -> memref<128x128xf32, #tpu.memory_space<vmem>>
          %dma_wait3A_272 = arith.constant 0 : i32
          %dma_wait3A_273 = tpu.memref_slice %arg4[%mul3A_267, %dma_wait3A_272] : memref<32768x128xf32, #tpu.memory_space<hbm>> -> memref<128x128xf32, #tpu.memory_space<hbm>>
          %dma_wait3A_274 = tpu.memref_slice %run_scoped3A_9[%rem3A_265] : memref<2x!tpu.dma_semaphore, #tpu.memory_space<semaphore_mem>> -> memref<1x!tpu.dma_semaphore, #tpu.memory_space<semaphore_mem>>
          %dma_wait3A_275 = tpu.memref_squeeze %dma_wait3A_274 : memref<1x!tpu.dma_semaphore, #tpu.memory_space<semaphore_mem>> -> memref<!tpu.dma_semaphore, #tpu.memory_space<semaphore_mem>>
          %dma_wait3A_276 = arith.constant 0 : i32
          %dma_wait3A_277 = tpu.memref_slice %arg4[%mul3A_267, %dma_wait3A_276] : memref<32768x128xf32, #tpu.memory_space<hbm>> -> memref<128x128xf32, #tpu.memory_space<hbm>>
          %dma_wait3A_278 = arith.constant 0 : i32
          %dma_wait3A_279 = arith.constant 0 : i32
          %dma_wait3A_280 = tpu.memref_slice %run_scoped3A_8[%rem3A_265, %dma_wait3A_278, %dma_wait3A_279] : memref<2x128x128xf32, #tpu.memory_space<vmem>> -> memref<1x128x128xf32, #tpu.memory_space<vmem>>
          %dma_wait3A_281 = tpu.memref_squeeze %dma_wait3A_280 : memref<1x128x128xf32, #tpu.memory_space<vmem>> -> memref<128x128xf32, #tpu.memory_space<vmem>>
          tpu.wait_dma2 semaphore(%dma_wait3A_275 : memref<!tpu.dma_semaphore, #tpu.memory_space<semaphore_mem>>) src(%dma_wait3A_281 : memref<128x128xf32, #tpu.memory_space<vmem>>) dst(%dma_wait3A_277 : memref<128x128xf32, #tpu.memory_space<hbm>>)
          "tpu.trace_stop"() : () -> ()
        } else {
        }
        %and3A_244 = arith.constant true
        %and3A_245 = arith.andi %and3A_240, %and3A_244 : i1
        %add3A_246 = arith.constant 1 : i32
        %add3A_247 = arith.addi %scan3A_125, %add3A_246 : i32
        %select_n3A_248 = arith.select %and3A_245, %add3A_247, %scan3A_125 : i32
        %ne3A_249 = arith.cmpi ne, %add3A_131, %add3A_149 : i32
        %or3A_250 = arith.constant false
        %or3A_251 = arith.ori %or3A_250, %ne3A_249 : i1
        %or3A_252 = arith.ori %or3A_251, %eq3A_130 : i1
        %add3A_253 = arith.constant 1 : i32
        %add3A_254 = arith.addi %scan3A_123, %add3A_253 : i32
        %select_n3A_255 = arith.select %or3A_252, %add3A_254, %scan3A_123 : i32
        %add3A_256 = arith.constant 1 : i32
        %add3A_257 = arith.addi %scan3A_126, %add3A_256 : i32
        %select_n3A_258 = arith.constant true
        %select_n3A_259 = arith.select %select_n3A_258, %add3A_257, %scan3A_126 : i32
        %eq3A_260 = arith.constant 8 : i32
        %eq3A_261 = arith.cmpi eq, %select_n3A_259, %eq3A_260 : i32
        %select_n3A_262 = arith.constant 0 : i32
        %select_n3A_263 = arith.select %eq3A_261, %select_n3A_262, %select_n3A_259 : i32
        scf.yield %select_n3A_167, %select_n3A_255, %select_n3A_221, %select_n3A_248, %select_n3A_263 : i32, i32, i32, i32, i32
      }
      %scan3A_68 = arith.constant 8 : i32
      %sub3A = arith.constant 1 : i32
      %sub3A_69 = arith.subi %scan3A_67#4, %sub3A : i32
      %select_n3A_70 = arith.constant true
      %select_n3A_71 = arith.select %select_n3A_70, %sub3A_69, %scan3A_67#4 : i32
      %eq3A_72 = arith.constant -1 : i32
      %eq3A_73 = arith.cmpi eq, %select_n3A_71, %eq3A_72 : i32
      %select_n3A_74 = arith.constant 7 : i32
      %select_n3A_75 = arith.select %eq3A_73, %select_n3A_74, %select_n3A_71 : i32
      %add3A_76 = arith.addi %select_n3A_75, %mul3A_6 : i32
      %sub3A_77 = arith.constant 1 : i32
      %sub3A_78 = arith.subi %select_n3A_75, %sub3A_77 : i32
      %select_n3A_79 = arith.constant true
      %select_n3A_80 = arith.select %select_n3A_79, %sub3A_78, %select_n3A_75 : i32
      %eq3A_81 = arith.constant -1 : i32
      %eq3A_82 = arith.cmpi eq, %select_n3A_80, %eq3A_81 : i32
      %select_n3A_83 = arith.constant 7 : i32
      %select_n3A_84 = arith.select %eq3A_82, %select_n3A_83, %select_n3A_80 : i32
      %add3A_85 = arith.addi %select_n3A_84, %mul3A_6 : i32
      %add3A_86 = arith.constant 1 : i32
      %add3A_87 = arith.addi %select_n3A_75, %add3A_86 : i32
      %select_n3A_88 = arith.constant true
      %select_n3A_89 = arith.select %select_n3A_88, %add3A_87, %select_n3A_75 : i32
      %eq3A_90 = arith.constant 8 : i32
      %eq3A_91 = arith.cmpi eq, %select_n3A_89, %eq3A_90 : i32
      %select_n3A_92 = arith.constant 0 : i32
      %select_n3A_93 = arith.select %eq3A_91, %select_n3A_92, %select_n3A_89 : i32
      %add3A_94 = arith.addi %select_n3A_93, %mul3A_6 : i32
      %add3A_95 = arith.constant 1 : i32
      %add3A_96 = arith.addi %select_n3A_93, %add3A_95 : i32
      %select_n3A_97 = arith.constant true
      %select_n3A_98 = arith.select %select_n3A_97, %add3A_96, %select_n3A_93 : i32
      %eq3A_99 = arith.constant 8 : i32
      %eq3A_100 = arith.cmpi eq, %select_n3A_98, %eq3A_99 : i32
      %select_n3A_101 = arith.constant 0 : i32
      %select_n3A_102 = arith.select %eq3A_100, %select_n3A_101, %select_n3A_98 : i32
      %add3A_103 = arith.addi %select_n3A_102, %mul3A_6 : i32
      "tpu.trace_start"() <{level = 10 : i32, message = "ep_finalize"}> : () -> ()
      %rem3A_104 = arith.constant 2 : i32
      %rem3A_105 = arith.remui %scan3A_67#3, %rem3A_104 : i32
      %mul3A_106 = arith.constant 128 : i32
      %mul3A_107 = arith.muli %mul3A_106, %add3A_76 : i32
      %dma_wait3A = arith.constant 0 : i32
      %dma_wait3A_108 = arith.constant 0 : i32
      %dma_wait3A_109 = tpu.memref_slice %run_scoped3A_8[%rem3A_105, %dma_wait3A, %dma_wait3A_108] : memref<2x128x128xf32, #tpu.memory_space<vmem>> -> memref<1x128x128xf32, #tpu.memory_space<vmem>>
      %dma_wait3A_110 = tpu.memref_squeeze %dma_wait3A_109 : memref<1x128x128xf32, #tpu.memory_space<vmem>> -> memref<128x128xf32, #tpu.memory_space<vmem>>
      %dma_wait3A_111 = arith.constant 0 : i32
      %dma_wait3A_112 = tpu.memref_slice %arg4[%mul3A_107, %dma_wait3A_111] : memref<32768x128xf32, #tpu.memory_space<hbm>> -> memref<128x128xf32, #tpu.memory_space<hbm>>
      %dma_wait3A_113 = tpu.memref_slice %run_scoped3A_9[%rem3A_105] : memref<2x!tpu.dma_semaphore, #tpu.memory_space<semaphore_mem>> -> memref<1x!tpu.dma_semaphore, #tpu.memory_space<semaphore_mem>>
      %dma_wait3A_114 = tpu.memref_squeeze %dma_wait3A_113 : memref<1x!tpu.dma_semaphore, #tpu.memory_space<semaphore_mem>> -> memref<!tpu.dma_semaphore, #tpu.memory_space<semaphore_mem>>
      %dma_wait3A_115 = arith.constant 0 : i32
      %dma_wait3A_116 = tpu.memref_slice %arg4[%mul3A_107, %dma_wait3A_115] : memref<32768x128xf32, #tpu.memory_space<hbm>> -> memref<128x128xf32, #tpu.memory_space<hbm>>
      %dma_wait3A_117 = arith.constant 0 : i32
      %dma_wait3A_118 = arith.constant 0 : i32
      %dma_wait3A_119 = tpu.memref_slice %run_scoped3A_8[%rem3A_105, %dma_wait3A_117, %dma_wait3A_118] : memref<2x128x128xf32, #tpu.memory_space<vmem>> -> memref<1x128x128xf32, #tpu.memory_space<vmem>>
      %dma_wait3A_120 = tpu.memref_squeeze %dma_wait3A_119 : memref<1x128x128xf32, #tpu.memory_space<vmem>> -> memref<128x128xf32, #tpu.memory_space<vmem>>
      tpu.wait_dma2 semaphore(%dma_wait3A_114 : memref<!tpu.dma_semaphore, #tpu.memory_space<semaphore_mem>>) src(%dma_wait3A_120 : memref<128x128xf32, #tpu.memory_space<vmem>>) dst(%dma_wait3A_116 : memref<128x128xf32, #tpu.memory_space<hbm>>)
      "tpu.trace_stop"() : () -> ()
      tpu.yield
    }) : () -> ()
    return
  }
}

#map = affine_map<(d0, d1) -> (0, 0)>
module attributes {stable_mosaic.version = 14 : i64} {
  func.func @gk(%arg0: i32, %arg1: i32, %arg2: memref<16384x128xf32, #tpu.memory_space<hbm>>, %arg3: memref<1x49152xi32, #tpu.memory_space<hbm>>, %arg4: memref<49152x128xf32, #tpu.memory_space<hbm>>) attributes {dimension_semantics = [#tpu.dimension_semantics<core_parallel>, #tpu.dimension_semantics<subcore_parallel>], iteration_bounds = array<i64: 2, 16>, scalar_prefetch = 0 : i64, scratch_operands = 0 : i64, tpu.core_type = #tpu.core_type<sc_vector_subcore>, window_params = [{transform_indices = #map}, {transform_indices = #map}, {transform_indices = #map}]} {
    %mul3A = arith.constant 1 : i32
    %mul3A_0 = arith.muli %arg1, %mul3A : i32
    %add3A = arith.constant 0 : i32
    %add3A_1 = arith.addi %add3A, %mul3A_0 : i32
    %mul3A_2 = arith.constant 16 : i32
    %mul3A_3 = arith.muli %arg0, %mul3A_2 : i32
    %add3A_4 = arith.addi %add3A_1, %mul3A_3 : i32
    %mul3A_5 = arith.constant 12 : i32
    %mul3A_6 = arith.muli %add3A_4, %mul3A_5 : i32
    "tpu.region"() ({
      %run_scoped3A = memref.alloca() : memref<2x1x128xi32, #tpu.memory_space<vmem>>
      %run_scoped3A_7 = tpu.sem_alloc : memref<2x!tpu.dma_semaphore, #tpu.memory_space<semaphore_mem>>
      %run_scoped3A_8 = memref.alloca() : memref<2x128x128xf32, #tpu.memory_space<vmem>>
      %run_scoped3A_9 = tpu.sem_alloc : memref<2x!tpu.dma_semaphore, #tpu.memory_space<semaphore_mem>>
      %add3A_10 = arith.constant 0 : i32
      %add3A_11 = arith.addi %add3A_10, %mul3A_6 : i32
      %select_n3A = arith.constant true
      %select_n3A_12 = arith.constant 0 : i32
      %select_n3A_13 = arith.constant -1 : i32
      %select_n3A_14 = arith.select %select_n3A, %select_n3A_13, %select_n3A_12 : i32
      %eq3A = arith.constant -1 : i32
      %eq3A_15 = arith.cmpi eq, %select_n3A_14, %eq3A : i32
      %select_n3A_16 = arith.constant 11 : i32
      %select_n3A_17 = arith.select %eq3A_15, %select_n3A_16, %select_n3A_14 : i32
      %add3A_18 = arith.addi %select_n3A_17, %mul3A_6 : i32
      %select_n3A_19 = arith.constant true
      %select_n3A_20 = arith.constant 0 : i32
      %select_n3A_21 = arith.constant 1 : i32
      %select_n3A_22 = arith.select %select_n3A_19, %select_n3A_21, %select_n3A_20 : i32
      %eq3A_23 = arith.constant 12 : i32
      %eq3A_24 = arith.cmpi eq, %select_n3A_22, %eq3A_23 : i32
      %select_n3A_25 = arith.constant 0 : i32
      %select_n3A_26 = arith.select %eq3A_24, %select_n3A_25, %select_n3A_22 : i32
      %add3A_27 = arith.addi %select_n3A_26, %mul3A_6 : i32
      %add3A_28 = arith.constant 1 : i32
      %add3A_29 = arith.addi %select_n3A_26, %add3A_28 : i32
      %select_n3A_30 = arith.constant true
      %select_n3A_31 = arith.select %select_n3A_30, %add3A_29, %select_n3A_26 : i32
      %eq3A_32 = arith.constant 12 : i32
      %eq3A_33 = arith.cmpi eq, %select_n3A_31, %eq3A_32 : i32
      %select_n3A_34 = arith.constant 0 : i32
      %select_n3A_35 = arith.select %eq3A_33, %select_n3A_34, %select_n3A_31 : i32
      %add3A_36 = arith.addi %select_n3A_35, %mul3A_6 : i32
      "tpu.trace_start"() <{level = 10 : i32, message = "ep_initialize_0"}> : () -> ()
      %rem3A = arith.constant 0 : i32
      %rem3A_37 = arith.constant 2 : i32
      %rem3A_38 = arith.remui %rem3A, %rem3A_37 : i32
      %mul3A_39 = arith.constant 128 : i32
      %mul3A_40 = arith.muli %mul3A_39, %add3A_11 : i32
      %dma_start3A = arith.constant 0 : i32
      %dma_start3A_41 = arith.constant 0 : i32
      %dma_start3A_42 = tpu.memref_slice %run_scoped3A[%rem3A_38, %dma_start3A, %dma_start3A_41] : memref<2x1x128xi32, #tpu.memory_space<vmem>> -> memref<1x1x128xi32, #tpu.memory_space<vmem>>
      %dma_start3A_43 = tpu.memref_squeeze %dma_start3A_42 : memref<1x1x128xi32, #tpu.memory_space<vmem>> -> memref<1x128xi32, #tpu.memory_space<vmem>>
      %dma_start3A_44 = arith.constant 0 : i32
      %dma_start3A_45 = tpu.memref_slice %arg3[%dma_start3A_44, %mul3A_40] : memref<1x49152xi32, #tpu.memory_space<hbm>> -> memref<1x128xi32, #tpu.memory_space<hbm>>
      %dma_start3A_46 = tpu.memref_slice %run_scoped3A_7[%rem3A_38] : memref<2x!tpu.dma_semaphore, #tpu.memory_space<semaphore_mem>> -> memref<1x!tpu.dma_semaphore, #tpu.memory_space<semaphore_mem>>
      %dma_start3A_47 = tpu.memref_squeeze %dma_start3A_46 : memref<1x!tpu.dma_semaphore, #tpu.memory_space<semaphore_mem>> -> memref<!tpu.dma_semaphore, #tpu.memory_space<semaphore_mem>>
      %dma_start3A_48 = arith.constant 0 : i32
      %dma_start3A_49 = arith.constant 0 : i32
      %dma_start3A_50 = tpu.memref_slice %run_scoped3A[%rem3A_38, %dma_start3A_48, %dma_start3A_49] : memref<2x1x128xi32, #tpu.memory_space<vmem>> -> memref<1x1x128xi32, #tpu.memory_space<vmem>>
      %dma_start3A_51 = tpu.memref_squeeze %dma_start3A_50 : memref<1x1x128xi32, #tpu.memory_space<vmem>> -> memref<1x128xi32, #tpu.memory_space<vmem>>
      %dma_start3A_52 = arith.constant 0 : i32
      %dma_start3A_53 = tpu.memref_slice %arg3[%dma_start3A_52, %mul3A_40] : memref<1x49152xi32, #tpu.memory_space<hbm>> -> memref<1x128xi32, #tpu.memory_space<hbm>>
      tpu.enqueue_dma source(%dma_start3A_53 : memref<1x128xi32, #tpu.memory_space<hbm>>) target(%dma_start3A_51 : memref<1x128xi32, #tpu.memory_space<vmem>>) target_semaphore(%dma_start3A_47 : memref<!tpu.dma_semaphore, #tpu.memory_space<semaphore_mem>>)
      %add3A_54 = arith.constant 0 : i32
      %add3A_55 = arith.constant 1 : i32
      %add3A_56 = arith.addi %add3A_54, %add3A_55 : i32
      %select_n3A_57 = arith.constant true
      %select_n3A_58 = arith.constant 0 : i32
      %select_n3A_59 = arith.select %select_n3A_57, %add3A_56, %select_n3A_58 : i32
      "tpu.trace_stop"() : () -> ()
      %scan3A = arith.constant 0 : i32
      %scan3A_60 = arith.constant 0 : i32
      %scan3A_61 = arith.constant 0 : i32
      %scan3A_62 = arith.constant 0 : i32
      %scan3A_63 = arith.constant 0 : i32
      %scan3A_64 = arith.constant 12 : i32
      %scan3A_65 = arith.addi %scan3A_63, %scan3A_64 : i32
      %scan3A_66 = arith.constant 1 : i32
      %scan3A_67:5 = scf.for %scan3A_121 = %scan3A_63 to %scan3A_65 step %scan3A_66 iter_args(%scan3A_122 = %select_n3A_59, %scan3A_123 = %scan3A, %scan3A_124 = %scan3A_60, %scan3A_125 = %scan3A_61, %scan3A_126 = %scan3A_62) -> (i32, i32, i32, i32, i32)  : i32 {
        %eq3A_127 = arith.constant 0 : i32
        %eq3A_128 = arith.cmpi eq, %scan3A_121, %eq3A_127 : i32
        %eq3A_129 = arith.constant 11 : i32
        %eq3A_130 = arith.cmpi eq, %scan3A_121, %eq3A_129 : i32
        %add3A_131 = arith.addi %scan3A_126, %mul3A_6 : i32
        %sub3A_132 = arith.constant 1 : i32
        %sub3A_133 = arith.subi %scan3A_126, %sub3A_132 : i32
        %select_n3A_134 = arith.constant true
        %select_n3A_135 = arith.select %select_n3A_134, %sub3A_133, %scan3A_126 : i32
        %eq3A_136 = arith.constant -1 : i32
        %eq3A_137 = arith.cmpi eq, %select_n3A_135, %eq3A_136 : i32
        %select_n3A_138 = arith.constant 11 : i32
        %select_n3A_139 = arith.select %eq3A_137, %select_n3A_138, %select_n3A_135 : i32
        %add3A_140 = arith.addi %select_n3A_139, %mul3A_6 : i32
        %add3A_141 = arith.constant 1 : i32
        %add3A_142 = arith.addi %scan3A_126, %add3A_141 : i32
        %select_n3A_143 = arith.constant true
        %select_n3A_144 = arith.select %select_n3A_143, %add3A_142, %scan3A_126 : i32
        %eq3A_145 = arith.constant 12 : i32
        %eq3A_146 = arith.cmpi eq, %select_n3A_144, %eq3A_145 : i32
        %select_n3A_147 = arith.constant 0 : i32
        %select_n3A_148 = arith.select %eq3A_146, %select_n3A_147, %select_n3A_144 : i32
        %add3A_149 = arith.addi %select_n3A_148, %mul3A_6 : i32
        %add3A_150 = arith.constant 1 : i32
        %add3A_151 = arith.addi %select_n3A_148, %add3A_150 : i32
        %select_n3A_152 = arith.constant true
        %select_n3A_153 = arith.select %select_n3A_152, %add3A_151, %select_n3A_148 : i32
        %eq3A_154 = arith.constant 12 : i32
        %eq3A_155 = arith.cmpi eq, %select_n3A_153, %eq3A_154 : i32
        %select_n3A_156 = arith.constant 0 : i32
        %select_n3A_157 = arith.select %eq3A_155, %select_n3A_156, %select_n3A_153 : i32
        %add3A_158 = arith.addi %select_n3A_157, %mul3A_6 : i32
        %ne3A = arith.cmpi ne, %add3A_131, %add3A_149 : i32
        %or3A = arith.constant false
        %or3A_159 = arith.ori %or3A, %ne3A : i1
        %ge3A = arith.constant 11 : i32
        %ge3A_160 = arith.cmpi sge, %scan3A_121, %ge3A : i32
        %not3A = arith.constant true
        %not3A_161 = arith.xori %ge3A_160, %not3A : i1
        %and3A = arith.andi %or3A_159, %not3A_161 : i1
        %convert_element_type3A = arith.extui %and3A : i1 to i32
        %cond3A = arith.constant 0 : i32
        %cond3A_162 = arith.cmpi ne, %convert_element_type3A, %cond3A : i32
        scf.if %cond3A_162 {
          "tpu.trace_start"() <{level = 10 : i32, message = "ep_copy_in"}> : () -> ()
          %rem3A_264 = arith.constant 2 : i32
          %rem3A_265 = arith.remui %scan3A_122, %rem3A_264 : i32
          %mul3A_266 = arith.constant 128 : i32
          %mul3A_267 = arith.muli %mul3A_266, %add3A_149 : i32
          %dma_start3A_268 = arith.constant 0 : i32
          %dma_start3A_269 = arith.constant 0 : i32
          %dma_start3A_270 = tpu.memref_slice %run_scoped3A[%rem3A_265, %dma_start3A_268, %dma_start3A_269] : memref<2x1x128xi32, #tpu.memory_space<vmem>> -> memref<1x1x128xi32, #tpu.memory_space<vmem>>
          %dma_start3A_271 = tpu.memref_squeeze %dma_start3A_270 : memref<1x1x128xi32, #tpu.memory_space<vmem>> -> memref<1x128xi32, #tpu.memory_space<vmem>>
          %dma_start3A_272 = arith.constant 0 : i32
          %dma_start3A_273 = tpu.memref_slice %arg3[%dma_start3A_272, %mul3A_267] : memref<1x49152xi32, #tpu.memory_space<hbm>> -> memref<1x128xi32, #tpu.memory_space<hbm>>
          %dma_start3A_274 = tpu.memref_slice %run_scoped3A_7[%rem3A_265] : memref<2x!tpu.dma_semaphore, #tpu.memory_space<semaphore_mem>> -> memref<1x!tpu.dma_semaphore, #tpu.memory_space<semaphore_mem>>
          %dma_start3A_275 = tpu.memref_squeeze %dma_start3A_274 : memref<1x!tpu.dma_semaphore, #tpu.memory_space<semaphore_mem>> -> memref<!tpu.dma_semaphore, #tpu.memory_space<semaphore_mem>>
          %dma_start3A_276 = arith.constant 0 : i32
          %dma_start3A_277 = arith.constant 0 : i32
          %dma_start3A_278 = tpu.memref_slice %run_scoped3A[%rem3A_265, %dma_start3A_276, %dma_start3A_277] : memref<2x1x128xi32, #tpu.memory_space<vmem>> -> memref<1x1x128xi32, #tpu.memory_space<vmem>>
          %dma_start3A_279 = tpu.memref_squeeze %dma_start3A_278 : memref<1x1x128xi32, #tpu.memory_space<vmem>> -> memref<1x128xi32, #tpu.memory_space<vmem>>
          %dma_start3A_280 = arith.constant 0 : i32
          %dma_start3A_281 = tpu.memref_slice %arg3[%dma_start3A_280, %mul3A_267] : memref<1x49152xi32, #tpu.memory_space<hbm>> -> memref<1x128xi32, #tpu.memory_space<hbm>>
          tpu.enqueue_dma source(%dma_start3A_281 : memref<1x128xi32, #tpu.memory_space<hbm>>) target(%dma_start3A_279 : memref<1x128xi32, #tpu.memory_space<vmem>>) target_semaphore(%dma_start3A_275 : memref<!tpu.dma_semaphore, #tpu.memory_space<semaphore_mem>>)
          "tpu.trace_stop"() : () -> ()
        } else {
        }
        %and3A_163 = arith.constant true
        %and3A_164 = arith.andi %and3A, %and3A_163 : i1
        %add3A_165 = arith.constant 1 : i32
        %add3A_166 = arith.addi %scan3A_122, %add3A_165 : i32
        %select_n3A_167 = arith.select %and3A_164, %add3A_166, %scan3A_122 : i32
        %ne3A_168 = arith.cmpi ne, %add3A_131, %add3A_149 : i32
        %or3A_169 = arith.constant false
        %or3A_170 = arith.ori %or3A_169, %ne3A_168 : i1
        %or3A_171 = arith.constant false
        %or3A_172 = arith.ori %or3A_170, %or3A_171 : i1
        %ge3A_173 = arith.constant 11 : i32
        %ge3A_174 = arith.cmpi sge, %scan3A_121, %ge3A_173 : i32
        %not3A_175 = arith.constant true
        %not3A_176 = arith.xori %ge3A_174, %not3A_175 : i1
        %and3A_177 = arith.andi %or3A_172, %not3A_176 : i1
        %ne3A_178 = arith.cmpi ne, %add3A_131, %add3A_140 : i32
        %or3A_179 = arith.constant false
        %or3A_180 = arith.ori %or3A_179, %ne3A_178 : i1
        %or3A_181 = arith.ori %or3A_180, %eq3A_128 : i1
        %convert_element_type3A_182 = arith.extui %or3A_181 : i1 to i32
        %cond3A_183 = arith.constant 0 : i32
        %cond3A_184 = arith.cmpi ne, %convert_element_type3A_182, %cond3A_183 : i32
        scf.if %cond3A_184 {
          "tpu.trace_start"() <{level = 10 : i32, message = "ep_wait_in"}> : () -> ()
          %mul3A_264 = arith.constant 128 : i32
          %mul3A_265 = arith.muli %mul3A_264, %add3A_131 : i32
          %rem3A_266 = arith.constant 2 : i32
          %rem3A_267 = arith.remui %scan3A_123, %rem3A_266 : i32
          %dma_wait3A_268 = arith.constant 0 : i32
          %dma_wait3A_269 = arith.constant 0 : i32
          %dma_wait3A_270 = tpu.memref_slice %run_scoped3A[%rem3A_267, %dma_wait3A_268, %dma_wait3A_269] : memref<2x1x128xi32, #tpu.memory_space<vmem>> -> memref<1x1x128xi32, #tpu.memory_space<vmem>>
          %dma_wait3A_271 = tpu.memref_squeeze %dma_wait3A_270 : memref<1x1x128xi32, #tpu.memory_space<vmem>> -> memref<1x128xi32, #tpu.memory_space<vmem>>
          %dma_wait3A_272 = arith.constant 0 : i32
          %dma_wait3A_273 = tpu.memref_slice %arg3[%dma_wait3A_272, %mul3A_265] : memref<1x49152xi32, #tpu.memory_space<hbm>> -> memref<1x128xi32, #tpu.memory_space<hbm>>
          %dma_wait3A_274 = tpu.memref_slice %run_scoped3A_7[%rem3A_267] : memref<2x!tpu.dma_semaphore, #tpu.memory_space<semaphore_mem>> -> memref<1x!tpu.dma_semaphore, #tpu.memory_space<semaphore_mem>>
          %dma_wait3A_275 = tpu.memref_squeeze %dma_wait3A_274 : memref<1x!tpu.dma_semaphore, #tpu.memory_space<semaphore_mem>> -> memref<!tpu.dma_semaphore, #tpu.memory_space<semaphore_mem>>
          %dma_wait3A_276 = arith.constant 0 : i32
          %dma_wait3A_277 = arith.constant 0 : i32
          %dma_wait3A_278 = tpu.memref_slice %run_scoped3A[%rem3A_267, %dma_wait3A_276, %dma_wait3A_277] : memref<2x1x128xi32, #tpu.memory_space<vmem>> -> memref<1x1x128xi32, #tpu.memory_space<vmem>>
          %dma_wait3A_279 = tpu.memref_squeeze %dma_wait3A_278 : memref<1x1x128xi32, #tpu.memory_space<vmem>> -> memref<1x128xi32, #tpu.memory_space<vmem>>
          %dma_wait3A_280 = arith.constant 0 : i32
          %dma_wait3A_281 = tpu.memref_slice %arg3[%dma_wait3A_280, %mul3A_265] : memref<1x49152xi32, #tpu.memory_space<hbm>> -> memref<1x128xi32, #tpu.memory_space<hbm>>
          tpu.wait_dma2 semaphore(%dma_wait3A_275 : memref<!tpu.dma_semaphore, #tpu.memory_space<semaphore_mem>>) src(%dma_wait3A_281 : memref<1x128xi32, #tpu.memory_space<hbm>>) dst(%dma_wait3A_279 : memref<1x128xi32, #tpu.memory_space<vmem>>)
          "tpu.trace_stop"() : () -> ()
        } else {
        }
        %ne3A_185 = arith.cmpi ne, %add3A_131, %add3A_140 : i32
        %or3A_186 = arith.constant false
        %or3A_187 = arith.ori %or3A_186, %ne3A_185 : i1
        %or3A_188 = arith.constant false
        %or3A_189 = arith.ori %or3A_187, %or3A_188 : i1
        %or3A_190 = arith.ori %or3A_189, %eq3A_128 : i1
        %convert_element_type3A_191 = arith.extui %or3A_190 : i1 to i32
        %cond3A_192 = arith.constant 0 : i32
        %cond3A_193 = arith.cmpi ne, %convert_element_type3A_191, %cond3A_192 : i32
        scf.if %cond3A_193 {
        } else {
        }
        %rem3A_194 = arith.constant 2 : i32
        %rem3A_195 = arith.remui %scan3A_123, %rem3A_194 : i32
        %rem3A_196 = arith.constant 2 : i32
        %rem3A_197 = arith.remui %scan3A_124, %rem3A_196 : i32
        %run_scoped3A_198 = arith.constant 0 : i32
        "tpu.trace_start"() <{level = 10 : i32, message = "ep_run_kernel"}> : () -> ()
        "tpu.region"() ({
          %run_scoped3A_264 = tpu.sem_alloc : memref<!tpu.dma_semaphore, #tpu.memory_space<semaphore_mem>>
          %dma_start3A_265 = arith.constant 0 : i32
          %dma_start3A_266 = arith.constant 0 : i32
          %dma_start3A_267 = tpu.memref_slice %run_scoped3A_8[%rem3A_197, %dma_start3A_265, %dma_start3A_266] : memref<2x128x128xf32, #tpu.memory_space<vmem>> -> memref<1x128x128xf32, #tpu.memory_space<vmem>>
          %dma_start3A_268 = tpu.memref_squeeze %dma_start3A_267 : memref<1x128x128xf32, #tpu.memory_space<vmem>> -> memref<128x128xf32, #tpu.memory_space<vmem>>
          %dma_start3A_269 = arith.constant 0 : i32
          %dma_start3A_270 = arith.constant 0 : i32
          %dma_start3A_271 = tpu.memref_slice %run_scoped3A[%rem3A_195, %dma_start3A_269, %dma_start3A_270] : memref<2x1x128xi32, #tpu.memory_space<vmem>> -> memref<1x1x128xi32, #tpu.memory_space<vmem>>
          %dma_start3A_272 = tpu.memref_squeeze %dma_start3A_271 : memref<1x1x128xi32, #tpu.memory_space<vmem>> -> memref<1x128xi32, #tpu.memory_space<vmem>>
          %dma_start3A_273 = arith.constant 0 : i32
          %dma_start3A_274 = tpu.memref_slice %dma_start3A_272[%run_scoped3A_198, %dma_start3A_273] : memref<1x128xi32, #tpu.memory_space<vmem>> -> memref<1x128xi32, #tpu.memory_space<vmem>>
          %dma_start3A_275 = tpu.memref_squeeze %dma_start3A_274 : memref<1x128xi32, #tpu.memory_space<vmem>> -> memref<128xi32, #tpu.memory_space<vmem>>
          %dma_start3A_276 = arith.constant 0 : i32
          %dma_start3A_277 = arith.constant 0 : i32
          %dma_start3A_278 = tpu.memref_slice %arg2[%dma_start3A_276, %dma_start3A_277] : memref<16384x128xf32, #tpu.memory_space<hbm>> -> memref<16384x128xf32, #tpu.memory_space<hbm>>
          tpu.enqueue_indirect_dma source(%dma_start3A_278 : memref<16384x128xf32, #tpu.memory_space<hbm>>) target(%dma_start3A_268 : memref<128x128xf32, #tpu.memory_space<vmem>>) offsets(%dma_start3A_275 : memref<128xi32, #tpu.memory_space<vmem>>) semaphore(%run_scoped3A_264 : memref<!tpu.dma_semaphore, #tpu.memory_space<semaphore_mem>>)
          %dma_wait3A_279 = arith.constant 0 : i32
          %dma_wait3A_280 = arith.constant 0 : i32
          %dma_wait3A_281 = tpu.memref_slice %run_scoped3A_8[%rem3A_197, %dma_wait3A_279, %dma_wait3A_280] : memref<2x128x128xf32, #tpu.memory_space<vmem>> -> memref<1x128x128xf32, #tpu.memory_space<vmem>>
          %dma_wait3A_282 = tpu.memref_squeeze %dma_wait3A_281 : memref<1x128x128xf32, #tpu.memory_space<vmem>> -> memref<128x128xf32, #tpu.memory_space<vmem>>
          %dma_wait3A_283 = arith.constant 0 : i32
          %dma_wait3A_284 = arith.constant 0 : i32
          %dma_wait3A_285 = tpu.memref_slice %run_scoped3A[%rem3A_195, %dma_wait3A_283, %dma_wait3A_284] : memref<2x1x128xi32, #tpu.memory_space<vmem>> -> memref<1x1x128xi32, #tpu.memory_space<vmem>>
          %dma_wait3A_286 = tpu.memref_squeeze %dma_wait3A_285 : memref<1x1x128xi32, #tpu.memory_space<vmem>> -> memref<1x128xi32, #tpu.memory_space<vmem>>
          %dma_wait3A_287 = arith.constant 0 : i32
          %dma_wait3A_288 = tpu.memref_slice %dma_wait3A_286[%run_scoped3A_198, %dma_wait3A_287] : memref<1x128xi32, #tpu.memory_space<vmem>> -> memref<1x128xi32, #tpu.memory_space<vmem>>
          %dma_wait3A_289 = tpu.memref_squeeze %dma_wait3A_288 : memref<1x128xi32, #tpu.memory_space<vmem>> -> memref<128xi32, #tpu.memory_space<vmem>>
          %dma_wait3A_290 = arith.constant 0 : i32
          %dma_wait3A_291 = arith.constant 0 : i32
          %dma_wait3A_292 = tpu.memref_slice %arg2[%dma_wait3A_290, %dma_wait3A_291] : memref<16384x128xf32, #tpu.memory_space<hbm>> -> memref<16384x128xf32, #tpu.memory_space<hbm>>
          tpu.wait_indirect_dma semaphore(%run_scoped3A_264 : memref<!tpu.dma_semaphore, #tpu.memory_space<semaphore_mem>>) src(%dma_wait3A_292 : memref<16384x128xf32, #tpu.memory_space<hbm>>) dst(%dma_wait3A_282 : memref<128x128xf32, #tpu.memory_space<vmem>>)
          tpu.yield
        }) : () -> ()
        "tpu.trace_stop"() : () -> ()
        %ne3A_199 = arith.cmpi ne, %add3A_131, %add3A_149 : i32
        %or3A_200 = arith.constant false
        %or3A_201 = arith.ori %or3A_200, %ne3A_199 : i1
        %or3A_202 = arith.ori %or3A_201, %eq3A_130 : i1
        %convert_element_type3A_203 = arith.extui %or3A_202 : i1 to i32
        %cond3A_204 = arith.constant 0 : i32
        %cond3A_205 = arith.cmpi ne, %convert_element_type3A_203, %cond3A_204 : i32
        scf.if %cond3A_205 {
        } else {
        }
        %and3A_206 = arith.constant false
        %and3A_207 = arith.andi %or3A_202, %and3A_206 : i1
        %ne3A_208 = arith.cmpi ne, %add3A_131, %add3A_149 : i32
        %or3A_209 = arith.constant false
        %or3A_210 = arith.ori %or3A_209, %ne3A_208 : i1
        %or3A_211 = arith.constant false
        %or3A_212 = arith.ori %or3A_210, %or3A_211 : i1
        %or3A_213 = arith.ori %or3A_212, %eq3A_130 : i1
        %convert_element_type3A_214 = arith.extui %or3A_213 : i1 to i32
        %cond3A_215 = arith.constant 0 : i32
        %cond3A_216 = arith.cmpi ne, %convert_element_type3A_214, %cond3A_215 : i32
        scf.if %cond3A_216 {
          "tpu.trace_start"() <{level = 10 : i32, message = "ep_copy_out"}> : () -> ()
          %rem3A_264 = arith.constant 2 : i32
          %rem3A_265 = arith.remui %scan3A_124, %rem3A_264 : i32
          %mul3A_266 = arith.constant 128 : i32
          %mul3A_267 = arith.muli %mul3A_266, %add3A_131 : i32
          %dma_start3A_268 = arith.constant 0 : i32
          %dma_start3A_269 = arith.constant 0 : i32
          %dma_start3A_270 = tpu.memref_slice %run_scoped3A_8[%rem3A_265, %dma_start3A_268, %dma_start3A_269] : memref<2x128x128xf32, #tpu.memory_space<vmem>> -> memref<1x128x128xf32, #tpu.memory_space<vmem>>
          %dma_start3A_271 = tpu.memref_squeeze %dma_start3A_270 : memref<1x128x128xf32, #tpu.memory_space<vmem>> -> memref<128x128xf32, #tpu.memory_space<vmem>>
          %dma_start3A_272 = arith.constant 0 : i32
          %dma_start3A_273 = tpu.memref_slice %arg4[%mul3A_267, %dma_start3A_272] : memref<49152x128xf32, #tpu.memory_space<hbm>> -> memref<128x128xf32, #tpu.memory_space<hbm>>
          %dma_start3A_274 = tpu.memref_slice %run_scoped3A_9[%rem3A_265] : memref<2x!tpu.dma_semaphore, #tpu.memory_space<semaphore_mem>> -> memref<1x!tpu.dma_semaphore, #tpu.memory_space<semaphore_mem>>
          %dma_start3A_275 = tpu.memref_squeeze %dma_start3A_274 : memref<1x!tpu.dma_semaphore, #tpu.memory_space<semaphore_mem>> -> memref<!tpu.dma_semaphore, #tpu.memory_space<semaphore_mem>>
          %dma_start3A_276 = arith.constant 0 : i32
          %dma_start3A_277 = tpu.memref_slice %arg4[%mul3A_267, %dma_start3A_276] : memref<49152x128xf32, #tpu.memory_space<hbm>> -> memref<128x128xf32, #tpu.memory_space<hbm>>
          %dma_start3A_278 = arith.constant 0 : i32
          %dma_start3A_279 = arith.constant 0 : i32
          %dma_start3A_280 = tpu.memref_slice %run_scoped3A_8[%rem3A_265, %dma_start3A_278, %dma_start3A_279] : memref<2x128x128xf32, #tpu.memory_space<vmem>> -> memref<1x128x128xf32, #tpu.memory_space<vmem>>
          %dma_start3A_281 = tpu.memref_squeeze %dma_start3A_280 : memref<1x128x128xf32, #tpu.memory_space<vmem>> -> memref<128x128xf32, #tpu.memory_space<vmem>>
          tpu.enqueue_dma source(%dma_start3A_281 : memref<128x128xf32, #tpu.memory_space<vmem>>) target(%dma_start3A_277 : memref<128x128xf32, #tpu.memory_space<hbm>>) target_semaphore(%dma_start3A_275 : memref<!tpu.dma_semaphore, #tpu.memory_space<semaphore_mem>>)
          "tpu.trace_stop"() : () -> ()
        } else {
        }
        %and3A_217 = arith.constant true
        %and3A_218 = arith.andi %or3A_213, %and3A_217 : i1
        %add3A_219 = arith.constant 1 : i32
        %add3A_220 = arith.addi %scan3A_124, %add3A_219 : i32
        %select_n3A_221 = arith.select %and3A_218, %add3A_220, %scan3A_124 : i32
        %ne3A_222 = arith.cmpi ne, %add3A_131, %add3A_140 : i32
        %or3A_223 = arith.constant false
        %or3A_224 = arith.ori %or3A_223, %ne3A_222 : i1
        %not3A_225 = arith.constant true
        %not3A_226 = arith.xori %eq3A_128, %not3A_225 : i1
        %and3A_227 = arith.andi %or3A_224, %not3A_226 : i1
        %convert_element_type3A_228 = arith.extui %and3A_227 : i1 to i32
        %cond3A_229 = arith.constant 0 : i32
        %cond3A_230 = arith.cmpi ne, %convert_element_type3A_228, %cond3A_229 : i32
        scf.if %cond3A_230 {
        } else {
        }
        %and3A_231 = arith.constant false
        %and3A_232 = arith.andi %and3A_227, %and3A_231 : i1
        %ne3A_233 = arith.cmpi ne, %add3A_131, %add3A_140 : i32
        %or3A_234 = arith.constant false
        %or3A_235 = arith.ori %or3A_234, %ne3A_233 : i1
        %or3A_236 = arith.constant false
        %or3A_237 = arith.ori %or3A_235, %or3A_236 : i1
        %not3A_238 = arith.constant true
        %not3A_239 = arith.xori %eq3A_128, %not3A_238 : i1
        %and3A_240 = arith.andi %or3A_237, %not3A_239 : i1
        %convert_element_type3A_241 = arith.extui %and3A_240 : i1 to i32
        %cond3A_242 = arith.constant 0 : i32
        %cond3A_243 = arith.cmpi ne, %convert_element_type3A_241, %cond3A_242 : i32
        scf.if %cond3A_243 {
          "tpu.trace_start"() <{level = 10 : i32, message = "ep_wait_out"}> : () -> ()
          %rem3A_264 = arith.constant 2 : i32
          %rem3A_265 = arith.remui %scan3A_125, %rem3A_264 : i32
          %mul3A_266 = arith.constant 128 : i32
          %mul3A_267 = arith.muli %mul3A_266, %add3A_140 : i32
          %dma_wait3A_268 = arith.constant 0 : i32
          %dma_wait3A_269 = arith.constant 0 : i32
          %dma_wait3A_270 = tpu.memref_slice %run_scoped3A_8[%rem3A_265, %dma_wait3A_268, %dma_wait3A_269] : memref<2x128x128xf32, #tpu.memory_space<vmem>> -> memref<1x128x128xf32, #tpu.memory_space<vmem>>
          %dma_wait3A_271 = tpu.memref_squeeze %dma_wait3A_270 : memref<1x128x128xf32, #tpu.memory_space<vmem>> -> memref<128x128xf32, #tpu.memory_space<vmem>>
          %dma_wait3A_272 = arith.constant 0 : i32
          %dma_wait3A_273 = tpu.memref_slice %arg4[%mul3A_267, %dma_wait3A_272] : memref<49152x128xf32, #tpu.memory_space<hbm>> -> memref<128x128xf32, #tpu.memory_space<hbm>>
          %dma_wait3A_274 = tpu.memref_slice %run_scoped3A_9[%rem3A_265] : memref<2x!tpu.dma_semaphore, #tpu.memory_space<semaphore_mem>> -> memref<1x!tpu.dma_semaphore, #tpu.memory_space<semaphore_mem>>
          %dma_wait3A_275 = tpu.memref_squeeze %dma_wait3A_274 : memref<1x!tpu.dma_semaphore, #tpu.memory_space<semaphore_mem>> -> memref<!tpu.dma_semaphore, #tpu.memory_space<semaphore_mem>>
          %dma_wait3A_276 = arith.constant 0 : i32
          %dma_wait3A_277 = tpu.memref_slice %arg4[%mul3A_267, %dma_wait3A_276] : memref<49152x128xf32, #tpu.memory_space<hbm>> -> memref<128x128xf32, #tpu.memory_space<hbm>>
          %dma_wait3A_278 = arith.constant 0 : i32
          %dma_wait3A_279 = arith.constant 0 : i32
          %dma_wait3A_280 = tpu.memref_slice %run_scoped3A_8[%rem3A_265, %dma_wait3A_278, %dma_wait3A_279] : memref<2x128x128xf32, #tpu.memory_space<vmem>> -> memref<1x128x128xf32, #tpu.memory_space<vmem>>
          %dma_wait3A_281 = tpu.memref_squeeze %dma_wait3A_280 : memref<1x128x128xf32, #tpu.memory_space<vmem>> -> memref<128x128xf32, #tpu.memory_space<vmem>>
          tpu.wait_dma2 semaphore(%dma_wait3A_275 : memref<!tpu.dma_semaphore, #tpu.memory_space<semaphore_mem>>) src(%dma_wait3A_281 : memref<128x128xf32, #tpu.memory_space<vmem>>) dst(%dma_wait3A_277 : memref<128x128xf32, #tpu.memory_space<hbm>>)
          "tpu.trace_stop"() : () -> ()
        } else {
        }
        %and3A_244 = arith.constant true
        %and3A_245 = arith.andi %and3A_240, %and3A_244 : i1
        %add3A_246 = arith.constant 1 : i32
        %add3A_247 = arith.addi %scan3A_125, %add3A_246 : i32
        %select_n3A_248 = arith.select %and3A_245, %add3A_247, %scan3A_125 : i32
        %ne3A_249 = arith.cmpi ne, %add3A_131, %add3A_149 : i32
        %or3A_250 = arith.constant false
        %or3A_251 = arith.ori %or3A_250, %ne3A_249 : i1
        %or3A_252 = arith.ori %or3A_251, %eq3A_130 : i1
        %add3A_253 = arith.constant 1 : i32
        %add3A_254 = arith.addi %scan3A_123, %add3A_253 : i32
        %select_n3A_255 = arith.select %or3A_252, %add3A_254, %scan3A_123 : i32
        %add3A_256 = arith.constant 1 : i32
        %add3A_257 = arith.addi %scan3A_126, %add3A_256 : i32
        %select_n3A_258 = arith.constant true
        %select_n3A_259 = arith.select %select_n3A_258, %add3A_257, %scan3A_126 : i32
        %eq3A_260 = arith.constant 12 : i32
        %eq3A_261 = arith.cmpi eq, %select_n3A_259, %eq3A_260 : i32
        %select_n3A_262 = arith.constant 0 : i32
        %select_n3A_263 = arith.select %eq3A_261, %select_n3A_262, %select_n3A_259 : i32
        scf.yield %select_n3A_167, %select_n3A_255, %select_n3A_221, %select_n3A_248, %select_n3A_263 : i32, i32, i32, i32, i32
      }
      %scan3A_68 = arith.constant 12 : i32
      %sub3A = arith.constant 1 : i32
      %sub3A_69 = arith.subi %scan3A_67#4, %sub3A : i32
      %select_n3A_70 = arith.constant true
      %select_n3A_71 = arith.select %select_n3A_70, %sub3A_69, %scan3A_67#4 : i32
      %eq3A_72 = arith.constant -1 : i32
      %eq3A_73 = arith.cmpi eq, %select_n3A_71, %eq3A_72 : i32
      %select_n3A_74 = arith.constant 11 : i32
      %select_n3A_75 = arith.select %eq3A_73, %select_n3A_74, %select_n3A_71 : i32
      %add3A_76 = arith.addi %select_n3A_75, %mul3A_6 : i32
      %sub3A_77 = arith.constant 1 : i32
      %sub3A_78 = arith.subi %select_n3A_75, %sub3A_77 : i32
      %select_n3A_79 = arith.constant true
      %select_n3A_80 = arith.select %select_n3A_79, %sub3A_78, %select_n3A_75 : i32
      %eq3A_81 = arith.constant -1 : i32
      %eq3A_82 = arith.cmpi eq, %select_n3A_80, %eq3A_81 : i32
      %select_n3A_83 = arith.constant 11 : i32
      %select_n3A_84 = arith.select %eq3A_82, %select_n3A_83, %select_n3A_80 : i32
      %add3A_85 = arith.addi %select_n3A_84, %mul3A_6 : i32
      %add3A_86 = arith.constant 1 : i32
      %add3A_87 = arith.addi %select_n3A_75, %add3A_86 : i32
      %select_n3A_88 = arith.constant true
      %select_n3A_89 = arith.select %select_n3A_88, %add3A_87, %select_n3A_75 : i32
      %eq3A_90 = arith.constant 12 : i32
      %eq3A_91 = arith.cmpi eq, %select_n3A_89, %eq3A_90 : i32
      %select_n3A_92 = arith.constant 0 : i32
      %select_n3A_93 = arith.select %eq3A_91, %select_n3A_92, %select_n3A_89 : i32
      %add3A_94 = arith.addi %select_n3A_93, %mul3A_6 : i32
      %add3A_95 = arith.constant 1 : i32
      %add3A_96 = arith.addi %select_n3A_93, %add3A_95 : i32
      %select_n3A_97 = arith.constant true
      %select_n3A_98 = arith.select %select_n3A_97, %add3A_96, %select_n3A_93 : i32
      %eq3A_99 = arith.constant 12 : i32
      %eq3A_100 = arith.cmpi eq, %select_n3A_98, %eq3A_99 : i32
      %select_n3A_101 = arith.constant 0 : i32
      %select_n3A_102 = arith.select %eq3A_100, %select_n3A_101, %select_n3A_98 : i32
      %add3A_103 = arith.addi %select_n3A_102, %mul3A_6 : i32
      "tpu.trace_start"() <{level = 10 : i32, message = "ep_finalize"}> : () -> ()
      %rem3A_104 = arith.constant 2 : i32
      %rem3A_105 = arith.remui %scan3A_67#3, %rem3A_104 : i32
      %mul3A_106 = arith.constant 128 : i32
      %mul3A_107 = arith.muli %mul3A_106, %add3A_76 : i32
      %dma_wait3A = arith.constant 0 : i32
      %dma_wait3A_108 = arith.constant 0 : i32
      %dma_wait3A_109 = tpu.memref_slice %run_scoped3A_8[%rem3A_105, %dma_wait3A, %dma_wait3A_108] : memref<2x128x128xf32, #tpu.memory_space<vmem>> -> memref<1x128x128xf32, #tpu.memory_space<vmem>>
      %dma_wait3A_110 = tpu.memref_squeeze %dma_wait3A_109 : memref<1x128x128xf32, #tpu.memory_space<vmem>> -> memref<128x128xf32, #tpu.memory_space<vmem>>
      %dma_wait3A_111 = arith.constant 0 : i32
      %dma_wait3A_112 = tpu.memref_slice %arg4[%mul3A_107, %dma_wait3A_111] : memref<49152x128xf32, #tpu.memory_space<hbm>> -> memref<128x128xf32, #tpu.memory_space<hbm>>
      %dma_wait3A_113 = tpu.memref_slice %run_scoped3A_9[%rem3A_105] : memref<2x!tpu.dma_semaphore, #tpu.memory_space<semaphore_mem>> -> memref<1x!tpu.dma_semaphore, #tpu.memory_space<semaphore_mem>>
      %dma_wait3A_114 = tpu.memref_squeeze %dma_wait3A_113 : memref<1x!tpu.dma_semaphore, #tpu.memory_space<semaphore_mem>> -> memref<!tpu.dma_semaphore, #tpu.memory_space<semaphore_mem>>
      %dma_wait3A_115 = arith.constant 0 : i32
      %dma_wait3A_116 = tpu.memref_slice %arg4[%mul3A_107, %dma_wait3A_115] : memref<49152x128xf32, #tpu.memory_space<hbm>> -> memref<128x128xf32, #tpu.memory_space<hbm>>
      %dma_wait3A_117 = arith.constant 0 : i32
      %dma_wait3A_118 = arith.constant 0 : i32
      %dma_wait3A_119 = tpu.memref_slice %run_scoped3A_8[%rem3A_105, %dma_wait3A_117, %dma_wait3A_118] : memref<2x128x128xf32, #tpu.memory_space<vmem>> -> memref<1x128x128xf32, #tpu.memory_space<vmem>>
      %dma_wait3A_120 = tpu.memref_squeeze %dma_wait3A_119 : memref<1x128x128xf32, #tpu.memory_space<vmem>> -> memref<128x128xf32, #tpu.memory_space<vmem>>
      tpu.wait_dma2 semaphore(%dma_wait3A_114 : memref<!tpu.dma_semaphore, #tpu.memory_space<semaphore_mem>>) src(%dma_wait3A_120 : memref<128x128xf32, #tpu.memory_space<vmem>>) dst(%dma_wait3A_116 : memref<128x128xf32, #tpu.memory_space<hbm>>)
      "tpu.trace_stop"() : () -> ()
      tpu.yield
    }) : () -> ()
    return
  }
}

module attributes {stable_mosaic.version = 14 : i64} {
  func.func @_ln_qkv_body(%arg0: i32, %arg1: memref<256x1024xf32, #tpu.memory_space<vmem>>, %arg2: memref<1x1024xf32, #tpu.memory_space<vmem>>, %arg3: memref<1x1024xf32, #tpu.memory_space<vmem>>, %arg4: memref<1024x1024xf32, #tpu.memory_space<vmem>>, %arg5: memref<1x1024xf32, #tpu.memory_space<vmem>>, %arg6: memref<1024x1024xf32, #tpu.memory_space<vmem>>, %arg7: memref<1x1024xf32, #tpu.memory_space<vmem>>, %arg8: memref<1024x1024xf32, #tpu.memory_space<vmem>>, %arg9: memref<1x1024xf32, #tpu.memory_space<vmem>>, %arg10: memref<256x1024xf32, #tpu.memory_space<vmem>>, %arg11: memref<256x1024xf32, #tpu.memory_space<vmem>>, %arg12: memref<256x1024xf32, #tpu.memory_space<vmem>>) attributes {dimension_semantics = [#tpu.dimension_semantics<arbitrary>], iteration_bounds = array<i64: 8>, scalar_prefetch = 0 : i64, scratch_operands = 0 : i64, tpu.core_type = #tpu.core_type<tc>, window_params = [{transform_indices = @transform_0, window_bounds = array<i64: 256, 1024>}, {pipeline_mode = #tpu.pipeline_mode<synchronous>, transform_indices = @transform_1, window_bounds = array<i64: 1, 1024>}, {pipeline_mode = #tpu.pipeline_mode<synchronous>, transform_indices = @transform_2, window_bounds = array<i64: 1, 1024>}, {pipeline_mode = #tpu.pipeline_mode<synchronous>, transform_indices = @transform_3, window_bounds = array<i64: 1024, 1024>}, {pipeline_mode = #tpu.pipeline_mode<synchronous>, transform_indices = @transform_4, window_bounds = array<i64: 1, 1024>}, {pipeline_mode = #tpu.pipeline_mode<synchronous>, transform_indices = @transform_5, window_bounds = array<i64: 1024, 1024>}, {pipeline_mode = #tpu.pipeline_mode<synchronous>, transform_indices = @transform_6, window_bounds = array<i64: 1, 1024>}, {pipeline_mode = #tpu.pipeline_mode<synchronous>, transform_indices = @transform_7, window_bounds = array<i64: 1024, 1024>}, {pipeline_mode = #tpu.pipeline_mode<synchronous>, transform_indices = @transform_8, window_bounds = array<i64: 1, 1024>}, {transform_indices = @transform_9, window_bounds = array<i64: 256, 1024>}, {transform_indices = @transform_10, window_bounds = array<i64: 256, 1024>}, {transform_indices = @transform_11, window_bounds = array<i64: 256, 1024>}]} {
    %get3A = arith.constant 0 : index
    %get3A_0 = arith.constant 0 : index
    %get3A_1 = vector.load %arg1[%get3A, %get3A_0] : memref<256x1024xf32, #tpu.memory_space<vmem>>, vector<256x1024xf32>
    %get3A_2 = arith.constant 0 : index
    %get3A_3 = arith.constant 0 : index
    %get3A_4 = vector.load %arg2[%get3A_2, %get3A_3] : memref<1x1024xf32, #tpu.memory_space<vmem>>, vector<1x1024xf32>
    %get3A_5 = arith.constant 0 : index
    %get3A_6 = arith.constant 0 : index
    %get3A_7 = vector.load %arg3[%get3A_5, %get3A_6] : memref<1x1024xf32, #tpu.memory_space<vmem>>, vector<1x1024xf32>
    %slice3A = vector.extract_strided_slice %get3A_1 {offsets = [0, 0], sizes = [256, 128], strides = [1, 1]} : vector<256x1024xf32> to vector<256x128xf32>
    %slice3A_8 = vector.extract_strided_slice %get3A_1 {offsets = [0, 128], sizes = [256, 128], strides = [1, 1]} : vector<256x1024xf32> to vector<256x128xf32>
    %add3A = arith.addf %slice3A, %slice3A_8 : vector<256x128xf32>
    %slice3A_9 = vector.extract_strided_slice %get3A_1 {offsets = [0, 256], sizes = [256, 128], strides = [1, 1]} : vector<256x1024xf32> to vector<256x128xf32>
    %add3A_10 = arith.addf %add3A, %slice3A_9 : vector<256x128xf32>
    %slice3A_11 = vector.extract_strided_slice %get3A_1 {offsets = [0, 384], sizes = [256, 128], strides = [1, 1]} : vector<256x1024xf32> to vector<256x128xf32>
    %add3A_12 = arith.addf %add3A_10, %slice3A_11 : vector<256x128xf32>
    %slice3A_13 = vector.extract_strided_slice %get3A_1 {offsets = [0, 512], sizes = [256, 128], strides = [1, 1]} : vector<256x1024xf32> to vector<256x128xf32>
    %add3A_14 = arith.addf %add3A_12, %slice3A_13 : vector<256x128xf32>
    %slice3A_15 = vector.extract_strided_slice %get3A_1 {offsets = [0, 640], sizes = [256, 128], strides = [1, 1]} : vector<256x1024xf32> to vector<256x128xf32>
    %add3A_16 = arith.addf %add3A_14, %slice3A_15 : vector<256x128xf32>
    %slice3A_17 = vector.extract_strided_slice %get3A_1 {offsets = [0, 768], sizes = [256, 128], strides = [1, 1]} : vector<256x1024xf32> to vector<256x128xf32>
    %add3A_18 = arith.addf %add3A_16, %slice3A_17 : vector<256x128xf32>
    %slice3A_19 = vector.extract_strided_slice %get3A_1 {offsets = [0, 896], sizes = [256, 128], strides = [1, 1]} : vector<256x1024xf32> to vector<256x128xf32>
    %add3A_20 = arith.addf %add3A_18, %slice3A_19 : vector<256x128xf32>
    %slice3A_21 = vector.extract_strided_slice %add3A_20 {offsets = [0, 0], sizes = [256, 8], strides = [1, 1]} : vector<256x128xf32> to vector<256x8xf32>
    %slice3A_22 = vector.extract_strided_slice %add3A_20 {offsets = [0, 8], sizes = [256, 8], strides = [1, 1]} : vector<256x128xf32> to vector<256x8xf32>
    %add3A_23 = arith.addf %slice3A_21, %slice3A_22 : vector<256x8xf32>
    %slice3A_24 = vector.extract_strided_slice %add3A_20 {offsets = [0, 16], sizes = [256, 8], strides = [1, 1]} : vector<256x128xf32> to vector<256x8xf32>
    %add3A_25 = arith.addf %add3A_23, %slice3A_24 : vector<256x8xf32>
    %slice3A_26 = vector.extract_strided_slice %add3A_20 {offsets = [0, 24], sizes = [256, 8], strides = [1, 1]} : vector<256x128xf32> to vector<256x8xf32>
    %add3A_27 = arith.addf %add3A_25, %slice3A_26 : vector<256x8xf32>
    %slice3A_28 = vector.extract_strided_slice %add3A_20 {offsets = [0, 32], sizes = [256, 8], strides = [1, 1]} : vector<256x128xf32> to vector<256x8xf32>
    %add3A_29 = arith.addf %add3A_27, %slice3A_28 : vector<256x8xf32>
    %slice3A_30 = vector.extract_strided_slice %add3A_20 {offsets = [0, 40], sizes = [256, 8], strides = [1, 1]} : vector<256x128xf32> to vector<256x8xf32>
    %add3A_31 = arith.addf %add3A_29, %slice3A_30 : vector<256x8xf32>
    %slice3A_32 = vector.extract_strided_slice %add3A_20 {offsets = [0, 48], sizes = [256, 8], strides = [1, 1]} : vector<256x128xf32> to vector<256x8xf32>
    %add3A_33 = arith.addf %add3A_31, %slice3A_32 : vector<256x8xf32>
    %slice3A_34 = vector.extract_strided_slice %add3A_20 {offsets = [0, 56], sizes = [256, 8], strides = [1, 1]} : vector<256x128xf32> to vector<256x8xf32>
    %add3A_35 = arith.addf %add3A_33, %slice3A_34 : vector<256x8xf32>
    %slice3A_36 = vector.extract_strided_slice %add3A_20 {offsets = [0, 64], sizes = [256, 8], strides = [1, 1]} : vector<256x128xf32> to vector<256x8xf32>
    %add3A_37 = arith.addf %add3A_35, %slice3A_36 : vector<256x8xf32>
    %slice3A_38 = vector.extract_strided_slice %add3A_20 {offsets = [0, 72], sizes = [256, 8], strides = [1, 1]} : vector<256x128xf32> to vector<256x8xf32>
    %add3A_39 = arith.addf %add3A_37, %slice3A_38 : vector<256x8xf32>
    %slice3A_40 = vector.extract_strided_slice %add3A_20 {offsets = [0, 80], sizes = [256, 8], strides = [1, 1]} : vector<256x128xf32> to vector<256x8xf32>
    %add3A_41 = arith.addf %add3A_39, %slice3A_40 : vector<256x8xf32>
    %slice3A_42 = vector.extract_strided_slice %add3A_20 {offsets = [0, 88], sizes = [256, 8], strides = [1, 1]} : vector<256x128xf32> to vector<256x8xf32>
    %add3A_43 = arith.addf %add3A_41, %slice3A_42 : vector<256x8xf32>
    %slice3A_44 = vector.extract_strided_slice %add3A_20 {offsets = [0, 96], sizes = [256, 8], strides = [1, 1]} : vector<256x128xf32> to vector<256x8xf32>
    %add3A_45 = arith.addf %add3A_43, %slice3A_44 : vector<256x8xf32>
    %slice3A_46 = vector.extract_strided_slice %add3A_20 {offsets = [0, 104], sizes = [256, 8], strides = [1, 1]} : vector<256x128xf32> to vector<256x8xf32>
    %add3A_47 = arith.addf %add3A_45, %slice3A_46 : vector<256x8xf32>
    %slice3A_48 = vector.extract_strided_slice %add3A_20 {offsets = [0, 112], sizes = [256, 8], strides = [1, 1]} : vector<256x128xf32> to vector<256x8xf32>
    %add3A_49 = arith.addf %add3A_47, %slice3A_48 : vector<256x8xf32>
    %slice3A_50 = vector.extract_strided_slice %add3A_20 {offsets = [0, 120], sizes = [256, 8], strides = [1, 1]} : vector<256x128xf32> to vector<256x8xf32>
    %add3A_51 = arith.addf %add3A_49, %slice3A_50 : vector<256x8xf32>
    %slice3A_52 = vector.extract_strided_slice %add3A_51 {offsets = [0, 0], sizes = [256, 4], strides = [1, 1]} : vector<256x8xf32> to vector<256x4xf32>
    %slice3A_53 = vector.extract_strided_slice %add3A_51 {offsets = [0, 4], sizes = [256, 4], strides = [1, 1]} : vector<256x8xf32> to vector<256x4xf32>
    %add3A_54 = arith.addf %slice3A_52, %slice3A_53 : vector<256x4xf32>
    %slice3A_55 = vector.extract_strided_slice %add3A_54 {offsets = [0, 0], sizes = [256, 2], strides = [1, 1]} : vector<256x4xf32> to vector<256x2xf32>
    %slice3A_56 = vector.extract_strided_slice %add3A_54 {offsets = [0, 2], sizes = [256, 2], strides = [1, 1]} : vector<256x4xf32> to vector<256x2xf32>
    %add3A_57 = arith.addf %slice3A_55, %slice3A_56 : vector<256x2xf32>
    %slice3A_58 = vector.extract_strided_slice %add3A_57 {offsets = [0, 0], sizes = [256, 1], strides = [1, 1]} : vector<256x2xf32> to vector<256x1xf32>
    %slice3A_59 = vector.extract_strided_slice %add3A_57 {offsets = [0, 1], sizes = [256, 1], strides = [1, 1]} : vector<256x2xf32> to vector<256x1xf32>
    %add3A_60 = arith.addf %slice3A_58, %slice3A_59 : vector<256x1xf32>
    %div3A = arith.constant 1.024000e+03 : f32
    %div3A_61 = vector.broadcast %div3A : f32 to vector<256x1xf32>
    %div3A_62 = arith.divf %add3A_60, %div3A_61 : vector<256x1xf32>
    %sub3A = vector.broadcast %div3A_62 : vector<256x1xf32> to vector<256x1024xf32>
    %sub3A_63 = arith.subf %get3A_1, %sub3A : vector<256x1024xf32>
    %mul3A = arith.mulf %sub3A_63, %sub3A_63 : vector<256x1024xf32>
    %slice3A_64 = vector.extract_strided_slice %mul3A {offsets = [0, 0], sizes = [256, 128], strides = [1, 1]} : vector<256x1024xf32> to vector<256x128xf32>
    %slice3A_65 = vector.extract_strided_slice %mul3A {offsets = [0, 128], sizes = [256, 128], strides = [1, 1]} : vector<256x1024xf32> to vector<256x128xf32>
    %add3A_66 = arith.addf %slice3A_64, %slice3A_65 : vector<256x128xf32>
    %slice3A_67 = vector.extract_strided_slice %mul3A {offsets = [0, 256], sizes = [256, 128], strides = [1, 1]} : vector<256x1024xf32> to vector<256x128xf32>
    %add3A_68 = arith.addf %add3A_66, %slice3A_67 : vector<256x128xf32>
    %slice3A_69 = vector.extract_strided_slice %mul3A {offsets = [0, 384], sizes = [256, 128], strides = [1, 1]} : vector<256x1024xf32> to vector<256x128xf32>
    %add3A_70 = arith.addf %add3A_68, %slice3A_69 : vector<256x128xf32>
    %slice3A_71 = vector.extract_strided_slice %mul3A {offsets = [0, 512], sizes = [256, 128], strides = [1, 1]} : vector<256x1024xf32> to vector<256x128xf32>
    %add3A_72 = arith.addf %add3A_70, %slice3A_71 : vector<256x128xf32>
    %slice3A_73 = vector.extract_strided_slice %mul3A {offsets = [0, 640], sizes = [256, 128], strides = [1, 1]} : vector<256x1024xf32> to vector<256x128xf32>
    %add3A_74 = arith.addf %add3A_72, %slice3A_73 : vector<256x128xf32>
    %slice3A_75 = vector.extract_strided_slice %mul3A {offsets = [0, 768], sizes = [256, 128], strides = [1, 1]} : vector<256x1024xf32> to vector<256x128xf32>
    %add3A_76 = arith.addf %add3A_74, %slice3A_75 : vector<256x128xf32>
    %slice3A_77 = vector.extract_strided_slice %mul3A {offsets = [0, 896], sizes = [256, 128], strides = [1, 1]} : vector<256x1024xf32> to vector<256x128xf32>
    %add3A_78 = arith.addf %add3A_76, %slice3A_77 : vector<256x128xf32>
    %slice3A_79 = vector.extract_strided_slice %add3A_78 {offsets = [0, 0], sizes = [256, 8], strides = [1, 1]} : vector<256x128xf32> to vector<256x8xf32>
    %slice3A_80 = vector.extract_strided_slice %add3A_78 {offsets = [0, 8], sizes = [256, 8], strides = [1, 1]} : vector<256x128xf32> to vector<256x8xf32>
    %add3A_81 = arith.addf %slice3A_79, %slice3A_80 : vector<256x8xf32>
    %slice3A_82 = vector.extract_strided_slice %add3A_78 {offsets = [0, 16], sizes = [256, 8], strides = [1, 1]} : vector<256x128xf32> to vector<256x8xf32>
    %add3A_83 = arith.addf %add3A_81, %slice3A_82 : vector<256x8xf32>
    %slice3A_84 = vector.extract_strided_slice %add3A_78 {offsets = [0, 24], sizes = [256, 8], strides = [1, 1]} : vector<256x128xf32> to vector<256x8xf32>
    %add3A_85 = arith.addf %add3A_83, %slice3A_84 : vector<256x8xf32>
    %slice3A_86 = vector.extract_strided_slice %add3A_78 {offsets = [0, 32], sizes = [256, 8], strides = [1, 1]} : vector<256x128xf32> to vector<256x8xf32>
    %add3A_87 = arith.addf %add3A_85, %slice3A_86 : vector<256x8xf32>
    %slice3A_88 = vector.extract_strided_slice %add3A_78 {offsets = [0, 40], sizes = [256, 8], strides = [1, 1]} : vector<256x128xf32> to vector<256x8xf32>
    %add3A_89 = arith.addf %add3A_87, %slice3A_88 : vector<256x8xf32>
    %slice3A_90 = vector.extract_strided_slice %add3A_78 {offsets = [0, 48], sizes = [256, 8], strides = [1, 1]} : vector<256x128xf32> to vector<256x8xf32>
    %add3A_91 = arith.addf %add3A_89, %slice3A_90 : vector<256x8xf32>
    %slice3A_92 = vector.extract_strided_slice %add3A_78 {offsets = [0, 56], sizes = [256, 8], strides = [1, 1]} : vector<256x128xf32> to vector<256x8xf32>
    %add3A_93 = arith.addf %add3A_91, %slice3A_92 : vector<256x8xf32>
    %slice3A_94 = vector.extract_strided_slice %add3A_78 {offsets = [0, 64], sizes = [256, 8], strides = [1, 1]} : vector<256x128xf32> to vector<256x8xf32>
    %add3A_95 = arith.addf %add3A_93, %slice3A_94 : vector<256x8xf32>
    %slice3A_96 = vector.extract_strided_slice %add3A_78 {offsets = [0, 72], sizes = [256, 8], strides = [1, 1]} : vector<256x128xf32> to vector<256x8xf32>
    %add3A_97 = arith.addf %add3A_95, %slice3A_96 : vector<256x8xf32>
    %slice3A_98 = vector.extract_strided_slice %add3A_78 {offsets = [0, 80], sizes = [256, 8], strides = [1, 1]} : vector<256x128xf32> to vector<256x8xf32>
    %add3A_99 = arith.addf %add3A_97, %slice3A_98 : vector<256x8xf32>
    %slice3A_100 = vector.extract_strided_slice %add3A_78 {offsets = [0, 88], sizes = [256, 8], strides = [1, 1]} : vector<256x128xf32> to vector<256x8xf32>
    %add3A_101 = arith.addf %add3A_99, %slice3A_100 : vector<256x8xf32>
    %slice3A_102 = vector.extract_strided_slice %add3A_78 {offsets = [0, 96], sizes = [256, 8], strides = [1, 1]} : vector<256x128xf32> to vector<256x8xf32>
    %add3A_103 = arith.addf %add3A_101, %slice3A_102 : vector<256x8xf32>
    %slice3A_104 = vector.extract_strided_slice %add3A_78 {offsets = [0, 104], sizes = [256, 8], strides = [1, 1]} : vector<256x128xf32> to vector<256x8xf32>
    %add3A_105 = arith.addf %add3A_103, %slice3A_104 : vector<256x8xf32>
    %slice3A_106 = vector.extract_strided_slice %add3A_78 {offsets = [0, 112], sizes = [256, 8], strides = [1, 1]} : vector<256x128xf32> to vector<256x8xf32>
    %add3A_107 = arith.addf %add3A_105, %slice3A_106 : vector<256x8xf32>
    %slice3A_108 = vector.extract_strided_slice %add3A_78 {offsets = [0, 120], sizes = [256, 8], strides = [1, 1]} : vector<256x128xf32> to vector<256x8xf32>
    %add3A_109 = arith.addf %add3A_107, %slice3A_108 : vector<256x8xf32>
    %slice3A_110 = vector.extract_strided_slice %add3A_109 {offsets = [0, 0], sizes = [256, 4], strides = [1, 1]} : vector<256x8xf32> to vector<256x4xf32>
    %slice3A_111 = vector.extract_strided_slice %add3A_109 {offsets = [0, 4], sizes = [256, 4], strides = [1, 1]} : vector<256x8xf32> to vector<256x4xf32>
    %add3A_112 = arith.addf %slice3A_110, %slice3A_111 : vector<256x4xf32>
    %slice3A_113 = vector.extract_strided_slice %add3A_112 {offsets = [0, 0], sizes = [256, 2], strides = [1, 1]} : vector<256x4xf32> to vector<256x2xf32>
    %slice3A_114 = vector.extract_strided_slice %add3A_112 {offsets = [0, 2], sizes = [256, 2], strides = [1, 1]} : vector<256x4xf32> to vector<256x2xf32>
    %add3A_115 = arith.addf %slice3A_113, %slice3A_114 : vector<256x2xf32>
    %slice3A_116 = vector.extract_strided_slice %add3A_115 {offsets = [0, 0], sizes = [256, 1], strides = [1, 1]} : vector<256x2xf32> to vector<256x1xf32>
    %slice3A_117 = vector.extract_strided_slice %add3A_115 {offsets = [0, 1], sizes = [256, 1], strides = [1, 1]} : vector<256x2xf32> to vector<256x1xf32>
    %add3A_118 = arith.addf %slice3A_116, %slice3A_117 : vector<256x1xf32>
    %div3A_119 = arith.constant 1.024000e+03 : f32
    %div3A_120 = vector.broadcast %div3A_119 : f32 to vector<256x1xf32>
    %div3A_121 = arith.divf %add3A_118, %div3A_120 : vector<256x1xf32>
    %add3A_122 = arith.constant 9.99999974E-6 : f32
    %add3A_123 = vector.broadcast %add3A_122 : f32 to vector<256x1xf32>
    %add3A_124 = arith.addf %div3A_121, %add3A_123 : vector<256x1xf32>
    %sqrt3A = math.sqrt %add3A_124 : vector<256x1xf32>
    %div3A_125 = vector.broadcast %sqrt3A : vector<256x1xf32> to vector<256x1024xf32>
    %div3A_126 = arith.divf %sub3A_63, %div3A_125 : vector<256x1024xf32>
    %mul3A_127 = vector.broadcast %get3A_4 : vector<1x1024xf32> to vector<256x1024xf32>
    %mul3A_128 = arith.mulf %div3A_126, %mul3A_127 : vector<256x1024xf32>
    %add3A_129 = vector.broadcast %get3A_7 : vector<1x1024xf32> to vector<256x1024xf32>
    %add3A_130 = arith.addf %mul3A_128, %add3A_129 : vector<256x1024xf32>
    %get3A_131 = arith.constant 0 : index
    %get3A_132 = arith.constant 0 : index
    %get3A_133 = vector.load %arg4[%get3A_131, %get3A_132] : memref<1024x1024xf32, #tpu.memory_space<vmem>>, vector<1024x1024xf32>
    %dot_general3A = arith.constant dense<0.000000e+00> : vector<256x1024xf32>
    %dot_general3A_134 = tpu.matmul %add3A_130, %get3A_133, %dot_general3A {dimension_numbers = #tpu.dot_dimension_numbers<[1], [0], [0], [1], [0, 0, 1, 1], [], []>, transpose_lhs_hint = false} : vector<256x1024xf32>, vector<1024x1024xf32>, vector<256x1024xf32> -> vector<256x1024xf32>
    %get3A_135 = arith.constant 0 : index
    %get3A_136 = arith.constant 0 : index
    %get3A_137 = vector.load %arg5[%get3A_135, %get3A_136] : memref<1x1024xf32, #tpu.memory_space<vmem>>, vector<1x1024xf32>
    %add3A_138 = vector.broadcast %get3A_137 : vector<1x1024xf32> to vector<256x1024xf32>
    %add3A_139 = arith.addf %dot_general3A_134, %add3A_138 : vector<256x1024xf32>
    %swap3A = arith.constant 0 : index
    %swap3A_140 = arith.constant 0 : index
    %swap3A_141 = vector.load %arg10[%swap3A, %swap3A_140] : memref<256x1024xf32, #tpu.memory_space<vmem>>, vector<256x1024xf32>
    tpu.vector_store %arg10[%swap3A, %swap3A_140], %add3A_139 {strides = array<i32>} : memref<256x1024xf32, #tpu.memory_space<vmem>>, vector<256x1024xf32>,
    %get3A_142 = arith.constant 0 : index
    %get3A_143 = arith.constant 0 : index
    %get3A_144 = vector.load %arg6[%get3A_142, %get3A_143] : memref<1024x1024xf32, #tpu.memory_space<vmem>>, vector<1024x1024xf32>
    %dot_general3A_145 = arith.constant dense<0.000000e+00> : vector<256x1024xf32>
    %dot_general3A_146 = tpu.matmul %add3A_130, %get3A_144, %dot_general3A_145 {dimension_numbers = #tpu.dot_dimension_numbers<[1], [0], [0], [1], [0, 0, 1, 1], [], []>, transpose_lhs_hint = false} : vector<256x1024xf32>, vector<1024x1024xf32>, vector<256x1024xf32> -> vector<256x1024xf32>
    %get3A_147 = arith.constant 0 : index
    %get3A_148 = arith.constant 0 : index
    %get3A_149 = vector.load %arg7[%get3A_147, %get3A_148] : memref<1x1024xf32, #tpu.memory_space<vmem>>, vector<1x1024xf32>
    %add3A_150 = vector.broadcast %get3A_149 : vector<1x1024xf32> to vector<256x1024xf32>
    %add3A_151 = arith.addf %dot_general3A_146, %add3A_150 : vector<256x1024xf32>
    %swap3A_152 = arith.constant 0 : index
    %swap3A_153 = arith.constant 0 : index
    %swap3A_154 = vector.load %arg11[%swap3A_152, %swap3A_153] : memref<256x1024xf32, #tpu.memory_space<vmem>>, vector<256x1024xf32>
    tpu.vector_store %arg11[%swap3A_152, %swap3A_153], %add3A_151 {strides = array<i32>} : memref<256x1024xf32, #tpu.memory_space<vmem>>, vector<256x1024xf32>,
    %get3A_155 = arith.constant 0 : index
    %get3A_156 = arith.constant 0 : index
    %get3A_157 = vector.load %arg8[%get3A_155, %get3A_156] : memref<1024x1024xf32, #tpu.memory_space<vmem>>, vector<1024x1024xf32>
    %dot_general3A_158 = arith.constant dense<0.000000e+00> : vector<256x1024xf32>
    %dot_general3A_159 = tpu.matmul %add3A_130, %get3A_157, %dot_general3A_158 {dimension_numbers = #tpu.dot_dimension_numbers<[1], [0], [0], [1], [0, 0, 1, 1], [], []>, transpose_lhs_hint = false} : vector<256x1024xf32>, vector<1024x1024xf32>, vector<256x1024xf32> -> vector<256x1024xf32>
    %get3A_160 = arith.constant 0 : index
    %get3A_161 = arith.constant 0 : index
    %get3A_162 = vector.load %arg9[%get3A_160, %get3A_161] : memref<1x1024xf32, #tpu.memory_space<vmem>>, vector<1x1024xf32>
    %add3A_163 = vector.broadcast %get3A_162 : vector<1x1024xf32> to vector<256x1024xf32>
    %add3A_164 = arith.addf %dot_general3A_159, %add3A_163 : vector<256x1024xf32>
    %swap3A_165 = arith.constant 0 : index
    %swap3A_166 = arith.constant 0 : index
    %swap3A_167 = vector.load %arg12[%swap3A_165, %swap3A_166] : memref<256x1024xf32, #tpu.memory_space<vmem>>, vector<256x1024xf32>
    tpu.vector_store %arg12[%swap3A_165, %swap3A_166], %add3A_164 {strides = array<i32>} : memref<256x1024xf32, #tpu.memory_space<vmem>>, vector<256x1024xf32>,
    return
  }
  func.func @transform_0(%arg0: i32) -> (i32, i32) {
    %c0_i32 = arith.constant 0 : i32
    %c0_i32_0 = arith.constant 0 : i32
    return %arg0, %c0_i32 : i32, i32
  }
  func.func @transform_1(%arg0: i32) -> (i32, i32) {
    %c0_i32 = arith.constant 0 : i32
    %c0_i32_0 = arith.constant 0 : i32
    %c0_i32_1 = arith.constant 0 : i32
    return %c0_i32, %c0_i32_0 : i32, i32
  }
  func.func @transform_2(%arg0: i32) -> (i32, i32) {
    %c0_i32 = arith.constant 0 : i32
    %c0_i32_0 = arith.constant 0 : i32
    %c0_i32_1 = arith.constant 0 : i32
    return %c0_i32, %c0_i32_0 : i32, i32
  }
  func.func @transform_3(%arg0: i32) -> (i32, i32) {
    %c0_i32 = arith.constant 0 : i32
    %c0_i32_0 = arith.constant 0 : i32
    %c0_i32_1 = arith.constant 0 : i32
    return %c0_i32, %c0_i32_0 : i32, i32
  }
  func.func @transform_4(%arg0: i32) -> (i32, i32) {
    %c0_i32 = arith.constant 0 : i32
    %c0_i32_0 = arith.constant 0 : i32
    %c0_i32_1 = arith.constant 0 : i32
    return %c0_i32, %c0_i32_0 : i32, i32
  }
  func.func @transform_5(%arg0: i32) -> (i32, i32) {
    %c0_i32 = arith.constant 0 : i32
    %c0_i32_0 = arith.constant 0 : i32
    %c0_i32_1 = arith.constant 0 : i32
    return %c0_i32, %c0_i32_0 : i32, i32
  }
  func.func @transform_6(%arg0: i32) -> (i32, i32) {
    %c0_i32 = arith.constant 0 : i32
    %c0_i32_0 = arith.constant 0 : i32
    %c0_i32_1 = arith.constant 0 : i32
    return %c0_i32, %c0_i32_0 : i32, i32
  }
  func.func @transform_7(%arg0: i32) -> (i32, i32) {
    %c0_i32 = arith.constant 0 : i32
    %c0_i32_0 = arith.constant 0 : i32
    %c0_i32_1 = arith.constant 0 : i32
    return %c0_i32, %c0_i32_0 : i32, i32
  }
  func.func @transform_8(%arg0: i32) -> (i32, i32) {
    %c0_i32 = arith.constant 0 : i32
    %c0_i32_0 = arith.constant 0 : i32
    %c0_i32_1 = arith.constant 0 : i32
    return %c0_i32, %c0_i32_0 : i32, i32
  }
  func.func @transform_9(%arg0: i32) -> (i32, i32) {
    %c0_i32 = arith.constant 0 : i32
    %c0_i32_0 = arith.constant 0 : i32
    return %arg0, %c0_i32 : i32, i32
  }
  func.func @transform_10(%arg0: i32) -> (i32, i32) {
    %c0_i32 = arith.constant 0 : i32
    %c0_i32_0 = arith.constant 0 : i32
    return %arg0, %c0_i32 : i32, i32
  }
  func.func @transform_11(%arg0: i32) -> (i32, i32) {
    %c0_i32 = arith.constant 0 : i32
    %c0_i32_0 = arith.constant 0 : i32
    return %arg0, %c0_i32 : i32, i32
  }
}

module attributes {stable_mosaic.version = 14 : i64} {
  func.func @_attn_body(%arg0: i32, %arg1: i32, %arg2: memref<1x256x64xf32, #tpu.memory_space<vmem>>, %arg3: memref<1x2048x64xf32, #tpu.memory_space<vmem>>, %arg4: memref<1x2048x64xf32, #tpu.memory_space<vmem>>, %arg5: memref<1x256x64xf32, #tpu.memory_space<vmem>>) attributes {dimension_semantics = [#tpu.dimension_semantics<arbitrary>, #tpu.dimension_semantics<arbitrary>], iteration_bounds = array<i64: 16, 8>, scalar_prefetch = 0 : i64, scratch_operands = 0 : i64, tpu.core_type = #tpu.core_type<tc>, window_params = [{transform_indices = @transform_0, window_bounds = array<i64: 1, 256, 64>}, {transform_indices = @transform_1, window_bounds = array<i64: 1, 2048, 64>}, {transform_indices = @transform_2, window_bounds = array<i64: 1, 2048, 64>}, {transform_indices = @transform_3, window_bounds = array<i64: 1, 256, 64>}]} {
    %get3A = arith.constant 0 : index
    %get3A_0 = arith.constant 0 : index
    %get3A_1 = arith.constant 0 : index
    %get3A_2 = vector.load %arg2[%get3A, %get3A_0, %get3A_1] : memref<1x256x64xf32, #tpu.memory_space<vmem>>, vector<1x256x64xf32>
    %get3A_3 = vector.shape_cast %get3A_2 : vector<1x256x64xf32> to vector<256x64xf32>
    %get3A_4 = arith.constant 0 : index
    %get3A_5 = arith.constant 0 : index
    %get3A_6 = arith.constant 0 : index
    %get3A_7 = vector.load %arg3[%get3A_4, %get3A_5, %get3A_6] : memref<1x2048x64xf32, #tpu.memory_space<vmem>>, vector<1x2048x64xf32>
    %get3A_8 = vector.shape_cast %get3A_7 : vector<1x2048x64xf32> to vector<2048x64xf32>
    %dot_general3A = arith.constant dense<0.000000e+00> : vector<256x2048xf32>
    %dot_general3A_9 = tpu.matmul %get3A_3, %get3A_8, %dot_general3A {dimension_numbers = #tpu.dot_dimension_numbers<[1], [1], [0], [0], [0, 0, 1, 0], [], []>, transpose_lhs_hint = false} : vector<256x64xf32>, vector<2048x64xf32>, vector<256x2048xf32> -> vector<256x2048xf32>
    %div3A = arith.constant 8.000000e+00 : f32
    %div3A_10 = vector.broadcast %div3A : f32 to vector<256x2048xf32>
    %div3A_11 = arith.divf %dot_general3A_9, %div3A_10 : vector<256x2048xf32>
    %mul3A = arith.constant 256 : i32
    %mul3A_12 = arith.muli %arg1, %mul3A : i32
    %iota3A = tpu.iota {dimensions = array<i32: 0>} : vector<256x2048xi32>
    %add3A = vector.broadcast %mul3A_12 : i32 to vector<256x2048xi32>
    %add3A_13 = arith.addi %add3A, %iota3A : vector<256x2048xi32>
    %iota3A_14 = tpu.iota {dimensions = array<i32: 1>} : vector<256x2048xi32>
    %ge3A = arith.cmpi sge, %add3A_13, %iota3A_14 : vector<256x2048xi32>
    %jit3A = arith.constant 0xFF800000 : f32
    %broadcast_in_dim3A = vector.broadcast %jit3A : f32 to vector<256x2048xf32>
    %select_n3A = arith.select %ge3A, %div3A_11, %broadcast_in_dim3A : vector<256x2048xi1>, vector<256x2048xf32>
    %reduce_max3A = arith.constant dense<0xFF800000> : vector<256xf32>
    %reduce_max3A_15 = vector.multi_reduction <maximumf>, %select_n3A, %reduce_max3A [1] : vector<256x2048xf32> to vector<256xf32>
    %broadcast_in_dim3A_16 = vector.shape_cast %reduce_max3A_15 : vector<256xf32> to vector<256x1xf32>
    %sub3A = vector.broadcast %broadcast_in_dim3A_16 : vector<256x1xf32> to vector<256x2048xf32>
    %sub3A_17 = arith.subf %select_n3A, %sub3A : vector<256x2048xf32>
    %exp3A = math.exp %sub3A_17 : vector<256x2048xf32>
    %reduce_sum3A = arith.constant dense<0.000000e+00> : vector<256xf32>
    %reduce_sum3A_18 = vector.multi_reduction <add>, %exp3A, %reduce_sum3A [1] : vector<256x2048xf32> to vector<256xf32>
    %broadcast_in_dim3A_19 = vector.shape_cast %reduce_sum3A_18 : vector<256xf32> to vector<256x1xf32>
    %get3A_20 = arith.constant 0 : index
    %get3A_21 = arith.constant 0 : index
    %get3A_22 = arith.constant 0 : index
    %get3A_23 = vector.load %arg4[%get3A_20, %get3A_21, %get3A_22] : memref<1x2048x64xf32, #tpu.memory_space<vmem>>, vector<1x2048x64xf32>
    %get3A_24 = vector.shape_cast %get3A_23 : vector<1x2048x64xf32> to vector<2048x64xf32>
    %dot_general3A_25 = arith.constant dense<0.000000e+00> : vector<256x64xf32>
    %dot_general3A_26 = tpu.matmul %exp3A, %get3A_24, %dot_general3A_25 {dimension_numbers = #tpu.dot_dimension_numbers<[1], [0], [0], [1], [0, 0, 1, 1], [], []>, transpose_lhs_hint = false} : vector<256x2048xf32>, vector<2048x64xf32>, vector<256x64xf32> -> vector<256x64xf32>
    %div3A_27 = vector.broadcast %broadcast_in_dim3A_19 : vector<256x1xf32> to vector<256x64xf32>
    %div3A_28 = arith.divf %dot_general3A_26, %div3A_27 : vector<256x64xf32>
    %swap3A = arith.constant 0 : index
    %swap3A_29 = arith.constant 0 : index
    %swap3A_30 = arith.constant 0 : index
    %swap3A_31 = vector.load %arg5[%swap3A, %swap3A_29, %swap3A_30] : memref<1x256x64xf32, #tpu.memory_space<vmem>>, vector<1x256x64xf32>
    %swap3A_32 = vector.shape_cast %swap3A_31 : vector<1x256x64xf32> to vector<256x64xf32>
    %swap3A_33 = vector.shape_cast %div3A_28 : vector<256x64xf32> to vector<1x256x64xf32>
    tpu.vector_store %arg5[%swap3A, %swap3A_29, %swap3A_30], %swap3A_33 {strides = array<i32>} : memref<1x256x64xf32, #tpu.memory_space<vmem>>, vector<1x256x64xf32>,
    return
  }
  func.func @transform_0(%arg0: i32, %arg1: i32) -> (i32, i32, i32) {
    %c0_i32 = arith.constant 0 : i32
    %c0_i32_0 = arith.constant 0 : i32
    return %arg0, %arg1, %c0_i32 : i32, i32, i32
  }
  func.func @transform_1(%arg0: i32, %arg1: i32) -> (i32, i32, i32) {
    %c0_i32 = arith.constant 0 : i32
    %c0_i32_0 = arith.constant 0 : i32
    %c0_i32_1 = arith.constant 0 : i32
    return %arg0, %c0_i32, %c0_i32_0 : i32, i32, i32
  }
  func.func @transform_2(%arg0: i32, %arg1: i32) -> (i32, i32, i32) {
    %c0_i32 = arith.constant 0 : i32
    %c0_i32_0 = arith.constant 0 : i32
    %c0_i32_1 = arith.constant 0 : i32
    return %arg0, %c0_i32, %c0_i32_0 : i32, i32, i32
  }
  func.func @transform_3(%arg0: i32, %arg1: i32) -> (i32, i32, i32) {
    %c0_i32 = arith.constant 0 : i32
    %c0_i32_0 = arith.constant 0 : i32
    return %arg0, %arg1, %c0_i32 : i32, i32, i32
  }
}

module attributes {stable_mosaic.version = 14 : i64} {
  func.func @_proj_router_body(%arg0: i32, %arg1: memref<256x1024xf32, #tpu.memory_space<vmem>>, %arg2: memref<256x1024xf32, #tpu.memory_space<vmem>>, %arg3: memref<1024x1024xf32, #tpu.memory_space<vmem>>, %arg4: memref<1x1024xf32, #tpu.memory_space<vmem>>, %arg5: memref<1x1024xf32, #tpu.memory_space<vmem>>, %arg6: memref<1x1024xf32, #tpu.memory_space<vmem>>, %arg7: memref<1024x128xf32, #tpu.memory_space<vmem>>, %arg8: memref<1x128xf32, #tpu.memory_space<vmem>>, %arg9: memref<256x1024xf32, #tpu.memory_space<vmem>>, %arg10: memref<256x1024xf32, #tpu.memory_space<vmem>>, %arg11: memref<256x128xf32, #tpu.memory_space<vmem>>, %arg12: memref<256x128xi32, #tpu.memory_space<vmem>>, %arg13: memref<256x128xf32, #tpu.memory_space<vmem>>) attributes {dimension_semantics = [#tpu.dimension_semantics<arbitrary>], iteration_bounds = array<i64: 8>, scalar_prefetch = 0 : i64, scratch_operands = 0 : i64, tpu.core_type = #tpu.core_type<tc>, window_params = [{transform_indices = @transform_0, window_bounds = array<i64: 256, 1024>}, {transform_indices = @transform_1, window_bounds = array<i64: 256, 1024>}, {pipeline_mode = #tpu.pipeline_mode<synchronous>, transform_indices = @transform_2, window_bounds = array<i64: 1024, 1024>}, {pipeline_mode = #tpu.pipeline_mode<synchronous>, transform_indices = @transform_3, window_bounds = array<i64: 1, 1024>}, {pipeline_mode = #tpu.pipeline_mode<synchronous>, transform_indices = @transform_4, window_bounds = array<i64: 1, 1024>}, {pipeline_mode = #tpu.pipeline_mode<synchronous>, transform_indices = @transform_5, window_bounds = array<i64: 1, 1024>}, {pipeline_mode = #tpu.pipeline_mode<synchronous>, transform_indices = @transform_6, window_bounds = array<i64: 1024, 128>}, {pipeline_mode = #tpu.pipeline_mode<synchronous>, transform_indices = @transform_7, window_bounds = array<i64: 1, 128>}, {transform_indices = @transform_8, window_bounds = array<i64: 256, 1024>}, {transform_indices = @transform_9, window_bounds = array<i64: 256, 1024>}, {transform_indices = @transform_10, window_bounds = array<i64: 256, 128>}, {transform_indices = @transform_11, window_bounds = array<i64: 256, 128>}, {transform_indices = @transform_12, window_bounds = array<i64: 256, 128>}]} {
    %get3A = arith.constant 0 : index
    %get3A_0 = arith.constant 0 : index
    %get3A_1 = vector.load %arg2[%get3A, %get3A_0] : memref<256x1024xf32, #tpu.memory_space<vmem>>, vector<256x1024xf32>
    %get3A_2 = arith.constant 0 : index
    %get3A_3 = arith.constant 0 : index
    %get3A_4 = vector.load %arg1[%get3A_2, %get3A_3] : memref<256x1024xf32, #tpu.memory_space<vmem>>, vector<256x1024xf32>
    %get3A_5 = arith.constant 0 : index
    %get3A_6 = arith.constant 0 : index
    %get3A_7 = vector.load %arg3[%get3A_5, %get3A_6] : memref<1024x1024xf32, #tpu.memory_space<vmem>>, vector<1024x1024xf32>
    %dot_general3A = arith.constant dense<0.000000e+00> : vector<256x1024xf32>
    %dot_general3A_8 = tpu.matmul %get3A_4, %get3A_7, %dot_general3A {dimension_numbers = #tpu.dot_dimension_numbers<[1], [0], [0], [1], [0, 0, 1, 1], [], []>, transpose_lhs_hint = false} : vector<256x1024xf32>, vector<1024x1024xf32>, vector<256x1024xf32> -> vector<256x1024xf32>
    %get3A_9 = arith.constant 0 : index
    %get3A_10 = arith.constant 0 : index
    %get3A_11 = vector.load %arg4[%get3A_9, %get3A_10] : memref<1x1024xf32, #tpu.memory_space<vmem>>, vector<1x1024xf32>
    %add3A = vector.broadcast %get3A_11 : vector<1x1024xf32> to vector<256x1024xf32>
    %add3A_12 = arith.addf %dot_general3A_8, %add3A : vector<256x1024xf32>
    %add3A_13 = arith.addf %get3A_1, %add3A_12 : vector<256x1024xf32>
    %swap3A = arith.constant 0 : index
    %swap3A_14 = arith.constant 0 : index
    %swap3A_15 = vector.load %arg9[%swap3A, %swap3A_14] : memref<256x1024xf32, #tpu.memory_space<vmem>>, vector<256x1024xf32>
    tpu.vector_store %arg9[%swap3A, %swap3A_14], %add3A_13 {strides = array<i32>} : memref<256x1024xf32, #tpu.memory_space<vmem>>, vector<256x1024xf32>,
    %get3A_16 = arith.constant 0 : index
    %get3A_17 = arith.constant 0 : index
    %get3A_18 = vector.load %arg5[%get3A_16, %get3A_17] : memref<1x1024xf32, #tpu.memory_space<vmem>>, vector<1x1024xf32>
    %get3A_19 = arith.constant 0 : index
    %get3A_20 = arith.constant 0 : index
    %get3A_21 = vector.load %arg6[%get3A_19, %get3A_20] : memref<1x1024xf32, #tpu.memory_space<vmem>>, vector<1x1024xf32>
    %slice3A = vector.extract_strided_slice %add3A_13 {offsets = [0, 0], sizes = [256, 128], strides = [1, 1]} : vector<256x1024xf32> to vector<256x128xf32>
    %slice3A_22 = vector.extract_strided_slice %add3A_13 {offsets = [0, 128], sizes = [256, 128], strides = [1, 1]} : vector<256x1024xf32> to vector<256x128xf32>
    %add3A_23 = arith.addf %slice3A, %slice3A_22 : vector<256x128xf32>
    %slice3A_24 = vector.extract_strided_slice %add3A_13 {offsets = [0, 256], sizes = [256, 128], strides = [1, 1]} : vector<256x1024xf32> to vector<256x128xf32>
    %add3A_25 = arith.addf %add3A_23, %slice3A_24 : vector<256x128xf32>
    %slice3A_26 = vector.extract_strided_slice %add3A_13 {offsets = [0, 384], sizes = [256, 128], strides = [1, 1]} : vector<256x1024xf32> to vector<256x128xf32>
    %add3A_27 = arith.addf %add3A_25, %slice3A_26 : vector<256x128xf32>
    %slice3A_28 = vector.extract_strided_slice %add3A_13 {offsets = [0, 512], sizes = [256, 128], strides = [1, 1]} : vector<256x1024xf32> to vector<256x128xf32>
    %add3A_29 = arith.addf %add3A_27, %slice3A_28 : vector<256x128xf32>
    %slice3A_30 = vector.extract_strided_slice %add3A_13 {offsets = [0, 640], sizes = [256, 128], strides = [1, 1]} : vector<256x1024xf32> to vector<256x128xf32>
    %add3A_31 = arith.addf %add3A_29, %slice3A_30 : vector<256x128xf32>
    %slice3A_32 = vector.extract_strided_slice %add3A_13 {offsets = [0, 768], sizes = [256, 128], strides = [1, 1]} : vector<256x1024xf32> to vector<256x128xf32>
    %add3A_33 = arith.addf %add3A_31, %slice3A_32 : vector<256x128xf32>
    %slice3A_34 = vector.extract_strided_slice %add3A_13 {offsets = [0, 896], sizes = [256, 128], strides = [1, 1]} : vector<256x1024xf32> to vector<256x128xf32>
    %add3A_35 = arith.addf %add3A_33, %slice3A_34 : vector<256x128xf32>
    %slice3A_36 = vector.extract_strided_slice %add3A_35 {offsets = [0, 0], sizes = [256, 8], strides = [1, 1]} : vector<256x128xf32> to vector<256x8xf32>
    %slice3A_37 = vector.extract_strided_slice %add3A_35 {offsets = [0, 8], sizes = [256, 8], strides = [1, 1]} : vector<256x128xf32> to vector<256x8xf32>
    %add3A_38 = arith.addf %slice3A_36, %slice3A_37 : vector<256x8xf32>
    %slice3A_39 = vector.extract_strided_slice %add3A_35 {offsets = [0, 16], sizes = [256, 8], strides = [1, 1]} : vector<256x128xf32> to vector<256x8xf32>
    %add3A_40 = arith.addf %add3A_38, %slice3A_39 : vector<256x8xf32>
    %slice3A_41 = vector.extract_strided_slice %add3A_35 {offsets = [0, 24], sizes = [256, 8], strides = [1, 1]} : vector<256x128xf32> to vector<256x8xf32>
    %add3A_42 = arith.addf %add3A_40, %slice3A_41 : vector<256x8xf32>
    %slice3A_43 = vector.extract_strided_slice %add3A_35 {offsets = [0, 32], sizes = [256, 8], strides = [1, 1]} : vector<256x128xf32> to vector<256x8xf32>
    %add3A_44 = arith.addf %add3A_42, %slice3A_43 : vector<256x8xf32>
    %slice3A_45 = vector.extract_strided_slice %add3A_35 {offsets = [0, 40], sizes = [256, 8], strides = [1, 1]} : vector<256x128xf32> to vector<256x8xf32>
    %add3A_46 = arith.addf %add3A_44, %slice3A_45 : vector<256x8xf32>
    %slice3A_47 = vector.extract_strided_slice %add3A_35 {offsets = [0, 48], sizes = [256, 8], strides = [1, 1]} : vector<256x128xf32> to vector<256x8xf32>
    %add3A_48 = arith.addf %add3A_46, %slice3A_47 : vector<256x8xf32>
    %slice3A_49 = vector.extract_strided_slice %add3A_35 {offsets = [0, 56], sizes = [256, 8], strides = [1, 1]} : vector<256x128xf32> to vector<256x8xf32>
    %add3A_50 = arith.addf %add3A_48, %slice3A_49 : vector<256x8xf32>
    %slice3A_51 = vector.extract_strided_slice %add3A_35 {offsets = [0, 64], sizes = [256, 8], strides = [1, 1]} : vector<256x128xf32> to vector<256x8xf32>
    %add3A_52 = arith.addf %add3A_50, %slice3A_51 : vector<256x8xf32>
    %slice3A_53 = vector.extract_strided_slice %add3A_35 {offsets = [0, 72], sizes = [256, 8], strides = [1, 1]} : vector<256x128xf32> to vector<256x8xf32>
    %add3A_54 = arith.addf %add3A_52, %slice3A_53 : vector<256x8xf32>
    %slice3A_55 = vector.extract_strided_slice %add3A_35 {offsets = [0, 80], sizes = [256, 8], strides = [1, 1]} : vector<256x128xf32> to vector<256x8xf32>
    %add3A_56 = arith.addf %add3A_54, %slice3A_55 : vector<256x8xf32>
    %slice3A_57 = vector.extract_strided_slice %add3A_35 {offsets = [0, 88], sizes = [256, 8], strides = [1, 1]} : vector<256x128xf32> to vector<256x8xf32>
    %add3A_58 = arith.addf %add3A_56, %slice3A_57 : vector<256x8xf32>
    %slice3A_59 = vector.extract_strided_slice %add3A_35 {offsets = [0, 96], sizes = [256, 8], strides = [1, 1]} : vector<256x128xf32> to vector<256x8xf32>
    %add3A_60 = arith.addf %add3A_58, %slice3A_59 : vector<256x8xf32>
    %slice3A_61 = vector.extract_strided_slice %add3A_35 {offsets = [0, 104], sizes = [256, 8], strides = [1, 1]} : vector<256x128xf32> to vector<256x8xf32>
    %add3A_62 = arith.addf %add3A_60, %slice3A_61 : vector<256x8xf32>
    %slice3A_63 = vector.extract_strided_slice %add3A_35 {offsets = [0, 112], sizes = [256, 8], strides = [1, 1]} : vector<256x128xf32> to vector<256x8xf32>
    %add3A_64 = arith.addf %add3A_62, %slice3A_63 : vector<256x8xf32>
    %slice3A_65 = vector.extract_strided_slice %add3A_35 {offsets = [0, 120], sizes = [256, 8], strides = [1, 1]} : vector<256x128xf32> to vector<256x8xf32>
    %add3A_66 = arith.addf %add3A_64, %slice3A_65 : vector<256x8xf32>
    %slice3A_67 = vector.extract_strided_slice %add3A_66 {offsets = [0, 0], sizes = [256, 4], strides = [1, 1]} : vector<256x8xf32> to vector<256x4xf32>
    %slice3A_68 = vector.extract_strided_slice %add3A_66 {offsets = [0, 4], sizes = [256, 4], strides = [1, 1]} : vector<256x8xf32> to vector<256x4xf32>
    %add3A_69 = arith.addf %slice3A_67, %slice3A_68 : vector<256x4xf32>
    %slice3A_70 = vector.extract_strided_slice %add3A_69 {offsets = [0, 0], sizes = [256, 2], strides = [1, 1]} : vector<256x4xf32> to vector<256x2xf32>
    %slice3A_71 = vector.extract_strided_slice %add3A_69 {offsets = [0, 2], sizes = [256, 2], strides = [1, 1]} : vector<256x4xf32> to vector<256x2xf32>
    %add3A_72 = arith.addf %slice3A_70, %slice3A_71 : vector<256x2xf32>
    %slice3A_73 = vector.extract_strided_slice %add3A_72 {offsets = [0, 0], sizes = [256, 1], strides = [1, 1]} : vector<256x2xf32> to vector<256x1xf32>
    %slice3A_74 = vector.extract_strided_slice %add3A_72 {offsets = [0, 1], sizes = [256, 1], strides = [1, 1]} : vector<256x2xf32> to vector<256x1xf32>
    %add3A_75 = arith.addf %slice3A_73, %slice3A_74 : vector<256x1xf32>
    %div3A = arith.constant 1.024000e+03 : f32
    %div3A_76 = vector.broadcast %div3A : f32 to vector<256x1xf32>
    %div3A_77 = arith.divf %add3A_75, %div3A_76 : vector<256x1xf32>
    %sub3A = vector.broadcast %div3A_77 : vector<256x1xf32> to vector<256x1024xf32>
    %sub3A_78 = arith.subf %add3A_13, %sub3A : vector<256x1024xf32>
    %mul3A = arith.mulf %sub3A_78, %sub3A_78 : vector<256x1024xf32>
    %slice3A_79 = vector.extract_strided_slice %mul3A {offsets = [0, 0], sizes = [256, 128], strides = [1, 1]} : vector<256x1024xf32> to vector<256x128xf32>
    %slice3A_80 = vector.extract_strided_slice %mul3A {offsets = [0, 128], sizes = [256, 128], strides = [1, 1]} : vector<256x1024xf32> to vector<256x128xf32>
    %add3A_81 = arith.addf %slice3A_79, %slice3A_80 : vector<256x128xf32>
    %slice3A_82 = vector.extract_strided_slice %mul3A {offsets = [0, 256], sizes = [256, 128], strides = [1, 1]} : vector<256x1024xf32> to vector<256x128xf32>
    %add3A_83 = arith.addf %add3A_81, %slice3A_82 : vector<256x128xf32>
    %slice3A_84 = vector.extract_strided_slice %mul3A {offsets = [0, 384], sizes = [256, 128], strides = [1, 1]} : vector<256x1024xf32> to vector<256x128xf32>
    %add3A_85 = arith.addf %add3A_83, %slice3A_84 : vector<256x128xf32>
    %slice3A_86 = vector.extract_strided_slice %mul3A {offsets = [0, 512], sizes = [256, 128], strides = [1, 1]} : vector<256x1024xf32> to vector<256x128xf32>
    %add3A_87 = arith.addf %add3A_85, %slice3A_86 : vector<256x128xf32>
    %slice3A_88 = vector.extract_strided_slice %mul3A {offsets = [0, 640], sizes = [256, 128], strides = [1, 1]} : vector<256x1024xf32> to vector<256x128xf32>
    %add3A_89 = arith.addf %add3A_87, %slice3A_88 : vector<256x128xf32>
    %slice3A_90 = vector.extract_strided_slice %mul3A {offsets = [0, 768], sizes = [256, 128], strides = [1, 1]} : vector<256x1024xf32> to vector<256x128xf32>
    %add3A_91 = arith.addf %add3A_89, %slice3A_90 : vector<256x128xf32>
    %slice3A_92 = vector.extract_strided_slice %mul3A {offsets = [0, 896], sizes = [256, 128], strides = [1, 1]} : vector<256x1024xf32> to vector<256x128xf32>
    %add3A_93 = arith.addf %add3A_91, %slice3A_92 : vector<256x128xf32>
    %slice3A_94 = vector.extract_strided_slice %add3A_93 {offsets = [0, 0], sizes = [256, 8], strides = [1, 1]} : vector<256x128xf32> to vector<256x8xf32>
    %slice3A_95 = vector.extract_strided_slice %add3A_93 {offsets = [0, 8], sizes = [256, 8], strides = [1, 1]} : vector<256x128xf32> to vector<256x8xf32>
    %add3A_96 = arith.addf %slice3A_94, %slice3A_95 : vector<256x8xf32>
    %slice3A_97 = vector.extract_strided_slice %add3A_93 {offsets = [0, 16], sizes = [256, 8], strides = [1, 1]} : vector<256x128xf32> to vector<256x8xf32>
    %add3A_98 = arith.addf %add3A_96, %slice3A_97 : vector<256x8xf32>
    %slice3A_99 = vector.extract_strided_slice %add3A_93 {offsets = [0, 24], sizes = [256, 8], strides = [1, 1]} : vector<256x128xf32> to vector<256x8xf32>
    %add3A_100 = arith.addf %add3A_98, %slice3A_99 : vector<256x8xf32>
    %slice3A_101 = vector.extract_strided_slice %add3A_93 {offsets = [0, 32], sizes = [256, 8], strides = [1, 1]} : vector<256x128xf32> to vector<256x8xf32>
    %add3A_102 = arith.addf %add3A_100, %slice3A_101 : vector<256x8xf32>
    %slice3A_103 = vector.extract_strided_slice %add3A_93 {offsets = [0, 40], sizes = [256, 8], strides = [1, 1]} : vector<256x128xf32> to vector<256x8xf32>
    %add3A_104 = arith.addf %add3A_102, %slice3A_103 : vector<256x8xf32>
    %slice3A_105 = vector.extract_strided_slice %add3A_93 {offsets = [0, 48], sizes = [256, 8], strides = [1, 1]} : vector<256x128xf32> to vector<256x8xf32>
    %add3A_106 = arith.addf %add3A_104, %slice3A_105 : vector<256x8xf32>
    %slice3A_107 = vector.extract_strided_slice %add3A_93 {offsets = [0, 56], sizes = [256, 8], strides = [1, 1]} : vector<256x128xf32> to vector<256x8xf32>
    %add3A_108 = arith.addf %add3A_106, %slice3A_107 : vector<256x8xf32>
    %slice3A_109 = vector.extract_strided_slice %add3A_93 {offsets = [0, 64], sizes = [256, 8], strides = [1, 1]} : vector<256x128xf32> to vector<256x8xf32>
    %add3A_110 = arith.addf %add3A_108, %slice3A_109 : vector<256x8xf32>
    %slice3A_111 = vector.extract_strided_slice %add3A_93 {offsets = [0, 72], sizes = [256, 8], strides = [1, 1]} : vector<256x128xf32> to vector<256x8xf32>
    %add3A_112 = arith.addf %add3A_110, %slice3A_111 : vector<256x8xf32>
    %slice3A_113 = vector.extract_strided_slice %add3A_93 {offsets = [0, 80], sizes = [256, 8], strides = [1, 1]} : vector<256x128xf32> to vector<256x8xf32>
    %add3A_114 = arith.addf %add3A_112, %slice3A_113 : vector<256x8xf32>
    %slice3A_115 = vector.extract_strided_slice %add3A_93 {offsets = [0, 88], sizes = [256, 8], strides = [1, 1]} : vector<256x128xf32> to vector<256x8xf32>
    %add3A_116 = arith.addf %add3A_114, %slice3A_115 : vector<256x8xf32>
    %slice3A_117 = vector.extract_strided_slice %add3A_93 {offsets = [0, 96], sizes = [256, 8], strides = [1, 1]} : vector<256x128xf32> to vector<256x8xf32>
    %add3A_118 = arith.addf %add3A_116, %slice3A_117 : vector<256x8xf32>
    %slice3A_119 = vector.extract_strided_slice %add3A_93 {offsets = [0, 104], sizes = [256, 8], strides = [1, 1]} : vector<256x128xf32> to vector<256x8xf32>
    %add3A_120 = arith.addf %add3A_118, %slice3A_119 : vector<256x8xf32>
    %slice3A_121 = vector.extract_strided_slice %add3A_93 {offsets = [0, 112], sizes = [256, 8], strides = [1, 1]} : vector<256x128xf32> to vector<256x8xf32>
    %add3A_122 = arith.addf %add3A_120, %slice3A_121 : vector<256x8xf32>
    %slice3A_123 = vector.extract_strided_slice %add3A_93 {offsets = [0, 120], sizes = [256, 8], strides = [1, 1]} : vector<256x128xf32> to vector<256x8xf32>
    %add3A_124 = arith.addf %add3A_122, %slice3A_123 : vector<256x8xf32>
    %slice3A_125 = vector.extract_strided_slice %add3A_124 {offsets = [0, 0], sizes = [256, 4], strides = [1, 1]} : vector<256x8xf32> to vector<256x4xf32>
    %slice3A_126 = vector.extract_strided_slice %add3A_124 {offsets = [0, 4], sizes = [256, 4], strides = [1, 1]} : vector<256x8xf32> to vector<256x4xf32>
    %add3A_127 = arith.addf %slice3A_125, %slice3A_126 : vector<256x4xf32>
    %slice3A_128 = vector.extract_strided_slice %add3A_127 {offsets = [0, 0], sizes = [256, 2], strides = [1, 1]} : vector<256x4xf32> to vector<256x2xf32>
    %slice3A_129 = vector.extract_strided_slice %add3A_127 {offsets = [0, 2], sizes = [256, 2], strides = [1, 1]} : vector<256x4xf32> to vector<256x2xf32>
    %add3A_130 = arith.addf %slice3A_128, %slice3A_129 : vector<256x2xf32>
    %slice3A_131 = vector.extract_strided_slice %add3A_130 {offsets = [0, 0], sizes = [256, 1], strides = [1, 1]} : vector<256x2xf32> to vector<256x1xf32>
    %slice3A_132 = vector.extract_strided_slice %add3A_130 {offsets = [0, 1], sizes = [256, 1], strides = [1, 1]} : vector<256x2xf32> to vector<256x1xf32>
    %add3A_133 = arith.addf %slice3A_131, %slice3A_132 : vector<256x1xf32>
    %div3A_134 = arith.constant 1.024000e+03 : f32
    %div3A_135 = vector.broadcast %div3A_134 : f32 to vector<256x1xf32>
    %div3A_136 = arith.divf %add3A_133, %div3A_135 : vector<256x1xf32>
    %add3A_137 = arith.constant 9.99999974E-6 : f32
    %add3A_138 = vector.broadcast %add3A_137 : f32 to vector<256x1xf32>
    %add3A_139 = arith.addf %div3A_136, %add3A_138 : vector<256x1xf32>
    %sqrt3A = math.sqrt %add3A_139 : vector<256x1xf32>
    %div3A_140 = vector.broadcast %sqrt3A : vector<256x1xf32> to vector<256x1024xf32>
    %div3A_141 = arith.divf %sub3A_78, %div3A_140 : vector<256x1024xf32>
    %mul3A_142 = vector.broadcast %get3A_18 : vector<1x1024xf32> to vector<256x1024xf32>
    %mul3A_143 = arith.mulf %div3A_141, %mul3A_142 : vector<256x1024xf32>
    %add3A_144 = vector.broadcast %get3A_21 : vector<1x1024xf32> to vector<256x1024xf32>
    %add3A_145 = arith.addf %mul3A_143, %add3A_144 : vector<256x1024xf32>
    %swap3A_146 = arith.constant 0 : index
    %swap3A_147 = arith.constant 0 : index
    %swap3A_148 = vector.load %arg10[%swap3A_146, %swap3A_147] : memref<256x1024xf32, #tpu.memory_space<vmem>>, vector<256x1024xf32>
    tpu.vector_store %arg10[%swap3A_146, %swap3A_147], %add3A_145 {strides = array<i32>} : memref<256x1024xf32, #tpu.memory_space<vmem>>, vector<256x1024xf32>,
    %get3A_149 = arith.constant 0 : index
    %get3A_150 = arith.constant 0 : index
    %get3A_151 = vector.load %arg7[%get3A_149, %get3A_150] : memref<1024x128xf32, #tpu.memory_space<vmem>>, vector<1024x128xf32>
    %dot_general3A_152 = arith.constant dense<0.000000e+00> : vector<256x128xf32>
    %dot_general3A_153 = tpu.matmul %add3A_145, %get3A_151, %dot_general3A_152 {dimension_numbers = #tpu.dot_dimension_numbers<[1], [0], [0], [1], [0, 0, 1, 1], [], []>, transpose_lhs_hint = false} : vector<256x1024xf32>, vector<1024x128xf32>, vector<256x128xf32> -> vector<256x128xf32>
    %get3A_154 = arith.constant 0 : index
    %get3A_155 = arith.constant 0 : index
    %get3A_156 = vector.load %arg8[%get3A_154, %get3A_155] : memref<1x128xf32, #tpu.memory_space<vmem>>, vector<1x128xf32>
    %add3A_157 = vector.broadcast %get3A_156 : vector<1x128xf32> to vector<256x128xf32>
    %add3A_158 = arith.addf %dot_general3A_153, %add3A_157 : vector<256x128xf32>
    %iota3A = tpu.iota {dimensions = array<i32: 1>} : vector<256x128xi32>
    %reduce_max3A = arith.constant dense<0xFF800000> : vector<256xf32>
    %reduce_max3A_159 = vector.multi_reduction <maximumf>, %add3A_158, %reduce_max3A [1] : vector<256x128xf32> to vector<256xf32>
    %broadcast_in_dim3A = vector.shape_cast %reduce_max3A_159 : vector<256xf32> to vector<256x1xf32>
    %eq3A = vector.broadcast %broadcast_in_dim3A : vector<256x1xf32> to vector<256x128xf32>
    %eq3A_160 = arith.cmpf oeq, %add3A_158, %eq3A : vector<256x128xf32>
    %jit3A = arith.constant 127 : i32
    %broadcast_in_dim3A_161 = vector.broadcast %jit3A : i32 to vector<256x128xi32>
    %select_n3A = arith.select %eq3A_160, %iota3A, %broadcast_in_dim3A_161 : vector<256x128xi1>, vector<256x128xi32>
    %reduce_min3A = arith.constant dense<2147483647> : vector<256xi32>
    %reduce_min3A_162 = vector.multi_reduction <minsi>, %select_n3A, %reduce_min3A [1] : vector<256x128xi32> to vector<256xi32>
    %broadcast_in_dim3A_163 = vector.shape_cast %reduce_min3A_162 : vector<256xi32> to vector<256x1xi32>
    %eq3A_164 = vector.broadcast %broadcast_in_dim3A_163 : vector<256x1xi32> to vector<256x128xi32>
    %eq3A_165 = arith.cmpi eq, %iota3A, %eq3A_164 : vector<256x128xi32>
    %jit3A_166 = arith.constant -1.000000e+30 : f32
    %broadcast_in_dim3A_167 = vector.broadcast %jit3A_166 : f32 to vector<256x128xf32>
    %select_n3A_168 = arith.select %eq3A_165, %broadcast_in_dim3A_167, %add3A_158 : vector<256x128xi1>, vector<256x128xf32>
    %reduce_max3A_169 = arith.constant dense<0xFF800000> : vector<256xf32>
    %reduce_max3A_170 = vector.multi_reduction <maximumf>, %select_n3A_168, %reduce_max3A_169 [1] : vector<256x128xf32> to vector<256xf32>
    %broadcast_in_dim3A_171 = vector.shape_cast %reduce_max3A_170 : vector<256xf32> to vector<256x1xf32>
    %eq3A_172 = vector.broadcast %broadcast_in_dim3A_171 : vector<256x1xf32> to vector<256x128xf32>
    %eq3A_173 = arith.cmpf oeq, %select_n3A_168, %eq3A_172 : vector<256x128xf32>
    %jit3A_174 = arith.constant 127 : i32
    %broadcast_in_dim3A_175 = vector.broadcast %jit3A_174 : i32 to vector<256x128xi32>
    %select_n3A_176 = arith.select %eq3A_173, %iota3A, %broadcast_in_dim3A_175 : vector<256x128xi1>, vector<256x128xi32>
    %reduce_min3A_177 = arith.constant dense<2147483647> : vector<256xi32>
    %reduce_min3A_178 = vector.multi_reduction <minsi>, %select_n3A_176, %reduce_min3A_177 [1] : vector<256x128xi32> to vector<256xi32>
    %broadcast_in_dim3A_179 = vector.shape_cast %reduce_min3A_178 : vector<256xi32> to vector<256x1xi32>
    %sub3A_180 = vector.broadcast %broadcast_in_dim3A : vector<256x1xf32> to vector<256x128xf32>
    %sub3A_181 = arith.subf %add3A_158, %sub3A_180 : vector<256x128xf32>
    %exp3A = math.exp %sub3A_181 : vector<256x128xf32>
    %reduce_sum3A = arith.constant dense<0.000000e+00> : vector<256xf32>
    %reduce_sum3A_182 = vector.multi_reduction <add>, %exp3A, %reduce_sum3A [1] : vector<256x128xf32> to vector<256xf32>
    %broadcast_in_dim3A_183 = vector.shape_cast %reduce_sum3A_182 : vector<256xf32> to vector<256x1xf32>
    %div3A_184 = vector.broadcast %broadcast_in_dim3A_183 : vector<256x1xf32> to vector<256x128xf32>
    %div3A_185 = arith.divf %exp3A, %div3A_184 : vector<256x128xf32>
    %swap3A_186 = arith.constant 0 : index
    %swap3A_187 = arith.constant 0 : index
    %swap3A_188 = vector.load %arg11[%swap3A_186, %swap3A_187] : memref<256x128xf32, #tpu.memory_space<vmem>>, vector<256x128xf32>
    tpu.vector_store %arg11[%swap3A_186, %swap3A_187], %div3A_185 {strides = array<i32>} : memref<256x128xf32, #tpu.memory_space<vmem>>, vector<256x128xf32>,
    %sub3A_189 = arith.subf %broadcast_in_dim3A_171, %broadcast_in_dim3A : vector<256x1xf32>
    %exp3A_190 = math.exp %sub3A_189 : vector<256x1xf32>
    %add3A_191 = arith.constant 1.000000e+00 : f32
    %add3A_192 = vector.broadcast %add3A_191 : f32 to vector<256x1xf32>
    %add3A_193 = arith.addf %add3A_192, %exp3A_190 : vector<256x1xf32>
    %div3A_194 = arith.constant 1.000000e+00 : f32
    %div3A_195 = vector.broadcast %div3A_194 : f32 to vector<256x1xf32>
    %div3A_196 = arith.divf %div3A_195, %add3A_193 : vector<256x1xf32>
    %div3A_197 = arith.divf %exp3A_190, %add3A_193 : vector<256x1xf32>
    %eq3A_198 = arith.constant 0 : i32
    %eq3A_199 = vector.broadcast %eq3A_198 : i32 to vector<256x128xi32>
    %eq3A_200 = arith.cmpi eq, %iota3A, %eq3A_199 : vector<256x128xi32>
    %broadcast_in_dim3A_201 = vector.shape_cast %broadcast_in_dim3A_163 : vector<256x1xi32> to vector<256x1xi32>
    %broadcast_in_dim3A_202 = vector.broadcast %broadcast_in_dim3A_201 : vector<256x1xi32> to vector<256x128xi32>
    %broadcast_in_dim3A_203 = vector.shape_cast %broadcast_in_dim3A_179 : vector<256x1xi32> to vector<256x1xi32>
    %broadcast_in_dim3A_204 = vector.broadcast %broadcast_in_dim3A_203 : vector<256x1xi32> to vector<256x128xi32>
    %select_n3A_205 = arith.select %eq3A_200, %broadcast_in_dim3A_202, %broadcast_in_dim3A_204 : vector<256x128xi1>, vector<256x128xi32>
    %swap3A_206 = arith.constant 0 : index
    %swap3A_207 = arith.constant 0 : index
    %swap3A_208 = vector.load %arg12[%swap3A_206, %swap3A_207] : memref<256x128xi32, #tpu.memory_space<vmem>>, vector<256x128xi32>
    tpu.vector_store %arg12[%swap3A_206, %swap3A_207], %select_n3A_205 {strides = array<i32>} : memref<256x128xi32, #tpu.memory_space<vmem>>, vector<256x128xi32>,
    %eq3A_209 = arith.constant 0 : i32
    %eq3A_210 = vector.broadcast %eq3A_209 : i32 to vector<256x128xi32>
    %eq3A_211 = arith.cmpi eq, %iota3A, %eq3A_210 : vector<256x128xi32>
    %broadcast_in_dim3A_212 = vector.shape_cast %div3A_196 : vector<256x1xf32> to vector<256x1xf32>
    %broadcast_in_dim3A_213 = vector.broadcast %broadcast_in_dim3A_212 : vector<256x1xf32> to vector<256x128xf32>
    %broadcast_in_dim3A_214 = vector.shape_cast %div3A_197 : vector<256x1xf32> to vector<256x1xf32>
    %broadcast_in_dim3A_215 = vector.broadcast %broadcast_in_dim3A_214 : vector<256x1xf32> to vector<256x128xf32>
    %select_n3A_216 = arith.select %eq3A_211, %broadcast_in_dim3A_213, %broadcast_in_dim3A_215 : vector<256x128xi1>, vector<256x128xf32>
    %swap3A_217 = arith.constant 0 : index
    %swap3A_218 = arith.constant 0 : index
    %swap3A_219 = vector.load %arg13[%swap3A_217, %swap3A_218] : memref<256x128xf32, #tpu.memory_space<vmem>>, vector<256x128xf32>
    tpu.vector_store %arg13[%swap3A_217, %swap3A_218], %select_n3A_216 {strides = array<i32>} : memref<256x128xf32, #tpu.memory_space<vmem>>, vector<256x128xf32>,
    return
  }
  func.func @transform_0(%arg0: i32) -> (i32, i32) {
    %c0_i32 = arith.constant 0 : i32
    %c0_i32_0 = arith.constant 0 : i32
    return %arg0, %c0_i32 : i32, i32
  }
  func.func @transform_1(%arg0: i32) -> (i32, i32) {
    %c0_i32 = arith.constant 0 : i32
    %c0_i32_0 = arith.constant 0 : i32
    return %arg0, %c0_i32 : i32, i32
  }
  func.func @transform_2(%arg0: i32) -> (i32, i32) {
    %c0_i32 = arith.constant 0 : i32
    %c0_i32_0 = arith.constant 0 : i32
    %c0_i32_1 = arith.constant 0 : i32
    return %c0_i32, %c0_i32_0 : i32, i32
  }
  func.func @transform_3(%arg0: i32) -> (i32, i32) {
    %c0_i32 = arith.constant 0 : i32
    %c0_i32_0 = arith.constant 0 : i32
    %c0_i32_1 = arith.constant 0 : i32
    return %c0_i32, %c0_i32_0 : i32, i32
  }
  func.func @transform_4(%arg0: i32) -> (i32, i32) {
    %c0_i32 = arith.constant 0 : i32
    %c0_i32_0 = arith.constant 0 : i32
    %c0_i32_1 = arith.constant 0 : i32
    return %c0_i32, %c0_i32_0 : i32, i32
  }
  func.func @transform_5(%arg0: i32) -> (i32, i32) {
    %c0_i32 = arith.constant 0 : i32
    %c0_i32_0 = arith.constant 0 : i32
    %c0_i32_1 = arith.constant 0 : i32
    return %c0_i32, %c0_i32_0 : i32, i32
  }
  func.func @transform_6(%arg0: i32) -> (i32, i32) {
    %c0_i32 = arith.constant 0 : i32
    %c0_i32_0 = arith.constant 0 : i32
    %c0_i32_1 = arith.constant 0 : i32
    return %c0_i32, %c0_i32_0 : i32, i32
  }
  func.func @transform_7(%arg0: i32) -> (i32, i32) {
    %c0_i32 = arith.constant 0 : i32
    %c0_i32_0 = arith.constant 0 : i32
    %c0_i32_1 = arith.constant 0 : i32
    return %c0_i32, %c0_i32_0 : i32, i32
  }
  func.func @transform_8(%arg0: i32) -> (i32, i32) {
    %c0_i32 = arith.constant 0 : i32
    %c0_i32_0 = arith.constant 0 : i32
    return %arg0, %c0_i32 : i32, i32
  }
  func.func @transform_9(%arg0: i32) -> (i32, i32) {
    %c0_i32 = arith.constant 0 : i32
    %c0_i32_0 = arith.constant 0 : i32
    return %arg0, %c0_i32 : i32, i32
  }
  func.func @transform_10(%arg0: i32) -> (i32, i32) {
    %c0_i32 = arith.constant 0 : i32
    %c0_i32_0 = arith.constant 0 : i32
    return %arg0, %c0_i32 : i32, i32
  }
  func.func @transform_11(%arg0: i32) -> (i32, i32) {
    %c0_i32 = arith.constant 0 : i32
    %c0_i32_0 = arith.constant 0 : i32
    return %arg0, %c0_i32 : i32, i32
  }
  func.func @transform_12(%arg0: i32) -> (i32, i32) {
    %c0_i32 = arith.constant 0 : i32
    %c0_i32_0 = arith.constant 0 : i32
    return %arg0, %c0_i32 : i32, i32
  }
}

module attributes {stable_mosaic.version = 14 : i64} {
  func.func @_gate_up_body(%arg0: i32, %arg1: i32, %arg2: memref<24xi32, #tpu.memory_space<smem>>, %arg3: memref<256x1024xf32, #tpu.memory_space<vmem>>, %arg4: memref<1x1024x512xf32, #tpu.memory_space<vmem>>, %arg5: memref<1x1x512xf32, #tpu.memory_space<vmem>>, %arg6: memref<1x1024x512xf32, #tpu.memory_space<vmem>>, %arg7: memref<1x1x512xf32, #tpu.memory_space<vmem>>, %arg8: memref<256x512xf32, #tpu.memory_space<vmem>>) attributes {dimension_semantics = [#tpu.dimension_semantics<arbitrary>, #tpu.dimension_semantics<arbitrary>], iteration_bounds = array<i64: 4, 24>, scalar_prefetch = 1 : i64, scratch_operands = 0 : i64, tpu.core_type = #tpu.core_type<tc>, window_params = [{transform_indices = @transform_0, window_bounds = array<i64: 256, 1024>}, {transform_indices = @transform_1, window_bounds = array<i64: 1, 1024, 512>}, {transform_indices = @transform_2, window_bounds = array<i64: 1, 1, 512>}, {transform_indices = @transform_3, window_bounds = array<i64: 1, 1024, 512>}, {transform_indices = @transform_4, window_bounds = array<i64: 1, 1, 512>}, {transform_indices = @transform_5, window_bounds = array<i64: 256, 512>}]} {
    %get3A = arith.constant 0 : index
    %get3A_0 = arith.constant 0 : index
    %get3A_1 = vector.load %arg3[%get3A, %get3A_0] : memref<256x1024xf32, #tpu.memory_space<vmem>>, vector<256x1024xf32>
    %get3A_2 = arith.constant 0 : index
    %get3A_3 = arith.constant 0 : index
    %get3A_4 = arith.constant 0 : index
    %get3A_5 = vector.load %arg4[%get3A_2, %get3A_3, %get3A_4] : memref<1x1024x512xf32, #tpu.memory_space<vmem>>, vector<1x1024x512xf32>
    %get3A_6 = vector.shape_cast %get3A_5 : vector<1x1024x512xf32> to vector<1024x512xf32>
    %dot_general3A = arith.constant dense<0.000000e+00> : vector<256x512xf32>
    %dot_general3A_7 = tpu.matmul %get3A_1, %get3A_6, %dot_general3A {dimension_numbers = #tpu.dot_dimension_numbers<[1], [0], [0], [1], [0, 0, 1, 1], [], []>, transpose_lhs_hint = false} : vector<256x1024xf32>, vector<1024x512xf32>, vector<256x512xf32> -> vector<256x512xf32>
    %get3A_8 = arith.constant 0 : index
    %get3A_9 = arith.constant 0 : index
    %get3A_10 = arith.constant 0 : index
    %get3A_11 = vector.load %arg5[%get3A_8, %get3A_9, %get3A_10] : memref<1x1x512xf32, #tpu.memory_space<vmem>>, vector<1x1x512xf32>
    %get3A_12 = vector.shape_cast %get3A_11 : vector<1x1x512xf32> to vector<1x512xf32>
    %add3A = vector.broadcast %get3A_12 : vector<1x512xf32> to vector<256x512xf32>
    %add3A_13 = arith.addf %dot_general3A_7, %add3A : vector<256x512xf32>
    %get3A_14 = arith.constant 0 : index
    %get3A_15 = arith.constant 0 : index
    %get3A_16 = arith.constant 0 : index
    %get3A_17 = vector.load %arg6[%get3A_14, %get3A_15, %get3A_16] : memref<1x1024x512xf32, #tpu.memory_space<vmem>>, vector<1x1024x512xf32>
    %get3A_18 = vector.shape_cast %get3A_17 : vector<1x1024x512xf32> to vector<1024x512xf32>
    %dot_general3A_19 = arith.constant dense<0.000000e+00> : vector<256x512xf32>
    %dot_general3A_20 = tpu.matmul %get3A_1, %get3A_18, %dot_general3A_19 {dimension_numbers = #tpu.dot_dimension_numbers<[1], [0], [0], [1], [0, 0, 1, 1], [], []>, transpose_lhs_hint = false} : vector<256x1024xf32>, vector<1024x512xf32>, vector<256x512xf32> -> vector<256x512xf32>
    %get3A_21 = arith.constant 0 : index
    %get3A_22 = arith.constant 0 : index
    %get3A_23 = arith.constant 0 : index
    %get3A_24 = vector.load %arg7[%get3A_21, %get3A_22, %get3A_23] : memref<1x1x512xf32, #tpu.memory_space<vmem>>, vector<1x1x512xf32>
    %get3A_25 = vector.shape_cast %get3A_24 : vector<1x1x512xf32> to vector<1x512xf32>
    %add3A_26 = vector.broadcast %get3A_25 : vector<1x512xf32> to vector<256x512xf32>
    %add3A_27 = arith.addf %dot_general3A_20, %add3A_26 : vector<256x512xf32>
    %logistic3A = arith.negf %add3A_13 : vector<256x512xf32>
    %logistic3A_28 = math.exp %logistic3A : vector<256x512xf32>
    %logistic3A_29 = arith.constant 1.000000e+00 : f32
    %logistic3A_30 = vector.broadcast %logistic3A_29 : f32 to vector<256x512xf32>
    %logistic3A_31 = arith.addf %logistic3A_30, %logistic3A_28 : vector<256x512xf32>
    %logistic3A_32 = arith.divf %logistic3A_30, %logistic3A_31 : vector<256x512xf32>
    %mul3A = arith.mulf %add3A_13, %logistic3A_32 : vector<256x512xf32>
    %mul3A_33 = arith.mulf %mul3A, %add3A_27 : vector<256x512xf32>
    %swap3A = arith.constant 0 : index
    %swap3A_34 = arith.constant 0 : index
    %swap3A_35 = vector.load %arg8[%swap3A, %swap3A_34] : memref<256x512xf32, #tpu.memory_space<vmem>>, vector<256x512xf32>
    tpu.vector_store %arg8[%swap3A, %swap3A_34], %mul3A_33 {strides = array<i32>} : memref<256x512xf32, #tpu.memory_space<vmem>>, vector<256x512xf32>,
    return
  }
  func.func @transform_0(%arg0: i32, %arg1: i32, %arg2: memref<24xi32, #tpu.memory_space<smem>>) -> (i32, i32) {
    %c0_i32 = arith.constant 0 : i32
    %c0_i32_0 = arith.constant 0 : i32
    return %arg1, %c0_i32 : i32, i32
  }
  func.func @transform_1(%arg0: i32, %arg1: i32, %arg2: memref<24xi32, #tpu.memory_space<smem>>) -> (i32, i32, i32) {
    %get3A = arith.index_cast %arg1 : i32 to index
    %get3A_0 = memref.load %arg2[%get3A] : memref<24xi32, #tpu.memory_space<smem>>
    %c0_i32 = arith.constant 0 : i32
    %c0_i32_1 = arith.constant 0 : i32
    return %get3A_0, %c0_i32, %arg0 : i32, i32, i32
  }
  func.func @transform_2(%arg0: i32, %arg1: i32, %arg2: memref<24xi32, #tpu.memory_space<smem>>) -> (i32, i32, i32) {
    %get3A = arith.index_cast %arg1 : i32 to index
    %get3A_0 = memref.load %arg2[%get3A] : memref<24xi32, #tpu.memory_space<smem>>
    %c0_i32 = arith.constant 0 : i32
    %c0_i32_1 = arith.constant 0 : i32
    return %get3A_0, %c0_i32, %arg0 : i32, i32, i32
  }
  func.func @transform_3(%arg0: i32, %arg1: i32, %arg2: memref<24xi32, #tpu.memory_space<smem>>) -> (i32, i32, i32) {
    %get3A = arith.index_cast %arg1 : i32 to index
    %get3A_0 = memref.load %arg2[%get3A] : memref<24xi32, #tpu.memory_space<smem>>
    %c0_i32 = arith.constant 0 : i32
    %c0_i32_1 = arith.constant 0 : i32
    return %get3A_0, %c0_i32, %arg0 : i32, i32, i32
  }
  func.func @transform_4(%arg0: i32, %arg1: i32, %arg2: memref<24xi32, #tpu.memory_space<smem>>) -> (i32, i32, i32) {
    %get3A = arith.index_cast %arg1 : i32 to index
    %get3A_0 = memref.load %arg2[%get3A] : memref<24xi32, #tpu.memory_space<smem>>
    %c0_i32 = arith.constant 0 : i32
    %c0_i32_1 = arith.constant 0 : i32
    return %get3A_0, %c0_i32, %arg0 : i32, i32, i32
  }
  func.func @transform_5(%arg0: i32, %arg1: i32, %arg2: memref<24xi32, #tpu.memory_space<smem>>) -> (i32, i32) {
    %c0_i32 = arith.constant 0 : i32
    return %arg1, %arg0 : i32, i32
  }
}

module attributes {stable_mosaic.version = 14 : i64} {
  func.func @_down_body(%arg0: i32, %arg1: memref<24xi32, #tpu.memory_space<smem>>, %arg2: memref<256x2048xf32, #tpu.memory_space<vmem>>, %arg3: memref<1x2048x1024xf32, #tpu.memory_space<vmem>>, %arg4: memref<1x1x1024xf32, #tpu.memory_space<vmem>>, %arg5: memref<256x1024xf32, #tpu.memory_space<vmem>>) attributes {dimension_semantics = [#tpu.dimension_semantics<arbitrary>], iteration_bounds = array<i64: 24>, scalar_prefetch = 1 : i64, scratch_operands = 0 : i64, tpu.core_type = #tpu.core_type<tc>, window_params = [{transform_indices = @transform_0, window_bounds = array<i64: 256, 2048>}, {transform_indices = @transform_1, window_bounds = array<i64: 1, 2048, 1024>}, {transform_indices = @transform_2, window_bounds = array<i64: 1, 1, 1024>}, {transform_indices = @transform_3, window_bounds = array<i64: 256, 1024>}]} {
    %get3A = arith.constant 0 : index
    %get3A_0 = arith.constant 0 : index
    %get3A_1 = vector.load %arg2[%get3A, %get3A_0] : memref<256x2048xf32, #tpu.memory_space<vmem>>, vector<256x2048xf32>
    %get3A_2 = arith.constant 0 : index
    %get3A_3 = arith.constant 0 : index
    %get3A_4 = arith.constant 0 : index
    %get3A_5 = vector.load %arg3[%get3A_2, %get3A_3, %get3A_4] : memref<1x2048x1024xf32, #tpu.memory_space<vmem>>, vector<1x2048x1024xf32>
    %get3A_6 = vector.shape_cast %get3A_5 : vector<1x2048x1024xf32> to vector<2048x1024xf32>
    %dot_general3A = arith.constant dense<0.000000e+00> : vector<256x1024xf32>
    %dot_general3A_7 = tpu.matmul %get3A_1, %get3A_6, %dot_general3A {dimension_numbers = #tpu.dot_dimension_numbers<[1], [0], [0], [1], [0, 0, 1, 1], [], []>, transpose_lhs_hint = false} : vector<256x2048xf32>, vector<2048x1024xf32>, vector<256x1024xf32> -> vector<256x1024xf32>
    %get3A_8 = arith.constant 0 : index
    %get3A_9 = arith.constant 0 : index
    %get3A_10 = arith.constant 0 : index
    %get3A_11 = vector.load %arg4[%get3A_8, %get3A_9, %get3A_10] : memref<1x1x1024xf32, #tpu.memory_space<vmem>>, vector<1x1x1024xf32>
    %get3A_12 = vector.shape_cast %get3A_11 : vector<1x1x1024xf32> to vector<1x1024xf32>
    %add3A = vector.broadcast %get3A_12 : vector<1x1024xf32> to vector<256x1024xf32>
    %add3A_13 = arith.addf %dot_general3A_7, %add3A : vector<256x1024xf32>
    %swap3A = arith.constant 0 : index
    %swap3A_14 = arith.constant 0 : index
    %swap3A_15 = vector.load %arg5[%swap3A, %swap3A_14] : memref<256x1024xf32, #tpu.memory_space<vmem>>, vector<256x1024xf32>
    tpu.vector_store %arg5[%swap3A, %swap3A_14], %add3A_13 {strides = array<i32>} : memref<256x1024xf32, #tpu.memory_space<vmem>>, vector<256x1024xf32>,
    return
  }
  func.func @transform_0(%arg0: i32, %arg1: memref<24xi32, #tpu.memory_space<smem>>) -> (i32, i32) {
    %c0_i32 = arith.constant 0 : i32
    %c0_i32_0 = arith.constant 0 : i32
    return %arg0, %c0_i32 : i32, i32
  }
  func.func @transform_1(%arg0: i32, %arg1: memref<24xi32, #tpu.memory_space<smem>>) -> (i32, i32, i32) {
    %get3A = arith.index_cast %arg0 : i32 to index
    %get3A_0 = memref.load %arg1[%get3A] : memref<24xi32, #tpu.memory_space<smem>>
    %c0_i32 = arith.constant 0 : i32
    %c0_i32_1 = arith.constant 0 : i32
    %c0_i32_2 = arith.constant 0 : i32
    return %get3A_0, %c0_i32, %c0_i32_1 : i32, i32, i32
  }
  func.func @transform_2(%arg0: i32, %arg1: memref<24xi32, #tpu.memory_space<smem>>) -> (i32, i32, i32) {
    %get3A = arith.index_cast %arg0 : i32 to index
    %get3A_0 = memref.load %arg1[%get3A] : memref<24xi32, #tpu.memory_space<smem>>
    %c0_i32 = arith.constant 0 : i32
    %c0_i32_1 = arith.constant 0 : i32
    %c0_i32_2 = arith.constant 0 : i32
    return %get3A_0, %c0_i32, %c0_i32_1 : i32, i32, i32
  }
  func.func @transform_3(%arg0: i32, %arg1: memref<24xi32, #tpu.memory_space<smem>>) -> (i32, i32) {
    %c0_i32 = arith.constant 0 : i32
    %c0_i32_0 = arith.constant 0 : i32
    return %arg0, %c0_i32 : i32, i32
  }
}

module attributes {stable_mosaic.version = 14 : i64} {
  func.func @_combine_body(%arg0: i32, %arg1: memref<256x1024xf32, #tpu.memory_space<vmem>>, %arg2: memref<256x2048xf32, #tpu.memory_space<vmem>>, %arg3: memref<256x128xf32, #tpu.memory_space<vmem>>, %arg4: memref<256x1024xf32, #tpu.memory_space<vmem>>) attributes {dimension_semantics = [#tpu.dimension_semantics<arbitrary>], iteration_bounds = array<i64: 8>, scalar_prefetch = 0 : i64, scratch_operands = 0 : i64, tpu.core_type = #tpu.core_type<tc>, window_params = [{transform_indices = @transform_0, window_bounds = array<i64: 256, 1024>}, {transform_indices = @transform_1, window_bounds = array<i64: 256, 2048>}, {transform_indices = @transform_2, window_bounds = array<i64: 256, 128>}, {transform_indices = @transform_3, window_bounds = array<i64: 256, 1024>}]} {
    %get3A = arith.constant 0 : index
    %get3A_0 = arith.constant 0 : index
    %get3A_1 = vector.load %arg3[%get3A, %get3A_0] : memref<256x128xf32, #tpu.memory_space<vmem>>, vector<256x1xf32>
    %get3A_2 = arith.constant 0 : index
    %get3A_3 = arith.constant 1 : index
    %get3A_4 = vector.load %arg3[%get3A_2, %get3A_3] : memref<256x128xf32, #tpu.memory_space<vmem>>, vector<256x1xf32>
    %get3A_5 = arith.constant 0 : index
    %get3A_6 = arith.constant 0 : index
    %get3A_7 = vector.load %arg1[%get3A_5, %get3A_6] : memref<256x1024xf32, #tpu.memory_space<vmem>>, vector<256x1024xf32>
    %get3A_8 = arith.constant 0 : index
    %get3A_9 = arith.constant 0 : index
    %get3A_10 = vector.load %arg2[%get3A_8, %get3A_9] : memref<256x2048xf32, #tpu.memory_space<vmem>>, vector<256x1024xf32>
    %mul3A = vector.broadcast %get3A_1 : vector<256x1xf32> to vector<256x1024xf32>
    %mul3A_11 = arith.mulf %mul3A, %get3A_10 : vector<256x1024xf32>
    %add3A = arith.addf %get3A_7, %mul3A_11 : vector<256x1024xf32>
    %get3A_12 = arith.constant 0 : index
    %get3A_13 = arith.constant 1024 : index
    %get3A_14 = vector.load %arg2[%get3A_12, %get3A_13] : memref<256x2048xf32, #tpu.memory_space<vmem>>, vector<256x1024xf32>
    %mul3A_15 = vector.broadcast %get3A_4 : vector<256x1xf32> to vector<256x1024xf32>
    %mul3A_16 = arith.mulf %mul3A_15, %get3A_14 : vector<256x1024xf32>
    %add3A_17 = arith.addf %add3A, %mul3A_16 : vector<256x1024xf32>
    %swap3A = arith.constant 0 : index
    %swap3A_18 = arith.constant 0 : index
    %swap3A_19 = vector.load %arg4[%swap3A, %swap3A_18] : memref<256x1024xf32, #tpu.memory_space<vmem>>, vector<256x1024xf32>
    tpu.vector_store %arg4[%swap3A, %swap3A_18], %add3A_17 {strides = array<i32>} : memref<256x1024xf32, #tpu.memory_space<vmem>>, vector<256x1024xf32>,
    return
  }
  func.func @transform_0(%arg0: i32) -> (i32, i32) {
    %c0_i32 = arith.constant 0 : i32
    %c0_i32_0 = arith.constant 0 : i32
    return %arg0, %c0_i32 : i32, i32
  }
  func.func @transform_1(%arg0: i32) -> (i32, i32) {
    %c0_i32 = arith.constant 0 : i32
    %c0_i32_0 = arith.constant 0 : i32
    return %arg0, %c0_i32 : i32, i32
  }
  func.func @transform_2(%arg0: i32) -> (i32, i32) {
    %c0_i32 = arith.constant 0 : i32
    %c0_i32_0 = arith.constant 0 : i32
    return %arg0, %c0_i32 : i32, i32
  }
  func.func @transform_3(%arg0: i32) -> (i32, i32) {
    %c0_i32 = arith.constant 0 : i32
    %c0_i32_0 = arith.constant 0 : i32
    return %arg0, %c0_i32 : i32, i32
  }
}

</mosaic_0001>

<sc_bundles>
// kernel: gather_offload_async_start
scs
__scs_entry_jumppad:
0x0: {  	(pc) =	sbr.rel $0x88, $3  }
0x1: {  	(tag) =	ssettag $0x0;
	lr =	simm.s32 $0x1  }
0x2: {  	[smem:$0x3F8C] =	sst lr;
	_ =	strace $0xD0000000  }
0x3: {  	_ = 	snop  }
0x4: {  	_ = 	snop  }
0x5: {  	_ = 	snop  }
0x6: {  	_ = 	snop  }
0x7: {  	_ = 	snop  }
__scs_overlays_trampoline_lowered:
0x8: {  	[smem:$0x3F9B] =	sst s0  }
0x9: {  	[smem:$0x3F9C] =	sst s1  }
0xa: {  	[smem:$0x3F9D] =	sst s2  }
0xb: {  	[smem:$0x3F9E] =	sst s3  }
0xc: {  	[smem:$0x3F9F] =	sst s4  }
0xd: {  	[smem:$0x3FA0] =	sst s5  }
0xe: {  	[smem:$0x3FA1] =	sst s6  }
0xf: {  	[smem:$0x3FA2] =	sst s7  }
0x10: {  	[smem:$0x3FA3] =	sst s8  }
0x11: {  	[smem:$0x3FA4] =	sst s9;
	s0 =	simm.s32 @!p0 $0x0  }
0x12: {  	s1 =	sld [smem:$0x3F8A];
	s0 =	simm.s32 @p0 $0x1  }
0x13: {  	[smem:$0x3FA5] =	sst s0;
	s0 =	simm.s32 @!p1 $0x0  }
0x14: {  	s2 =	sld [smem:$0x3F89];
	s0 =	simm.s32 @p1 $0x1  }
0x15: {  	[smem:$0x3FA6] =	sst s0;
	s0 =	simm.s32 @!p2 $0x0  }
0x16: {  	s3 =	sld [smem:$0x3FDB];
	s0 =	simm.s32 @p2 $0x1  }
0x17: {  	s4 =	simm.s32 $0x1BF5;
	[smem:$0x3FA8] =	sst s0  }
0x18: {  	s0 =	sld [smem:$0x3F8B];
	_ =	swait.ge [sflag:s4], $0x0  }
0x19: {  	s7 =	sld [smem:$0x3F8C]  }
0x1a: {  	s8 =	sadd.s32 $0xFFFFE003, lr  }
0x1b: {  	s9 =	sadd.s32 $0xFFFFFEF7, lr;
	s5 =	simm.s32 $0xFFFFFFFF;
	p2 =	slt.u32 s8, $0xFFFFF086  }
0x1c: {  	p1 =	slt.u32 s9, $0xF7A;
	s5 =	simm.s32 @!p2 $0x0  }
0x1d: {  	s5 =	simm.s32 @p1 $0x1;
	p0 =	seq.s32 s7, s2  }
0x1e: {  	s7 =	smul.u32 @!p0 $0xF7A, s2;
	p2 =	seq.s32 @!p0 s5, $0x0  }
0x1f: {  	s9 =	smul.u32 $0xF7A, s1;
	s8 =	simm.s32 @!p0 $0x1BF5;
	p2 =	por !p2, p0  }
0x20: {  	[sflag:s8] =	ssyncset.s32 @!p0 $0xFFFFF086;
	s6 =	sadd.s32 @!p0 s3, s7;
	s7 =	simm.s32 @!p0 $0x108  }
0x21: {  	s3 =	sadd.s32 s3, s9;
	s6 =	sadd.s32 @!p0 $0x88, s6;
	s7 =	simm.s32 @p2 $0x1082  }
0x22: {  	[simem:s7], [sflag:s8] =	dma.local @!p0 [hbm:s6], $0xF7A  }
0x23: {  	s9 =	sor.u32 $0xD0000000, s2;
	s6 =	simm.s32 $0x108;
	_ =	swait.ge @!p0 [sflag:s8], $0x0  }
0x24: {  	s3 =	sadd.s32 $0x88, s3;
	s6 =	simm.s32 @!p1 $0x1082;
	[sflag:s4] =	ssyncset.s32 $0xFFFFF086  }
0x25: {  	[simem:s6], [sflag:s4] =	dma.local [hbm:s3], $0xF7A  }
0x26: {  	[smem:$0x3F8C] =	sst s1;
	(tag) =	ssettag s2;
	_ =	strace s9  }
0x27: {  	s1 =	sld [smem:$0x3F9C]  }
0x28: {  	s2 =	sld [smem:$0x3F9D]  }
0x29: {  	s4 =	sld [smem:$0x3F9F]  }
0x2a: {  	p0 =	seq.s32 s5, $0x0;
	s5 =	sld [smem:$0x3FA0]  }
0x2b: {  	s6 =	sld [smem:$0x3FA1]  }
0x2c: {  	s7 =	sld [smem:$0x3FA2]  }
0x2d: {  	s3 =	simm.s32 $0x108;
	s8 =	sld [smem:$0x3FA3]  }
0x2e: {  	s3 =	simm.s32 @!p0 $0x1082;
	s9 =	sld [smem:$0x3FA4]  }
0x2f: {  	lr =	sadd.s32 s0, s3;
	s0 =	sld [smem:$0x3F9B]  }
0x30: {  	s3 =	sld [smem:$0x3F9E]  }
0x31: {  	[smem:$0x3FA7] =	sst s10  }
0x32: {  	s10 =	sld [smem:$0x3FA5];
	_ =	sdelay $0x3  }
0x33: {  	p0 =	seq.s32 s10, $0x1;
	s10 =	sld [smem:$0x3FA7];
	_ =	sdelay $0x3  }
0x34: {  	[smem:$0x3FA7] =	sst s10  }
0x35: {  	s10 =	sld [smem:$0x3FA6];
	_ =	sdelay $0x3  }
0x36: {  	p1 =	seq.s32 s10, $0x1;
	s10 =	sld [smem:$0x3FA7];
	_ =	sdelay $0x3  }
0x37: {  	[smem:$0x3FA7] =	sst s10  }
0x38: {  	s10 =	sld [smem:$0x3FA8]  }
0x39: {  	_ = 	snop;
	(pc) =	sbr.ind lr, $3  }
0x3a: {  	_ = 	snop  }
0x3b: {  	_ = 	snop  }
0x3c: {  	p2 =	seq.s32 s10, $0x1;
	s10 =	sld [smem:$0x3FA7]  }
0x3d: {  	_ =	shalt  }
0x3e: {  	_ =	shalt  }
0x3f: {  	_ =	shalt  }
0x40: {  	_ =	shalt  }
0x41: {  	_ =	shalt  }
0x42: {  	_ =	shalt  }
0x43: {  	_ =	shalt  }
0x44: {  	_ =	shalt  }
0x45: {  	_ =	shalt  }
0x46: {  	_ =	shalt  }
0x47: {  	_ =	shalt  }
0x48: {  	_ =	shalt  }
0x49: {  	_ =	shalt  }
0x4a: {  	_ =	shalt  }
0x4b: {  	_ =	shalt  }
0x4c: {  	_ =	shalt  }
0x4d: {  	_ =	shalt  }
0x4e: {  	_ =	shalt  }
0x4f: {  	_ =	shalt  }
0x50: {  	_ =	shalt  }
0x51: {  	_ =	shalt  }
0x52: {  	_ =	shalt  }
0x53: {  	_ =	shalt  }
0x54: {  	_ =	shalt  }
0x55: {  	_ =	shalt  }
0x56: {  	_ =	shalt  }
0x57: {  	_ =	shalt  }
0x58: {  	_ =	shalt  }
0x59: {  	_ =	shalt  }
0x5a: {  	_ =	shalt  }
0x5b: {  	_ =	shalt  }
0x5c: {  	_ =	shalt  }
0x5d: {  	_ =	shalt  }
0x5e: {  	_ =	shalt  }
0x5f: {  	_ =	shalt  }
0x60: {  	_ =	shalt  }
0x61: {  	_ =	shalt  }
0x62: {  	_ =	shalt  }
0x63: {  	_ =	shalt  }
0x64: {  	_ =	shalt  }
0x65: {  	_ =	shalt  }
0x66: {  	_ =	shalt  }
0x67: {  	_ =	shalt  }
0x68: {  	_ =	shalt  }
0x69: {  	_ =	shalt  }
0x6a: {  	_ =	shalt  }
0x6b: {  	_ =	shalt  }
0x6c: {  	_ =	shalt  }
0x6d: {  	_ =	shalt  }
0x6e: {  	_ =	shalt  }
0x6f: {  	_ =	shalt  }
0x70: {  	_ =	shalt  }
0x71: {  	_ =	shalt  }
0x72: {  	_ =	shalt  }
0x73: {  	_ =	shalt  }
0x74: {  	_ =	shalt  }
0x75: {  	_ =	shalt  }
0x76: {  	_ =	shalt  }
0x77: {  	_ =	shalt  }
0x78: {  	_ =	shalt  }
0x79: {  	_ =	shalt  }
0x7a: {  	_ =	shalt  }
0x7b: {  	_ =	shalt  }
0x7c: {  	_ =	shalt  }
0x7d: {  	_ =	shalt  }
0x7e: {  	_ =	shalt  }
0x7f: {  	_ =	shalt  }
0x80: {  	_ =	shalt  }
0x81: {  	_ =	shalt  }
0x82: {  	_ =	shalt  }
0x83: {  	_ =	shalt  }
0x84: {  	_ =	shalt  }
0x85: {  	_ =	shalt  }
0x86: {  	_ =	shalt  }
0x87: {  	_ =	shalt  }
.Lfunc_end0:
.L_simem_size_0:
called_computation_lowered:
.L_overlay_start_0:
0x88: {  	s2 =	sld [smem:$0x3FD9]  }
0x89: {  	s3 =	sld [smem:$0x3FFE];
	_ =	sdelay $0x1  }
0x8a: {  	s1 =	srdreg.scid  }
0x8b: {  	s0 =	sand.u32 $0x1, s1  }
0x8c: {  	s14 =	sshll.u32 s0, $0xA;
	s2 =	sadd.s32 s3, s2  }
0x8d: {  	s2 =	sadd.s32 s2, s14  }
0x8e: {  	[smem:$0x3FB3] =	sst s2  }
0x8f: {  	_ = 	snop  }
0x90: {  	s2 =	sld [smem:$0x3FD0];
	_ =	sdelay $0x2  }
0x91: {  	s15 =	simm.s32 $0xA;
	s4 =	simm.s32 $0x10  }
0x92: {  	[smem:s4], [sflag:s15] =	dma.local [hbm:s2], $0x1  }
0x93: {  	_ =	swait.eq [sflag:s15], $0x1  }
0x94: {  	[sflag:s15] =	ssyncset.done $0x0  }
0x95: {  	s16 =	sld [smem:$0x11];
	[sflag:s15] =	ssyncadd.s32 $0xFFFFFFFF  }
0x96: {  	s17 =	sld [smem:$0x12];
	(tm) =	ssettm $0x1  }
0x97: {  	s18 =	sld [smem:$0x3FFB];
	_ =	sdelay $0x3  }
0x98: {  	_ =	strace s18  }
0x99: {  	s4 =	sld [smem:$0x3FFC];
	_ =	sdelay $0x3  }
0x9a: {  	_ =	strace s4  }
0x9b: {  	s4 =	sld [smem:$0x3FFD];
	_ =	sdelay $0x3  }
0x9c: {  	_ =	strace s4  }
0x9d: {  	_ =	strace $0x8FFFFFFF  }
0x9e: {  	s19 =	sld [smem:$0x3FDB];
	_ =	sdelay $0x1  }
0x9f: {  	s5 =	simm.s32 $_scs_section_size  }
0xa0: {  	s6 =	simm.s32 $_size__tile_overlayer_lowered;
	s7 =	simm.s32 $_tile_overlayer_lowered  }
0xa1: {  	s22 =	simm.s32 $0x1BFF;
	s21 =	sshll.u32 s7, $0x1;
	s4 =	sadd.s32 s5, s19  }
0xa2: {  	s8 =	simm.s32 $0x0;
	s20 =	sshll.u32 s6, $0x1;
	s6 =	sadd.s32 s21, s4  }
0xa3: {  	[timem:s8], [sflag:s22] =	dma.local [hbm:s6], s20  }
0xa4: {  	_ =	swait.ge [sflag:s22], s20  }
0xa5: {  	s5 =	ssub.s32 $0x0, s20;
	[sflag:s22] =	ssyncset.done $0x0  }
0xa6: {  	[sflag:s22] =	ssyncadd.s32 s5;
	_ =	sdelay $0x1  }
0xa7: {  	s23 =	simm.s32 $0x1B8B  }
0xa8: {  	_ =	swait.ge [sflag:s23], $0x1  }
0xa9: {  	[sflag:s23] =	ssyncset.done $0x0  }
0xaa: {  	s25 =	simm.s32 $0x1B8E;
	s24 =	sld [smem:$0x3FFE];
	[sflag:s23] =	ssyncadd.s32 $0xFFFFFFFF  }
0xab: {  	s26 =	simm.s32 $execute0_lowered;
	[smem:$0x3FD2] =	sst s25  }
0xac: {  	s6 =	sshll.u32 s26, $0x1;
	_ =	strace $0x80000046;
	[dreg:$0x1] =	wrdreg $0xFFFFFFFF  }
0xad: {  	s28 =	simm.s32 $_size_execute0_lowered;
	s4 =	sadd.s32 s4, s6;
	[dreg:$0x0] =	wrdreg $0x0  }
0xae: {  	s6 =	sshll.u32 s28, $0x1;
	[dreg:$0x2] =	wrdreg s4  }
0xaf: {  	[dreg:$0x3] =	wrdreg s6  }
0xb0: {  	[dreg:$0x4] =	wrdreg $0xC0  }
0xb1: {  	_ =	task [dreg:s8], $0x5FFFF  }
0xb2: {  	[dreg:$0x1] =	wrdreg $0xFFFFFFFF  }
0xb3: {  	[dreg:$0x0] =	wrdreg $0x60  }
0xb4: {  	[dreg:$0x2] =	wrdreg s17  }
0xb5: {  	[dreg:$0x3] =	wrdreg s16  }
0xb6: {  	[dreg:$0x4] =	wrdreg s24  }
0xb7: {  	[dreg:$0x5] =	wrdreg $0x9  }
0xb8: {  	_ =	task.clear_ibuf [dreg:s8], $0x6FFFF;
	_ =	strace $0x90000046  }
0xb9: {  	s29 =	simm.s32 $0x9;
	_ =	strace $0x80000048  }
0xba: {  	_ =	swait.ge [sflag:s29], $0x1  }
0xbb: {  	[sflag:s29] =	ssyncadd.s32 $0xFFFFFFFF  }
0xbc: {  	_ =	strace $0x90000048  }
0xbd: {  	_ =	sfence  }
0xbe: {  	s30 =	sld [smem:$0x0];
	_ =	sdelay $0x2  }
0xbf: {  	s31 =	sshll.u32 s1, $0xD;
	s1 =	sshrl.u32 s1, $0x2  }
0xc0: {  	s3 =	sand.u32 $0x4000, s31;
	s1 =	sadd.s32 s1, s30  }
0xc1: {  	s0 =	sor.u32 s3, s0;
	s1 =	sshll.u32 s1, $0x11  }
0xc2: {  	s0 =	sor.u32 s1, s0  }
0xc3: {  	s0 =	sadd.s32 $0x8F2B, s0  }
0xc4: {  	[sflag:s0] =	ssyncadd.remote.s32 $0x1  }
0xc5: {  	_ =	sfence.sel $0xFFFF  }
0xc6: {  	[dreg:$0x0] =	wrdreg $0xFFFFFFFF;
	(pc) =	sbr.abs _section_cstart, $3  }
0xc7: {  	[dreg:$0x1] =	wrdreg $0xFFFFFFFF  }
0xc8: {  	_ =	task.clear_ibuf [dreg:s8], $0x2FFFF;
	_ =	strace $0x9FFFFFFF  }
0xc9: {  	(tm) =	ssettm $0x7FFFFFFF  }
tec
execute0_lowered:
.L_overlay_start_1:
0x0: {  	(tag) =	ssettag $0x1  }
0x1: {  	s2 =	rddreg [dreg:$0x0]  }
0x2: {  	s1 =	srdreg.scid;
	s3 =	rddreg [dreg:$0x1]  }
0x3: {  	s0 =	stileid.u32;
	s5 =	rddreg [dreg:$0x2]  }
0x4: {  	s9 =	simm.s32 $0x1;
	s10 =	simm.s32 $0x3;
	s1 =	sshll.u32 s1, $0x6  }
0x5: {  	s13 =	simm.s32 $0x0;
	s4 =	sshll.u32 s0, $0x7;
	s6 =	sand.u32 $0x40, s1  }
0x6: {  	s12 =	simm.s32 $0x0;
	s5 =	sadd.s32 $0x3600, s5;
	s4 =	sor.u32 s4, s6  }
0x7: {  	s1 =	rddreg [dreg:$0x3];
	_ =	strace $0x80000047;
	s8 =	ssub.s32 $0x1000, s4  }
.Ltmp0:
0x8: {  	s6 =	simm.s32 $0x1;
	s7 =	sand.u32 $0x7C0, s8;
	(pc) =	sbr.rel .LBB2_1-.Ltmp0, $4  }
0x9: {  	[sflag:s6] =	ssyncpa.u1 $0x0;
	s11 =	smov.u32 s4;
	p0 =	sne.s32 s7, $0x0  }
0xa: {  	s8 =	sshrl.u32 s8, $0xB;
	s7 =	simm.s32 $0x2;
	s9 =	simm.s32 @!p0 $0x0  }
0xb: {  	[sflag:s7] =	ssyncpa.u1 $0x0;
	p0 =	por $0x0, $0x0;
	s8 =	sadd.s32 s9, s8  }
0xc: {  	vm0 =	vmmov $0xffff;
	[sflag:s10] =	ssyncpa.u1 $0x0;
	s10 =	simm.s32 $0x0;
	s9 =	sadd.s32 $0x1, s8  }
.LBB2_4:
0xd: {  	v2 =	vnsel vm1, $0x0, v2  }
0xe: {  	vm1 =	vgt.s32 v0, $0x0;
	v2 =	vmin.u32 v2, $0xFFF  }
0xf: {  	v0 =	vnsel vm1, $0x0, v0  }
0x10: {  	v0 =	vmin.u32 v0, $0xFFF  }
0x11: {  	[tilespmem:s15], [sflag:$0x1] =	stream.indirect_vreg.gather [hbm4b:s2+s10], $0x1, v1, vm0, $0x4038;
	[tilespmem:$0x100] =	vst v63  }
0x12: {  	(ifvalue) =	ssetifvalue $0x7FFFFFFF  }
0x13: {  	[tilespmem:s16], [sflag:$0x1] =	stream.indirect_vreg.gather [hbm4b:s2+s10], $0x1, v2, vm0, $0x4038;
	[tilespmem:$0x100] =	vst v63  }
0x14: {  	s29 =	sadd.s32 $0x10, s16;
	(ifvalue) =	ssetifvalue $0x7FFFFFFF  }
0x15: {  	[tilespmem:s29], [sflag:$0x1] =	stream.indirect_vreg.gather [hbm4b:s2+s10], $0x1, v0, vm0, $0x4038;
	[tilespmem:$0x100] =	vst v63  }
0x16: {  	_ =	swait.ge [sflag:s6], $0x40  }
0x17: {  	s30 =	sshrl.u32 s13, $0x3;
	[sflag:s6] =	ssyncset.done $0x0  }
0x18: {  	s31 =	sand.u32 $0x7, s13;
	s15 =	sadd.s32 s5, s30;
	[sflag:s6] =	ssyncadd.s32 $0xFFFFFFC0  }
0x19: {  	[hbm4b:s15+s31] =	stream.linear.scatter [tilespmem:s14], [sflag:$0x3], $0x40, $0x38;
	[tilespmem:$0x100] =	vst v63  }
.LBB2_5:
0x1a: {  	s15 =	sadd.s32 $0x800, s11  }
0x1b: {  	p2 =	sgt.s32 s15, $0xFFF  }
0x1c: {  	s15 =	smov.u32 @p2 s4;
	p2 =	sne.s32 s12, s9  }
.Ltmp1:
0x1d: {  	p1 =	slt.u32 s12, $0x2;
	(pc) =	sbr.rel @!p2 .LBB2_6-.Ltmp1, $4  }
0x1e: {  	s14 =	simm.s32 @!p1 $0x3  }
0x1f: {  	s16 =	sadd.s32 $0x1, s12;
	_ =	swait.ge @!p1 [sflag:s14], $0x40  }
0x20: {  	s13 =	smov.u32 s11;
	p0 =	por !p0, !p0;
	[sflag:s14] =	ssyncset.done @!p1 $0x0  }
0x21: {  	s12 =	smov.u32 s16;
	s11 =	smov.u32 s15;
	[sflag:s14] =	ssyncadd.s32 @!p1 $0xFFFFFFC0  }
.LBB2_1:
0x22: {  	p1 =	sge.u32 s12, s8  }
0x23: {  	s14 =	sxor.u32 @!p1 $0xFFFFFFFF, s12  }
0x24: {  	s31 =	sadd.s32 $0xFFFFFFFF, s12;
	s15 =	sshrl.u32 @!p1 s11, $0x3;
	s14 =	sshll.u32 @!p1 s14, $0x6  }
0x25: {  	s16 =	sand.u32 @!p1 $0x7, s11;
	s15 =	sadd.s32 @!p1 s3, s15;
	s14 =	sand.u32 @!p1 $0x40, s14  }
0x26: {  	[tilespmem:s14], [sflag:$0x2] =	stream.linear.gather @!p1 [hbm4b:s15+s16], $0x40, $0x38;
	[tilespmem:$0x100] =	vst v63  }
0x27: {  	p1 =	sge.u32 s31, s8  }
.Ltmp2:
0x28: {  	_ = 	snop;
	(pc) =	sbr.rel @p1 .LBB2_5-.Ltmp2, $1  }
0x29: {  	_ =	sdelay $0x3  }
0x2a: {  	s14 =	simm.s32 $0x1  }
0x2b: {  	_ =	swait.ge [sflag:s7], $0x40;
	s14 =	simm.s32 @!p0 $0x0  }
0x2c: {  	[sflag:s7] =	ssyncset.done $0x0;
	s14 =	sshll.u32 s14, $0x6  }
0x2d: {  	[sflag:s7] =	ssyncadd.s32 $0xFFFFFFC0;
	(ifvalue) =	ssetifvalue $0x7FFFFFFF;
	v0 =	vld.msk [tilespmem:s14+$0x0 ss:$0x1], $0xffff;
	_ =	sdelay $0x4  }
0x2e: {  	s15 =	sadd.s32 $0x10, s14;
	vm1 =	vgt.s32 v0, $0x0  }
0x2f: {  	v2 =	vld.msk [tilespmem:s15+$0x0 ss:$0x1], $0xffff;
	v1 =	vnsel vm1, $0x0, v0  }
0x30: {  	v1 =	vmin.u32 v1, $0xFFF;
	_ =	sdelay $0x1  }
0x31: {  	s16 =	sshll.u32 s12, $0x6;
	s18 =	simm.s32 $0x20  }
0x32: {  	s16 =	sand.u32 $0x40, s16;
	s17 =	sadd.s32 $0x10, s15;
	s15 =	sor.u32 $0x80, s14  }
0x33: {  	s14 =	sor.u32 $0x80, s16;
	s16 =	sadd.s32 $0x10, s15;
	v0 =	vld.msk [tilespmem:s17+$0x0 ss:$0x1], $0xffff;
	vm1 =	vgt.s32 v2, $0x0;
	(ifvalue) =	ssetifvalue $0x7FFFFFFF  }
.LBB2_3:
0x34: {  	[tilespmem:s15], [sflag:$0x1] =	stream.indirect_vreg.gather [hbm4b:s2+s10], $0x1, v1, vm0, $0x4038;
	[tilespmem:$0x100] =	vst v63  }
0x35: {  	s18 =	sadd.s32 $0x10, s18  }
0x36: {  	v2 =	vnsel vm1, $0x0, v2;
	p1 =	slt.u32 s18, $0x30  }
.Ltmp3:
0x37: {  	s15 =	smov.u32 s16;
	v1 =	vmin.u32 v2, $0xFFF;
	(pc) =	sbr.rel @p1 .LBB2_3-.Ltmp3, $3  }
0x38: {  	_ =	sdelay $0x1  }
0x39: {  	s17 =	sadd.s32 $0x10, s17  }
0x3a: {  	vm1 =	vgt.s32 v0, $0x0;
	s16 =	sadd.s32 $0x10, s16;
	v2 =	vmov v0;
	(ifvalue) =	ssetifvalue $0x7FFFFFFF;
	v0 =	vld.msk [tilespmem:s17+$0x0 ss:$0x1], $0xffff  }
.Ltmp4:
0x3b: {  	_ = 	snop;
	(pc) =	sbr.rel .LBB2_4-.Ltmp4, $1  }
0x3c: {  	_ =	sdelay $0x3  }
.LBB2_6:
0x3d: {  	_ =	sfence.sel $0x180000  }
0x3e: {  	s2 =	simm.s32 $0x2;
	[bflag:$0x0] =	sbarrier.arrive $0xFFFF  }
0x3f: {  	s30 =	simm.s32 $0x3;
	[sflag:s2] =	ssyncpa.u1 $0x1  }
0x40: {  	s31 =	simm.s32 $0x1;
	[sflag:s30] =	ssyncpa.u1 $0x1  }
0x41: {  	[sflag:s31] =	ssyncpa.u1 $0x1  }
0x42: {  	p0 =	sne.s32 s0, $0x0;
	_ =	strace $0x90000047  }
0x43: {  	s0 =	sadd.s32 @!p0 $0x100000, s1;
	[bflag:$0x2] =	sbarrier.arrive $0xFFFF  }
0x44: {  	[sflag:s0] =	ssyncadd.tile.s32 @!p0 $0x1;
	_ =	shalt  }
.Lfunc_end2:
_tile_overlayer_lowered:
.L_overlay_start_2:
0x45: {  	(tag) =	ssettag $0x2  }
0x46: {  	s0 =	rddreg [dreg:$0x0];
	s2 =	stileid.u32  }
0x47: {  	s1 =	rddreg [dreg:$0x1];
	p0 =	sne.s32 s2, $0x0  }
0x48: {  	s3 =	rddreg [dreg:$0x2];
	[bflag:$0x3] =	sbarrier.arrive $0xFFFF;
	s2 =	simm.s32 @!p0 $0x1C01  }
0x49: {  	[timem:s3], [sflag:s2] =	dma.local @!p0 [hbm:s0], s1  }
0x4a: {  	s0 =	simm.s32 @!p0 $0x1  }
0x4b: {  	_ =	swait.ge @!p0 [sflag:s0], s1  }
0x4c: {  	s1 =	ssub.s32 @!p0 $0x0, s1;
	[sflag:s0] =	ssyncset.done @!p0 $0x0  }
0x4d: {  	[sflag:s0] =	ssyncadd.s32 @!p0 s1  }
0x4e: {  	[bflag:$0x3] =	sbarrier.arrive $0xFFFF  }
0x4f: {  	_ =	shalt  }

// kernel: kernel.10.cloned.1.call-start
scs
__scs_entry_jumppad:
0x0: {  	(pc) =	sbr.rel $0x88, $3  }
0x1: {  	(tag) =	ssettag $0x0;
	lr =	simm.s32 $0x1  }
0x2: {  	[smem:$0x3F8C] =	sst lr;
	_ =	strace $0xD0000000  }
0x3: {  	_ = 	snop  }
0x4: {  	_ = 	snop  }
0x5: {  	_ = 	snop  }
0x6: {  	_ = 	snop  }
0x7: {  	_ = 	snop  }
__scs_overlays_trampoline_lowered:
0x8: {  	[smem:$0x3F9B] =	sst s0  }
0x9: {  	[smem:$0x3F9C] =	sst s1  }
0xa: {  	[smem:$0x3F9D] =	sst s2  }
0xb: {  	[smem:$0x3F9E] =	sst s3  }
0xc: {  	[smem:$0x3F9F] =	sst s4  }
0xd: {  	[smem:$0x3FA0] =	sst s5  }
0xe: {  	[smem:$0x3FA1] =	sst s6  }
0xf: {  	[smem:$0x3FA2] =	sst s7  }
0x10: {  	[smem:$0x3FA3] =	sst s8  }
0x11: {  	[smem:$0x3FA4] =	sst s9;
	s0 =	simm.s32 @!p0 $0x0  }
0x12: {  	s1 =	sld [smem:$0x3F8A];
	s0 =	simm.s32 @p0 $0x1  }
0x13: {  	[smem:$0x3FA5] =	sst s0;
	s0 =	simm.s32 @!p1 $0x0  }
0x14: {  	s2 =	sld [smem:$0x3F89];
	s0 =	simm.s32 @p1 $0x1  }
0x15: {  	[smem:$0x3FA6] =	sst s0;
	s0 =	simm.s32 @!p2 $0x0  }
0x16: {  	s3 =	sld [smem:$0x3FDB];
	s0 =	simm.s32 @p2 $0x1  }
0x17: {  	s4 =	simm.s32 $0x1BF5;
	[smem:$0x3FA8] =	sst s0  }
0x18: {  	s0 =	sld [smem:$0x3F8B];
	_ =	swait.ge [sflag:s4], $0x0  }
0x19: {  	s7 =	sld [smem:$0x3F8C]  }
0x1a: {  	s8 =	sadd.s32 $0xFFFFE003, lr  }
0x1b: {  	s9 =	sadd.s32 $0xFFFFFEF7, lr;
	s5 =	simm.s32 $0xFFFFFFFF;
	p2 =	slt.u32 s8, $0xFFFFF086  }
0x1c: {  	p1 =	slt.u32 s9, $0xF7A;
	s5 =	simm.s32 @!p2 $0x0  }
0x1d: {  	s5 =	simm.s32 @p1 $0x1;
	p0 =	seq.s32 s7, s2  }
0x1e: {  	s7 =	smul.u32 @!p0 $0xF7A, s2;
	p2 =	seq.s32 @!p0 s5, $0x0  }
0x1f: {  	s9 =	smul.u32 $0xF7A, s1;
	s8 =	simm.s32 @!p0 $0x1BF5;
	p2 =	por !p2, p0  }
0x20: {  	[sflag:s8] =	ssyncset.s32 @!p0 $0xFFFFF086;
	s6 =	sadd.s32 @!p0 s3, s7;
	s7 =	simm.s32 @!p0 $0x108  }
0x21: {  	s3 =	sadd.s32 s3, s9;
	s6 =	sadd.s32 @!p0 $0x88, s6;
	s7 =	simm.s32 @p2 $0x1082  }
0x22: {  	[simem:s7], [sflag:s8] =	dma.local @!p0 [hbm:s6], $0xF7A  }
0x23: {  	s9 =	sor.u32 $0xD0000000, s2;
	s6 =	simm.s32 $0x108;
	_ =	swait.ge @!p0 [sflag:s8], $0x0  }
0x24: {  	s3 =	sadd.s32 $0x88, s3;
	s6 =	simm.s32 @!p1 $0x1082;
	[sflag:s4] =	ssyncset.s32 $0xFFFFF086  }
0x25: {  	[simem:s6], [sflag:s4] =	dma.local [hbm:s3], $0xF7A  }
0x26: {  	[smem:$0x3F8C] =	sst s1;
	(tag) =	ssettag s2;
	_ =	strace s9  }
0x27: {  	s1 =	sld [smem:$0x3F9C]  }
0x28: {  	s2 =	sld [smem:$0x3F9D]  }
0x29: {  	s4 =	sld [smem:$0x3F9F]  }
0x2a: {  	p0 =	seq.s32 s5, $0x0;
	s5 =	sld [smem:$0x3FA0]  }
0x2b: {  	s6 =	sld [smem:$0x3FA1]  }
0x2c: {  	s7 =	sld [smem:$0x3FA2]  }
0x2d: {  	s3 =	simm.s32 $0x108;
	s8 =	sld [smem:$0x3FA3]  }
0x2e: {  	s3 =	simm.s32 @!p0 $0x1082;
	s9 =	sld [smem:$0x3FA4]  }
0x2f: {  	lr =	sadd.s32 s0, s3;
	s0 =	sld [smem:$0x3F9B]  }
0x30: {  	s3 =	sld [smem:$0x3F9E]  }
0x31: {  	[smem:$0x3FA7] =	sst s10  }
0x32: {  	s10 =	sld [smem:$0x3FA5];
	_ =	sdelay $0x3  }
0x33: {  	p0 =	seq.s32 s10, $0x1;
	s10 =	sld [smem:$0x3FA7];
	_ =	sdelay $0x3  }
0x34: {  	[smem:$0x3FA7] =	sst s10  }
0x35: {  	s10 =	sld [smem:$0x3FA6];
	_ =	sdelay $0x3  }
0x36: {  	p1 =	seq.s32 s10, $0x1;
	s10 =	sld [smem:$0x3FA7];
	_ =	sdelay $0x3  }
0x37: {  	[smem:$0x3FA7] =	sst s10  }
0x38: {  	s10 =	sld [smem:$0x3FA8]  }
0x39: {  	_ = 	snop;
	(pc) =	sbr.ind lr, $3  }
0x3a: {  	_ = 	snop  }
0x3b: {  	_ = 	snop  }
0x3c: {  	p2 =	seq.s32 s10, $0x1;
	s10 =	sld [smem:$0x3FA7]  }
0x3d: {  	_ =	shalt  }
0x3e: {  	_ =	shalt  }
0x3f: {  	_ =	shalt  }
0x40: {  	_ =	shalt  }
0x41: {  	_ =	shalt  }
0x42: {  	_ =	shalt  }
0x43: {  	_ =	shalt  }
0x44: {  	_ =	shalt  }
0x45: {  	_ =	shalt  }
0x46: {  	_ =	shalt  }
0x47: {  	_ =	shalt  }
0x48: {  	_ =	shalt  }
0x49: {  	_ =	shalt  }
0x4a: {  	_ =	shalt  }
0x4b: {  	_ =	shalt  }
0x4c: {  	_ =	shalt  }
0x4d: {  	_ =	shalt  }
0x4e: {  	_ =	shalt  }
0x4f: {  	_ =	shalt  }
0x50: {  	_ =	shalt  }
0x51: {  	_ =	shalt  }
0x52: {  	_ =	shalt  }
0x53: {  	_ =	shalt  }
0x54: {  	_ =	shalt  }
0x55: {  	_ =	shalt  }
0x56: {  	_ =	shalt  }
0x57: {  	_ =	shalt  }
0x58: {  	_ =	shalt  }
0x59: {  	_ =	shalt  }
0x5a: {  	_ =	shalt  }
0x5b: {  	_ =	shalt  }
0x5c: {  	_ =	shalt  }
0x5d: {  	_ =	shalt  }
0x5e: {  	_ =	shalt  }
0x5f: {  	_ =	shalt  }
0x60: {  	_ =	shalt  }
0x61: {  	_ =	shalt  }
0x62: {  	_ =	shalt  }
0x63: {  	_ =	shalt  }
0x64: {  	_ =	shalt  }
0x65: {  	_ =	shalt  }
0x66: {  	_ =	shalt  }
0x67: {  	_ =	shalt  }
0x68: {  	_ =	shalt  }
0x69: {  	_ =	shalt  }
0x6a: {  	_ =	shalt  }
0x6b: {  	_ =	shalt  }
0x6c: {  	_ =	shalt  }
0x6d: {  	_ =	shalt  }
0x6e: {  	_ =	shalt  }
0x6f: {  	_ =	shalt  }
0x70: {  	_ =	shalt  }
0x71: {  	_ =	shalt  }
0x72: {  	_ =	shalt  }
0x73: {  	_ =	shalt  }
0x74: {  	_ =	shalt  }
0x75: {  	_ =	shalt  }
0x76: {  	_ =	shalt  }
0x77: {  	_ =	shalt  }
0x78: {  	_ =	shalt  }
0x79: {  	_ =	shalt  }
0x7a: {  	_ =	shalt  }
0x7b: {  	_ =	shalt  }
0x7c: {  	_ =	shalt  }
0x7d: {  	_ =	shalt  }
0x7e: {  	_ =	shalt  }
0x7f: {  	_ =	shalt  }
0x80: {  	_ =	shalt  }
0x81: {  	_ =	shalt  }
0x82: {  	_ =	shalt  }
0x83: {  	_ =	shalt  }
0x84: {  	_ =	shalt  }
0x85: {  	_ =	shalt  }
0x86: {  	_ =	shalt  }
0x87: {  	_ =	shalt  }
.Lfunc_end0:
.L_simem_size_0:
called_computation.1_lowered:
.L_overlay_start_0:
0x88: {  	s2 =	sld [smem:$0x3FD9]  }
0x89: {  	s3 =	sld [smem:$0x3FFE];
	_ =	sdelay $0x1  }
0x8a: {  	s1 =	srdreg.scid  }
0x8b: {  	s0 =	sand.u32 $0x1, s1  }
0x8c: {  	s16 =	sshll.u32 s0, $0xA;
	s2 =	sadd.s32 s3, s2  }
0x8d: {  	s2 =	sadd.s32 s2, s16  }
0x8e: {  	[smem:$0x3FB3] =	sst s2  }
0x8f: {  	_ = 	snop  }
0x90: {  	(tm) =	ssettm $0x1  }
0x91: {  	s17 =	sld [smem:$0x3FFB];
	_ =	sdelay $0x3  }
0x92: {  	_ =	strace s17  }
0x93: {  	s2 =	sld [smem:$0x3FFC];
	_ =	sdelay $0x3  }
0x94: {  	_ =	strace s2  }
0x95: {  	s2 =	sld [smem:$0x3FFD];
	_ =	sdelay $0x3  }
0x96: {  	_ =	strace s2  }
0x97: {  	_ =	strace $0x8FFFFFFF  }
0x98: {  	s18 =	sld [smem:$0x3FDB];
	_ =	sdelay $0x1  }
0x99: {  	s19 =	simm.s32 $_scs_section_size  }
0x9a: {  	s4 =	simm.s32 $_size__tile_overlayer_lowered;
	s5 =	simm.s32 $_tile_overlayer_lowered  }
0x9b: {  	s22 =	simm.s32 $0x1BFF;
	s21 =	sshll.u32 s5, $0x1;
	s2 =	sadd.s32 s19, s18  }
0x9c: {  	s6 =	simm.s32 $0x0;
	s20 =	sshll.u32 s4, $0x1;
	s4 =	sadd.s32 s21, s2  }
0x9d: {  	[timem:s6], [sflag:s22] =	dma.local [hbm:s4], s20  }
0x9e: {  	_ =	swait.ge [sflag:s22], s20  }
0x9f: {  	s3 =	ssub.s32 $0x0, s20;
	[sflag:s22] =	ssyncset.done $0x0  }
0xa0: {  	[sflag:s22] =	ssyncadd.s32 s3;
	_ =	sdelay $0x1  }
0xa1: {  	s23 =	simm.s32 $0x1B8B  }
0xa2: {  	_ =	swait.ge [sflag:s23], $0x1  }
0xa3: {  	[sflag:s23] =	ssyncset.done $0x0  }
0xa4: {  	s25 =	simm.s32 $0x1B8E;
	s24 =	sld [smem:$0x3FFE];
	[sflag:s23] =	ssyncadd.s32 $0xFFFFFFFF  }
0xa5: {  	s26 =	simm.s32 $execute0_lowered;
	[smem:$0x3FD2] =	sst s25  }
0xa6: {  	s4 =	sshll.u32 s26, $0x1;
	_ =	strace $0x80000049;
	[dreg:$0x1] =	wrdreg $0xFFFFFFFF  }
0xa7: {  	s28 =	simm.s32 $_size_execute0_lowered;
	s2 =	sadd.s32 s2, s4;
	[dreg:$0x0] =	wrdreg $0x0  }
0xa8: {  	s4 =	sshll.u32 s28, $0x1;
	[dreg:$0x2] =	wrdreg s2  }
0xa9: {  	[dreg:$0x3] =	wrdreg s4  }
0xaa: {  	[dreg:$0x4] =	wrdreg $0xC0  }
0xab: {  	_ =	task [dreg:s6], $0x5FFFF  }
0xac: {  	[dreg:$0x1] =	wrdreg $0xFFFFFFFF  }
0xad: {  	[dreg:$0x0] =	wrdreg $0x60  }
0xae: {  	[dreg:$0x2] =	wrdreg s24  }
0xaf: {  	[dreg:$0x3] =	wrdreg $0x9  }
0xb0: {  	_ =	task.clear_ibuf [dreg:s6], $0x4FFFF;
	_ =	strace $0x90000049  }
0xb1: {  	s29 =	simm.s32 $0x9;
	_ =	strace $0x80000052  }
0xb2: {  	_ =	swait.ge [sflag:s29], $0x1  }
0xb3: {  	[sflag:s29] =	ssyncadd.s32 $0xFFFFFFFF  }
0xb4: {  	_ =	strace $0x90000052  }
0xb5: {  	_ =	sfence  }
0xb6: {  	s30 =	sld [smem:$0x0];
	_ =	sdelay $0x2  }
0xb7: {  	s31 =	sshll.u32 s1, $0xD;
	s1 =	sshrl.u32 s1, $0x2  }
0xb8: {  	s3 =	sand.u32 $0x4000, s31;
	s1 =	sadd.s32 s1, s30  }
0xb9: {  	s0 =	sor.u32 s3, s0;
	s1 =	sshll.u32 s1, $0x11  }
0xba: {  	s0 =	sor.u32 s1, s0  }
0xbb: {  	s0 =	sadd.s32 $0x8F2B, s0  }
0xbc: {  	[sflag:s0] =	ssyncadd.remote.s32 $0x1  }
0xbd: {  	_ =	sfence.sel $0xFFFF  }
0xbe: {  	[dreg:$0x0] =	wrdreg $0xFFFFFFFF;
	(pc) =	sbr.abs _section_cstart, $3  }
0xbf: {  	[dreg:$0x1] =	wrdreg $0xFFFFFFFF  }
0xc0: {  	_ =	task.clear_ibuf [dreg:s6], $0x2FFFF;
	_ =	strace $0x9FFFFFFF  }
0xc1: {  	(tm) =	ssettm $0x7FFFFFFF  }
tec
execute0_lowered:
.L_overlay_start_1:
0x0: {  	(tag) =	ssettag $0x1  }
0x1: {  	s3 =	rddreg [dreg:$0x0]  }
0x2: {  	s0 =	rddreg [dreg:$0x1];
	s1 =	simm.s32 $0x0;
	s2 =	srdreg.scid  }
0x3: {  	s31 =	simm.s32 $0x80;
	s9 =	simm.s32 $0x4;
	s10 =	simm.s32 $0x0  }
0x4: {  	[smem:$0x7FF] =	sst s1;
	s4 =	sand.u32 $0x1, s2;
	s5 =	sadd.s32 $0x5B600, s3  }
0x5: {  	s2 =	stileid.u32;
	s29 =	sadd.s32 $0x9B600, s3;
	s3 =	sadd.s32 $0x3600, s3  }
0x6: {  	_ =	strace $0x8000004A;
	s6 =	sshll.u32 s4, $0x4;
	[dreg:$0x2] =	wrdreg s5  }
0x7: {  	s4 =	ssub.s32 $0x2, s4;
	[dreg:$0x4] =	wrdreg s29;
	s28 =	sor.u32 s2, s6  }
0x8: {  	[dreg:$0x3] =	wrdreg s31;
	s7 =	sshrl.u32 s4, $0x1;
	s8 =	smul.u32 $0xC0, s28  }
0x9: {  	s30 =	ssub.s32 s4, s7;
	s4 =	smul.u32 $0xC, s28;
	s7 =	simm.s32 $0x1  }
0xa: {  	s6 =	smax.u32 s30, $0x1;
	s5 =	sadd.s32 s3, s8;
	s8 =	simm.s32 $0x5  }
.LBB2_1:
0xb: {  	_ =	strace $0x8000004B;
	s11 =	simm.s32 $0x1;
	p0 =	por $0x0, $0x0  }
0xc: {  	[tilespmem:s1], [sflag:$0x1] =	stream.linear.gather [hbm4b:s5+s1], $0x80, $0x200038;
	[tilespmem:$0x8100] =	vst v63  }
0xd: {  	s11 =	simm.s32 @p0 $0x0  }
0xe: {  	p4 =	por $0x1, $0x1;
	s20 =	sand.u32 $0x1, s1;
	p1 =	sne.s32 s11, $0x0  }
0xf: {  	p2 =	por $0x1, $0x1;
	s18 =	simm.s32 $0xA;
	p0 =	por !p4, !p1  }
0x10: {  	s16 =	simm.s32 $0x0;
	p5 =	por $0x0, $0x0;
	p0 =	por !p0, !p0  }
0x11: {  	s23 =	sadd.s32 $0x0, s4;
	s30 =	sadd.s32 $0x1, s20;
	s12 =	sadd.s32 @p0 s4, s11  }
0x12: {  	_ =	strace $0x9000004B;
	s13 =	sand.u32 @p0 $0x1, s7;
	s12 =	sshll.u32 @p0 s12, $0x4  }
0x13: {  	_ =	strace @p0 $0x8000004C;
	s15 =	simm.s32 @p0 $0x0;
	s12 =	sand.u32 @p0 $0x1FFFFFF0, s12  }
0x14: {  	s14 =	sshll.u32 @p0 s13, $0x7;
	s13 =	sadd.s32 @p0 $0x1, s13;
	s12 =	sadd.s32 @p0 s3, s12  }
0x15: {  	[tilespmem:s14], [sflag:s13] =	stream.linear.gather @p0 [hbm4b:s12+s15], $0x80, $0x200038;
	[tilespmem:$0x8100] =	vst v63  }
0x16: {  	p3 =	por p2, p2;
	s21 =	sshll.u32 s20, $0xE;
	_ =	strace @p0 $0x9000004C  }
0x17: {  	s16 =	sand.u32 $0x80, s16;
	p2 =	por p5, p5;
	_ =	strace $0x8000004D  }
0x18: {  	s17 =	sadd.s32 $0x1, s11;
	s22 =	sor.u32 $0x100, s21;
	_ =	swait.ge [sflag:s30], $0x80  }
0x19: {  	s21 =	simm.s32 $0x1;
	p6 =	por p1, p1;
	[sflag:s30] =	ssyncset.done $0x0  }
0x1a: {  	p1 =	por p3, p3;
	p4 =	por $0x1, $0x1;
	[sflag:s30] =	ssyncadd.s32 $0xFFFFFF80  }
0x1b: {  	s12 =	simm.s32 $0xB;
	s15 =	sand.u32 @!p3 $0x1, s1;
	_ =	strace $0x9000004D  }
0x1c: {  	s13 =	simm.s32 $0x1;
	p3 =	seq.s32 s17, $0xC;
	_ =	strace $0x8000004E  }
0x1d: {  	s13 =	simm.s32 @!p0 $0x0;
	s17 =	simm.s32 @p3 $0x0;
	s19 =	rddreg [dreg:$0x3]  }
0x1e: {  	p0 =	por $0x0, $0x0;
	s14 =	sadd.s32 $0x1, s13;
	s31 =	rddreg [dreg:$0x2]  }
0x1f: {  	[tilespmem:s22], [sflag:$0x5] =	stream.indirect.gather [hbm4b:s31+s19], $0x80, s16, s19, $0x2000b8;
	[tilespmem:$0x8100] =	vst v63  }
0x20: {  	p3 =	sne.s32 s11, s17;
	s21 =	simm.s32 @!p0 $0x0;
	_ =	swait.ge [sflag:s8], $0x4000  }
0x21: {  	p5 =	por !p4, !p3;
	p4 =	por $0x0, $0x0;
	[sflag:s8] =	ssyncset.done $0x0  }
0x22: {  	s13 =	simm.s32 $0x0;
	p6 =	por p4, p6;
	[sflag:s8] =	ssyncadd.s32 $0xFFFFC000  }
0x23: {  	s16 =	simm.s32 $0x0;
	s19 =	simm.s32 $0x0;
	_ =	strace $0x9000004E  }
.LBB2_2:
0x24: {  	_ =	strace @p6 $0x8000004F;
	s13 =	sadd.s32 s21, s13;
	s21 =	smov.u32 s12  }
0x25: {  	s12 =	smov.u32 s18;
	s18 =	sadd.s32 $0xFFFFFFFF, s18;
	p0 =	por p3, p3  }
0x26: {  	s28 =	sshll.u32 @p6 s23, $0xB;
	s20 =	sadd.s32 @p6 $0x3, s20;
	s24 =	simm.s32 @!p0 $0x0  }
0x27: {  	s25 =	rddreg [dreg:$0x4];
	s28 =	sand.u32 @p6 $0x1FFFF800, s28;
	s24 =	simm.s32 @p0 $0x1  }
0x28: {  	s25 =	sadd.s32 @p6 s25, s28;
	s28 =	simm.s32 @p6 $0x0;
	p0 =	sne.s32 s18, $0x0  }
0x29: {  	[hbm4b:s25+s28] =	stream.linear.scatter @p6 [tilespmem:s22], [sflag:s20], $0x4000, $0x200038;
	[tilespmem:$0x8100] =	vst v63  }
0x2a: {  	s20 =	sadd.s32 @!p1 $0x3, s15;
	s15 =	simm.s32 @!p0 $0x0  }
0x2b: {  	s26 =	simm.s32 $0x1;
	[smem:$0x7FC] =	sst s24;
	s15 =	simm.s32 @p0 $0x1  }
0x2c: {  	s26 =	simm.s32 @!p6 $0x0;
	_ =	strace @p6 $0x9000004F;
	[smem:$0x7FD] =	sst s15  }
0x2d: {  	p5 =	por !p5, !p5;
	s19 =	sadd.s32 s26, s19;
	_ =	strace @!p1 $0x80000050  }
0x2e: {  	s24 =	sand.u32 @!p2 $0x1, s13;
	s22 =	sand.u32 @p5 $0x1, s14;
	_ =	swait.ge @!p1 [sflag:s20], $0x4000  }
0x2f: {  	s15 =	smov.u32 s24;
	s24 =	sadd.s32 @p5 s4, s17;
	[sflag:s20] =	ssyncset.done @!p1 $0x0  }
0x30: {  	s25 =	sshll.u32 @p5 s22, $0x7;
	s24 =	sshll.u32 @p5 s24, $0x4;
	[sflag:s20] =	ssyncadd.s32 @!p1 $0xFFFFC000  }
0x31: {  	s20 =	sadd.s32 @p5 $0x1, s22;
	s22 =	sand.u32 @p5 $0x1FFFFFF0, s24;
	_ =	strace @!p1 $0x90000050  }
0x32: {  	s24 =	simm.s32 @p5 $0x0;
	s22 =	sadd.s32 @p5 s3, s22;
	_ =	strace @p5 $0x8000004C  }
0x33: {  	[tilespmem:s25], [sflag:s20] =	stream.linear.gather @p5 [hbm4b:s22+s24], $0x80, $0x200038;
	[tilespmem:$0x8100] =	vst v63  }
0x34: {  	s16 =	sadd.s32 s26, s16;
	s26 =	sand.u32 $0x1, s19;
	_ =	strace @p5 $0x9000004C  }
0x35: {  	s24 =	sadd.s32 $0x1, s26;
	_ =	strace $0x8000004D  }
0x36: {  	_ =	swait.ge [sflag:s24], $0x80  }
0x37: {  	[sflag:s24] =	ssyncset.done $0x0  }
0x38: {  	s20 =	simm.s32 $0x1;
	[sflag:s24] =	ssyncadd.s32 $0xFFFFFF80  }
0x39: {  	s20 =	simm.s32 @!p5 $0x0;
	_ =	strace $0x9000004D  }
0x3a: {  	s14 =	sadd.s32 s20, s14;
	s20 =	sand.u32 $0x1, s16;
	_ =	strace $0x8000004E  }
0x3b: {  	s29 =	sshll.u32 s19, $0x7;
	s25 =	sshll.u32 s20, $0xE;
	s26 =	rddreg [dreg:$0x3]  }
0x3c: {  	s29 =	sand.u32 $0x80, s29;
	s22 =	sor.u32 $0x100, s25;
	s30 =	rddreg [dreg:$0x2]  }
0x3d: {  	[tilespmem:s22], [sflag:$0x5] =	stream.indirect.gather [hbm4b:s30+s26], $0x80, s29, s26, $0x2000b8;
	[tilespmem:$0x8100] =	vst v63  }
0x3e: {  	_ =	swait.ge [sflag:s8], $0x4000  }
0x3f: {  	s31 =	sadd.s32 $0x1, s17;
	[sflag:s8] =	ssyncset.done $0x0  }
0x40: {  	s23 =	sadd.s32 s4, s11;
	s11 =	smov.u32 s17;
	[sflag:s8] =	ssyncadd.s32 $0xFFFFC000  }
0x41: {  	p3 =	seq.s32 s31, $0xC;
	s17 =	smov.u32 s31;
	_ =	strace $0x9000004E  }
0x42: {  	s17 =	simm.s32 @p3 $0x0;
	s31 =	sld [smem:$0x7FD]  }
0x43: {  	p6 =	sne.s32 s12, $0x1;
	p0 =	sne.s32 s21, $0xC;
	p3 =	sne.s32 s11, s17  }
0x44: {  	p5 =	por !p6, !p3;
	p6 =	seq.s32 s21, $0x1;
	s21 =	simm.s32 $0x1  }
0x45: {  	s21 =	simm.s32 @!p0 $0x0;
	p0 =	seq.s32 s31, $0x1  }
.Ltmp0:
0x46: {  	s30 =	sld [smem:$0x7FC];
	(pc) =	sbr.rel @p0 .LBB2_2-.Ltmp0, $4  }
0x47: {  	_ = 	snop  }
0x48: {  	p4 =	seq.s32 s12, $0xC  }
0x49: {  	p1 =	por p2, p2;
	p2 =	por p4, p4;
	p4 =	seq.s32 s30, $0x1  }
0x4a: {  	p6 =	por p6, p4  }
0x4b: {  	_ =	strace @p6 $0x8000004F;
	s23 =	sshll.u32 @p6 s23, $0xB  }
0x4c: {  	s18 =	rddreg [dreg:$0x4];
	s23 =	sand.u32 @p6 $0x1FFFF800, s23  }
0x4d: {  	s20 =	sadd.s32 @p6 $0x3, s20;
	s18 =	sadd.s32 @p6 s18, s23;
	s23 =	simm.s32 @p6 $0x0  }
0x4e: {  	[hbm4b:s18+s23] =	stream.linear.scatter @p6 [tilespmem:s22], [sflag:s20], $0x4000, $0x200038;
	[tilespmem:$0x8100] =	vst v63  }
0x4f: {  	p0 =	por !p5, !p5;
	_ =	strace @p6 $0x9000004F  }
0x50: {  	s15 =	sadd.s32 @!p1 $0x3, s15;
	s17 =	sadd.s32 @p0 s4, s17;
	_ =	strace @!p1 $0x80000050  }
0x51: {  	s14 =	sand.u32 @p0 $0x1, s14;
	s17 =	sshll.u32 @p0 s17, $0x4;
	_ =	swait.ge @!p1 [sflag:s15], $0x4000  }
0x52: {  	s18 =	simm.s32 $0x1;
	s20 =	sshll.u32 @p0 s14, $0x7;
	[sflag:s15] =	ssyncset.done @!p1 $0x0  }
0x53: {  	s14 =	sadd.s32 @p0 $0x1, s14;
	s18 =	simm.s32 @!p6 $0x0;
	[sflag:s15] =	ssyncadd.s32 @!p1 $0xFFFFC000  }
0x54: {  	s19 =	sadd.s32 s18, s19;
	s15 =	sand.u32 @p0 $0x1FFFFFF0, s17;
	_ =	strace @!p1 $0x90000050  }
0x55: {  	s17 =	simm.s32 @p0 $0x0;
	s15 =	sadd.s32 @p0 s3, s15;
	_ =	strace @p0 $0x8000004C  }
0x56: {  	[tilespmem:s20], [sflag:s14] =	stream.linear.gather @p0 [hbm4b:s15+s17], $0x80, $0x200038;
	[tilespmem:$0x8100] =	vst v63  }
0x57: {  	s25 =	sand.u32 $0x1, s19;
	_ =	strace @p0 $0x9000004C  }
0x58: {  	s14 =	sadd.s32 $0x1, s25;
	_ =	strace $0x8000004D  }
0x59: {  	_ =	swait.ge [sflag:s14], $0x80  }
0x5a: {  	[sflag:s14] =	ssyncset.done $0x0  }
0x5b: {  	[sflag:s14] =	ssyncadd.s32 $0xFFFFFF80  }
0x5c: {  	s26 =	sadd.s32 s18, s16;
	_ =	strace $0x9000004D  }
0x5d: {  	s14 =	sand.u32 $0x1, s26;
	_ =	strace $0x8000004E  }
0x5e: {  	s30 =	sshll.u32 s19, $0x7;
	s31 =	sshll.u32 s14, $0xE;
	s28 =	rddreg [dreg:$0x3]  }
0x5f: {  	s17 =	sand.u32 $0x80, s30;
	s18 =	sor.u32 $0x100, s31;
	s29 =	rddreg [dreg:$0x2]  }
0x60: {  	[tilespmem:s18], [sflag:$0x5] =	stream.indirect.gather [hbm4b:s29+s28], $0x80, s17, s28, $0x2000b8;
	[tilespmem:$0x8100] =	vst v63  }
0x61: {  	_ =	swait.ge [sflag:s8], $0x4000  }
0x62: {  	[sflag:s8] =	ssyncset.done $0x0  }
0x63: {  	p5 =	por p3, p3;
	p6 =	seq.s32 s12, $0x1;
	[sflag:s8] =	ssyncadd.s32 $0xFFFFC000  }
0x64: {  	s11 =	sadd.s32 s4, s11;
	p0 =	por p6, p5;
	_ =	strace $0x9000004E  }
0x65: {  	s11 =	sshll.u32 @p0 s11, $0xB;
	_ =	strace @p0 $0x8000004F  }
0x66: {  	s13 =	sadd.s32 s21, s13;
	s11 =	sand.u32 @p0 $0x1FFFF800, s11;
	s12 =	rddreg [dreg:$0x4]  }
0x67: {  	s14 =	sadd.s32 @p0 $0x3, s14;
	s11 =	sadd.s32 @p0 s12, s11;
	s12 =	simm.s32 @p0 $0x0  }
0x68: {  	[hbm4b:s11+s12] =	stream.linear.scatter @p0 [tilespmem:s18], [sflag:s14], $0x4000, $0x200038;
	[tilespmem:$0x8100] =	vst v63  }
0x69: {  	p1 =	por p2, p2;
	s11 =	sand.u32 @!p2 $0x1, s13;
	_ =	strace @p0 $0x9000004F  }
0x6a: {  	s11 =	sadd.s32 @!p1 $0x3, s11;
	_ =	strace @!p1 $0x80000050  }
0x6b: {  	_ =	swait.ge @!p1 [sflag:s11], $0x4000  }
0x6c: {  	[sflag:s11] =	ssyncset.done @!p1 $0x0  }
0x6d: {  	s10 =	sadd.s32 $0x1, s10;
	[sflag:s11] =	ssyncadd.s32 @!p1 $0xFFFFC000  }
0x6e: {  	p0 =	sne.s32 s10, s6;
	_ =	strace @!p1 $0x90000050  }
.Ltmp1:
0x6f: {  	_ =	strace $0x80000051;
	(pc) =	sbr.rel @p0 .LBB2_1-.Ltmp1, $4  }
0x70: {  	_ =	swait.ge [sflag:s9], $0x4000  }
0x71: {  	[sflag:s9] =	ssyncset.done $0x0  }
0x72: {  	[sflag:s9] =	ssyncadd.s32 $0xFFFFC000  }
0x73: {  	_ =	strace $0x90000051  }
0x74: {  	_ =	sfence.sel $0x180000  }
0x75: {  	[bflag:$0x0] =	sbarrier.arrive $0xFFFF  }
0x76: {  	p0 =	sne.s32 s2, $0x0;
	_ =	strace $0x9000004A  }
0x77: {  	s0 =	sadd.s32 @!p0 $0x100000, s0;
	[bflag:$0x2] =	sbarrier.arrive $0xFFFF  }
0x78: {  	[sflag:s0] =	ssyncadd.tile.s32 @!p0 $0x1;
	_ =	shalt  }
.Lfunc_end2:
_tile_overlayer_lowered:
.L_overlay_start_2:
0x79: {  	(tag) =	ssettag $0x2  }
0x7a: {  	s0 =	rddreg [dreg:$0x0];
	s2 =	stileid.u32  }
0x7b: {  	s1 =	rddreg [dreg:$0x1];
	p0 =	sne.s32 s2, $0x0  }
0x7c: {  	s3 =	rddreg [dreg:$0x2];
	[bflag:$0x3] =	sbarrier.arrive $0xFFFF;
	s2 =	simm.s32 @!p0 $0x1C01  }
0x7d: {  	[timem:s3], [sflag:s2] =	dma.local @!p0 [hbm:s0], s1  }
0x7e: {  	s0 =	simm.s32 @!p0 $0x1  }
0x7f: {  	_ =	swait.ge @!p0 [sflag:s0], s1  }
0x80: {  	s1 =	ssub.s32 @!p0 $0x0, s1;
	[sflag:s0] =	ssyncset.done @!p0 $0x0  }
0x81: {  	[sflag:s0] =	ssyncadd.s32 @!p0 s1  }
0x82: {  	[bflag:$0x3] =	sbarrier.arrive $0xFFFF  }
0x83: {  	_ =	shalt  }

// kernel: kernel.13.cloned.1.call-start
scs
__scs_entry_jumppad:
0x0: {  	(pc) =	sbr.rel $0x88, $3  }
0x1: {  	(tag) =	ssettag $0x0;
	lr =	simm.s32 $0x1  }
0x2: {  	[smem:$0x3F8C] =	sst lr;
	_ =	strace $0xD0000000  }
0x3: {  	_ = 	snop  }
0x4: {  	_ = 	snop  }
0x5: {  	_ = 	snop  }
0x6: {  	_ = 	snop  }
0x7: {  	_ = 	snop  }
__scs_overlays_trampoline_lowered:
0x8: {  	[smem:$0x3F9B] =	sst s0  }
0x9: {  	[smem:$0x3F9C] =	sst s1  }
0xa: {  	[smem:$0x3F9D] =	sst s2  }
0xb: {  	[smem:$0x3F9E] =	sst s3  }
0xc: {  	[smem:$0x3F9F] =	sst s4  }
0xd: {  	[smem:$0x3FA0] =	sst s5  }
0xe: {  	[smem:$0x3FA1] =	sst s6  }
0xf: {  	[smem:$0x3FA2] =	sst s7  }
0x10: {  	[smem:$0x3FA3] =	sst s8  }
0x11: {  	[smem:$0x3FA4] =	sst s9;
	s0 =	simm.s32 @!p0 $0x0  }
0x12: {  	s1 =	sld [smem:$0x3F8A];
	s0 =	simm.s32 @p0 $0x1  }
0x13: {  	[smem:$0x3FA5] =	sst s0;
	s0 =	simm.s32 @!p1 $0x0  }
0x14: {  	s2 =	sld [smem:$0x3F89];
	s0 =	simm.s32 @p1 $0x1  }
0x15: {  	[smem:$0x3FA6] =	sst s0;
	s0 =	simm.s32 @!p2 $0x0  }
0x16: {  	s3 =	sld [smem:$0x3FDB];
	s0 =	simm.s32 @p2 $0x1  }
0x17: {  	s4 =	simm.s32 $0x1BF5;
	[smem:$0x3FA8] =	sst s0  }
0x18: {  	s0 =	sld [smem:$0x3F8B];
	_ =	swait.ge [sflag:s4], $0x0  }
0x19: {  	s7 =	sld [smem:$0x3F8C]  }
0x1a: {  	s8 =	sadd.s32 $0xFFFFE003, lr  }
0x1b: {  	s9 =	sadd.s32 $0xFFFFFEF7, lr;
	s5 =	simm.s32 $0xFFFFFFFF;
	p2 =	slt.u32 s8, $0xFFFFF086  }
0x1c: {  	p1 =	slt.u32 s9, $0xF7A;
	s5 =	simm.s32 @!p2 $0x0  }
0x1d: {  	s5 =	simm.s32 @p1 $0x1;
	p0 =	seq.s32 s7, s2  }
0x1e: {  	s7 =	smul.u32 @!p0 $0xF7A, s2;
	p2 =	seq.s32 @!p0 s5, $0x0  }
0x1f: {  	s9 =	smul.u32 $0xF7A, s1;
	s8 =	simm.s32 @!p0 $0x1BF5;
	p2 =	por !p2, p0  }
0x20: {  	[sflag:s8] =	ssyncset.s32 @!p0 $0xFFFFF086;
	s6 =	sadd.s32 @!p0 s3, s7;
	s7 =	simm.s32 @!p0 $0x108  }
0x21: {  	s3 =	sadd.s32 s3, s9;
	s6 =	sadd.s32 @!p0 $0x88, s6;
	s7 =	simm.s32 @p2 $0x1082  }
0x22: {  	[simem:s7], [sflag:s8] =	dma.local @!p0 [hbm:s6], $0xF7A  }
0x23: {  	s9 =	sor.u32 $0xD0000000, s2;
	s6 =	simm.s32 $0x108;
	_ =	swait.ge @!p0 [sflag:s8], $0x0  }
0x24: {  	s3 =	sadd.s32 $0x88, s3;
	s6 =	simm.s32 @!p1 $0x1082;
	[sflag:s4] =	ssyncset.s32 $0xFFFFF086  }
0x25: {  	[simem:s6], [sflag:s4] =	dma.local [hbm:s3], $0xF7A  }
0x26: {  	[smem:$0x3F8C] =	sst s1;
	(tag) =	ssettag s2;
	_ =	strace s9  }
0x27: {  	s1 =	sld [smem:$0x3F9C]  }
0x28: {  	s2 =	sld [smem:$0x3F9D]  }
0x29: {  	s4 =	sld [smem:$0x3F9F]  }
0x2a: {  	p0 =	seq.s32 s5, $0x0;
	s5 =	sld [smem:$0x3FA0]  }
0x2b: {  	s6 =	sld [smem:$0x3FA1]  }
0x2c: {  	s7 =	sld [smem:$0x3FA2]  }
0x2d: {  	s3 =	simm.s32 $0x108;
	s8 =	sld [smem:$0x3FA3]  }
0x2e: {  	s3 =	simm.s32 @!p0 $0x1082;
	s9 =	sld [smem:$0x3FA4]  }
0x2f: {  	lr =	sadd.s32 s0, s3;
	s0 =	sld [smem:$0x3F9B]  }
0x30: {  	s3 =	sld [smem:$0x3F9E]  }
0x31: {  	[smem:$0x3FA7] =	sst s10  }
0x32: {  	s10 =	sld [smem:$0x3FA5];
	_ =	sdelay $0x3  }
0x33: {  	p0 =	seq.s32 s10, $0x1;
	s10 =	sld [smem:$0x3FA7];
	_ =	sdelay $0x3  }
0x34: {  	[smem:$0x3FA7] =	sst s10  }
0x35: {  	s10 =	sld [smem:$0x3FA6];
	_ =	sdelay $0x3  }
0x36: {  	p1 =	seq.s32 s10, $0x1;
	s10 =	sld [smem:$0x3FA7];
	_ =	sdelay $0x3  }
0x37: {  	[smem:$0x3FA7] =	sst s10  }
0x38: {  	s10 =	sld [smem:$0x3FA8]  }
0x39: {  	_ = 	snop;
	(pc) =	sbr.ind lr, $3  }
0x3a: {  	_ = 	snop  }
0x3b: {  	_ = 	snop  }
0x3c: {  	p2 =	seq.s32 s10, $0x1;
	s10 =	sld [smem:$0x3FA7]  }
0x3d: {  	_ =	shalt  }
0x3e: {  	_ =	shalt  }
0x3f: {  	_ =	shalt  }
0x40: {  	_ =	shalt  }
0x41: {  	_ =	shalt  }
0x42: {  	_ =	shalt  }
0x43: {  	_ =	shalt  }
0x44: {  	_ =	shalt  }
0x45: {  	_ =	shalt  }
0x46: {  	_ =	shalt  }
0x47: {  	_ =	shalt  }
0x48: {  	_ =	shalt  }
0x49: {  	_ =	shalt  }
0x4a: {  	_ =	shalt  }
0x4b: {  	_ =	shalt  }
0x4c: {  	_ =	shalt  }
0x4d: {  	_ =	shalt  }
0x4e: {  	_ =	shalt  }
0x4f: {  	_ =	shalt  }
0x50: {  	_ =	shalt  }
0x51: {  	_ =	shalt  }
0x52: {  	_ =	shalt  }
0x53: {  	_ =	shalt  }
0x54: {  	_ =	shalt  }
0x55: {  	_ =	shalt  }
0x56: {  	_ =	shalt  }
0x57: {  	_ =	shalt  }
0x58: {  	_ =	shalt  }
0x59: {  	_ =	shalt  }
0x5a: {  	_ =	shalt  }
0x5b: {  	_ =	shalt  }
0x5c: {  	_ =	shalt  }
0x5d: {  	_ =	shalt  }
0x5e: {  	_ =	shalt  }
0x5f: {  	_ =	shalt  }
0x60: {  	_ =	shalt  }
0x61: {  	_ =	shalt  }
0x62: {  	_ =	shalt  }
0x63: {  	_ =	shalt  }
0x64: {  	_ =	shalt  }
0x65: {  	_ =	shalt  }
0x66: {  	_ =	shalt  }
0x67: {  	_ =	shalt  }
0x68: {  	_ =	shalt  }
0x69: {  	_ =	shalt  }
0x6a: {  	_ =	shalt  }
0x6b: {  	_ =	shalt  }
0x6c: {  	_ =	shalt  }
0x6d: {  	_ =	shalt  }
0x6e: {  	_ =	shalt  }
0x6f: {  	_ =	shalt  }
0x70: {  	_ =	shalt  }
0x71: {  	_ =	shalt  }
0x72: {  	_ =	shalt  }
0x73: {  	_ =	shalt  }
0x74: {  	_ =	shalt  }
0x75: {  	_ =	shalt  }
0x76: {  	_ =	shalt  }
0x77: {  	_ =	shalt  }
0x78: {  	_ =	shalt  }
0x79: {  	_ =	shalt  }
0x7a: {  	_ =	shalt  }
0x7b: {  	_ =	shalt  }
0x7c: {  	_ =	shalt  }
0x7d: {  	_ =	shalt  }
0x7e: {  	_ =	shalt  }
0x7f: {  	_ =	shalt  }
0x80: {  	_ =	shalt  }
0x81: {  	_ =	shalt  }
0x82: {  	_ =	shalt  }
0x83: {  	_ =	shalt  }
0x84: {  	_ =	shalt  }
0x85: {  	_ =	shalt  }
0x86: {  	_ =	shalt  }
0x87: {  	_ =	shalt  }
.Lfunc_end0:
.L_simem_size_0:
called_computation.2_lowered:
.L_overlay_start_0:
0x88: {  	s2 =	sld [smem:$0x3FD9]  }
0x89: {  	s3 =	sld [smem:$0x3FFE];
	_ =	sdelay $0x1  }
0x8a: {  	s1 =	srdreg.scid  }
0x8b: {  	s0 =	sand.u32 $0x1, s1  }
0x8c: {  	s16 =	sshll.u32 s0, $0xA;
	s2 =	sadd.s32 s3, s2  }
0x8d: {  	s2 =	sadd.s32 s2, s16  }
0x8e: {  	[smem:$0x3FB3] =	sst s2  }
0x8f: {  	_ = 	snop  }
0x90: {  	(tm) =	ssettm $0x1  }
0x91: {  	s17 =	sld [smem:$0x3FFB];
	_ =	sdelay $0x3  }
0x92: {  	_ =	strace s17  }
0x93: {  	s2 =	sld [smem:$0x3FFC];
	_ =	sdelay $0x3  }
0x94: {  	_ =	strace s2  }
0x95: {  	s2 =	sld [smem:$0x3FFD];
	_ =	sdelay $0x3  }
0x96: {  	_ =	strace s2  }
0x97: {  	_ =	strace $0x8FFFFFFF  }
0x98: {  	s18 =	sld [smem:$0x3FDB];
	_ =	sdelay $0x1  }
0x99: {  	s19 =	simm.s32 $_scs_section_size  }
0x9a: {  	s4 =	simm.s32 $_size__tile_overlayer_lowered;
	s5 =	simm.s32 $_tile_overlayer_lowered  }
0x9b: {  	s22 =	simm.s32 $0x1BFF;
	s21 =	sshll.u32 s5, $0x1;
	s2 =	sadd.s32 s19, s18  }
0x9c: {  	s6 =	simm.s32 $0x0;
	s20 =	sshll.u32 s4, $0x1;
	s4 =	sadd.s32 s21, s2  }
0x9d: {  	[timem:s6], [sflag:s22] =	dma.local [hbm:s4], s20  }
0x9e: {  	_ =	swait.ge [sflag:s22], s20  }
0x9f: {  	s3 =	ssub.s32 $0x0, s20;
	[sflag:s22] =	ssyncset.done $0x0  }
0xa0: {  	[sflag:s22] =	ssyncadd.s32 s3;
	_ =	sdelay $0x1  }
0xa1: {  	s23 =	simm.s32 $0x1B8B  }
0xa2: {  	_ =	swait.ge [sflag:s23], $0x1  }
0xa3: {  	[sflag:s23] =	ssyncset.done $0x0  }
0xa4: {  	s25 =	simm.s32 $0x1B8E;
	s24 =	sld [smem:$0x3FFE];
	[sflag:s23] =	ssyncadd.s32 $0xFFFFFFFF  }
0xa5: {  	s26 =	simm.s32 $execute0_lowered;
	[smem:$0x3FD2] =	sst s25  }
0xa6: {  	s4 =	sshll.u32 s26, $0x1;
	_ =	strace $0x80000053;
	[dreg:$0x1] =	wrdreg $0xFFFFFFFF  }
0xa7: {  	s28 =	simm.s32 $_size_execute0_lowered;
	s2 =	sadd.s32 s2, s4;
	[dreg:$0x0] =	wrdreg $0x0  }
0xa8: {  	s4 =	sshll.u32 s28, $0x1;
	[dreg:$0x2] =	wrdreg s2  }
0xa9: {  	[dreg:$0x3] =	wrdreg s4  }
0xaa: {  	[dreg:$0x4] =	wrdreg $0xC0  }
0xab: {  	_ =	task [dreg:s6], $0x5FFFF  }
0xac: {  	[dreg:$0x1] =	wrdreg $0xFFFFFFFF  }
0xad: {  	[dreg:$0x0] =	wrdreg $0x60  }
0xae: {  	[dreg:$0x2] =	wrdreg s24  }
0xaf: {  	[dreg:$0x3] =	wrdreg $0x9  }
0xb0: {  	_ =	task.clear_ibuf [dreg:s6], $0x4FFFF;
	_ =	strace $0x90000053  }
0xb1: {  	s29 =	simm.s32 $0x9;
	_ =	strace $0x8000005C  }
0xb2: {  	_ =	swait.ge [sflag:s29], $0x1  }
0xb3: {  	[sflag:s29] =	ssyncadd.s32 $0xFFFFFFFF  }
0xb4: {  	_ =	strace $0x9000005C  }
0xb5: {  	_ =	sfence  }
0xb6: {  	s30 =	sld [smem:$0x0];
	_ =	sdelay $0x2  }
0xb7: {  	s31 =	sshll.u32 s1, $0xD;
	s1 =	sshrl.u32 s1, $0x2  }
0xb8: {  	s3 =	sand.u32 $0x4000, s31;
	s1 =	sadd.s32 s1, s30  }
0xb9: {  	s0 =	sor.u32 s3, s0;
	s1 =	sshll.u32 s1, $0x11  }
0xba: {  	s0 =	sor.u32 s1, s0  }
0xbb: {  	s0 =	sadd.s32 $0x8F2B, s0  }
0xbc: {  	[sflag:s0] =	ssyncadd.remote.s32 $0x1  }
0xbd: {  	_ =	sfence.sel $0xFFFF  }
0xbe: {  	[dreg:$0x0] =	wrdreg $0xFFFFFFFF;
	(pc) =	sbr.abs _section_cstart, $3  }
0xbf: {  	[dreg:$0x1] =	wrdreg $0xFFFFFFFF  }
0xc0: {  	_ =	task.clear_ibuf [dreg:s6], $0x2FFFF;
	_ =	strace $0x9FFFFFFF  }
0xc1: {  	(tm) =	ssettm $0x7FFFFFFF  }
tec
execute0_lowered:
.L_overlay_start_1:
0x0: {  	(tag) =	ssettag $0x1  }
0x1: {  	s4 =	rddreg [dreg:$0x0]  }
0x2: {  	s0 =	rddreg [dreg:$0x1];
	s1 =	simm.s32 $0x0;
	s5 =	srdreg.scid  }
0x3: {  	s8 =	simm.s32 $0x80;
	s9 =	simm.s32 $0x4;
	s10 =	simm.s32 $0x0  }
0x4: {  	[smem:$0x7FF] =	sst s1;
	s2 =	sadd.s32 $0x11B600, s4;
	s3 =	sadd.s32 $0x4E00, s4  }
0x5: {  	s4 =	sadd.s32 $0x5B600, s4;
	_ =	strace $0x80000054;
	[dreg:$0x2] =	wrdreg s2  }
0x6: {  	s5 =	sand.u32 $0x1, s5;
	s2 =	stileid.u32;
	[dreg:$0x4] =	wrdreg s4  }
0x7: {  	s6 =	ssub.s32 $0x2, s5;
	s5 =	sshll.u32 s5, $0x4;
	[dreg:$0x3] =	wrdreg s8  }
0x8: {  	s8 =	simm.s32 $0x5;
	s7 =	sshrl.u32 s6, $0x1;
	s5 =	sor.u32 s2, s5  }
0x9: {  	s6 =	ssub.s32 s6, s7;
	s31 =	sshll.u32 s5, $0x7;
	s4 =	sshll.u32 s5, $0x3  }
0xa: {  	s7 =	simm.s32 $0x1;
	s5 =	sadd.s32 s3, s31;
	s6 =	smax.u32 s6, $0x1  }
.LBB2_1:
0xb: {  	_ =	strace $0x80000055;
	s11 =	simm.s32 $0x1;
	p0 =	por $0x0, $0x0  }
0xc: {  	[tilespmem:s1], [sflag:$0x1] =	stream.linear.gather [hbm4b:s5+s1], $0x80, $0x200038;
	[tilespmem:$0x8100] =	vst v63  }
0xd: {  	s11 =	simm.s32 @p0 $0x0  }
0xe: {  	p4 =	por $0x1, $0x1;
	s20 =	sand.u32 $0x1, s1;
	p1 =	sne.s32 s11, $0x0  }
0xf: {  	p2 =	por $0x1, $0x1;
	s18 =	simm.s32 $0x6;
	p0 =	por !p4, !p1  }
0x10: {  	s16 =	simm.s32 $0x0;
	p5 =	por $0x0, $0x0;
	p0 =	por !p0, !p0  }
0x11: {  	s23 =	sadd.s32 $0x0, s4;
	s30 =	sadd.s32 $0x1, s20;
	s12 =	sadd.s32 @p0 s4, s11  }
0x12: {  	_ =	strace $0x90000055;
	s13 =	sand.u32 @p0 $0x1, s7;
	s12 =	sshll.u32 @p0 s12, $0x4  }
0x13: {  	_ =	strace @p0 $0x80000056;
	s15 =	simm.s32 @p0 $0x0;
	s12 =	sand.u32 @p0 $0x1FFFFFF0, s12  }
0x14: {  	s14 =	sshll.u32 @p0 s13, $0x7;
	s13 =	sadd.s32 @p0 $0x1, s13;
	s12 =	sadd.s32 @p0 s3, s12  }
0x15: {  	[tilespmem:s14], [sflag:s13] =	stream.linear.gather @p0 [hbm4b:s12+s15], $0x80, $0x200038;
	[tilespmem:$0x8100] =	vst v63  }
0x16: {  	p3 =	por p2, p2;
	s21 =	sshll.u32 s20, $0xE;
	_ =	strace @p0 $0x90000056  }
0x17: {  	s16 =	sand.u32 $0x80, s16;
	p2 =	por p5, p5;
	_ =	strace $0x80000057  }
0x18: {  	s17 =	sadd.s32 $0x1, s11;
	s22 =	sor.u32 $0x100, s21;
	_ =	swait.ge [sflag:s30], $0x80  }
0x19: {  	s21 =	simm.s32 $0x1;
	p6 =	por p1, p1;
	[sflag:s30] =	ssyncset.done $0x0  }
0x1a: {  	p1 =	por p3, p3;
	p4 =	por $0x1, $0x1;
	[sflag:s30] =	ssyncadd.s32 $0xFFFFFF80  }
0x1b: {  	s12 =	simm.s32 $0x7;
	s15 =	sand.u32 @!p3 $0x1, s1;
	_ =	strace $0x90000057  }
0x1c: {  	s13 =	simm.s32 $0x1;
	p3 =	seq.s32 s17, $0x8;
	_ =	strace $0x80000058  }
0x1d: {  	s13 =	simm.s32 @!p0 $0x0;
	s17 =	simm.s32 @p3 $0x0;
	s19 =	rddreg [dreg:$0x3]  }
0x1e: {  	p0 =	por $0x0, $0x0;
	s14 =	sadd.s32 $0x1, s13;
	s31 =	rddreg [dreg:$0x2]  }
0x1f: {  	[tilespmem:s22], [sflag:$0x5] =	stream.indirect.gather [hbm4b:s31+s19], $0x80, s16, s19, $0x2000b8;
	[tilespmem:$0x8100] =	vst v63  }
0x20: {  	p3 =	sne.s32 s11, s17;
	s21 =	simm.s32 @!p0 $0x0;
	_ =	swait.ge [sflag:s8], $0x4000  }
0x21: {  	p5 =	por !p4, !p3;
	p4 =	por $0x0, $0x0;
	[sflag:s8] =	ssyncset.done $0x0  }
0x22: {  	s13 =	simm.s32 $0x0;
	p6 =	por p4, p6;
	[sflag:s8] =	ssyncadd.s32 $0xFFFFC000  }
0x23: {  	s16 =	simm.s32 $0x0;
	s19 =	simm.s32 $0x0;
	_ =	strace $0x90000058  }
.LBB2_2:
0x24: {  	_ =	strace @p6 $0x80000059;
	s13 =	sadd.s32 s21, s13;
	s21 =	smov.u32 s12  }
0x25: {  	s12 =	smov.u32 s18;
	s18 =	sadd.s32 $0xFFFFFFFF, s18;
	p0 =	por p3, p3  }
0x26: {  	s28 =	sshll.u32 @p6 s23, $0xB;
	s20 =	sadd.s32 @p6 $0x3, s20;
	s24 =	simm.s32 @!p0 $0x0  }
0x27: {  	s25 =	rddreg [dreg:$0x4];
	s28 =	sand.u32 @p6 $0x1FFFF800, s28;
	s24 =	simm.s32 @p0 $0x1  }
0x28: {  	s25 =	sadd.s32 @p6 s25, s28;
	s28 =	simm.s32 @p6 $0x0;
	p0 =	sne.s32 s18, $0x0  }
0x29: {  	[hbm4b:s25+s28] =	stream.linear.scatter @p6 [tilespmem:s22], [sflag:s20], $0x4000, $0x200038;
	[tilespmem:$0x8100] =	vst v63  }
0x2a: {  	s20 =	sadd.s32 @!p1 $0x3, s15;
	s15 =	simm.s32 @!p0 $0x0  }
0x2b: {  	s26 =	simm.s32 $0x1;
	[smem:$0x7FC] =	sst s24;
	s15 =	simm.s32 @p0 $0x1  }
0x2c: {  	s26 =	simm.s32 @!p6 $0x0;
	_ =	strace @p6 $0x90000059;
	[smem:$0x7FD] =	sst s15  }
0x2d: {  	p5 =	por !p5, !p5;
	s19 =	sadd.s32 s26, s19;
	_ =	strace @!p1 $0x8000005A  }
0x2e: {  	s24 =	sand.u32 @!p2 $0x1, s13;
	s22 =	sand.u32 @p5 $0x1, s14;
	_ =	swait.ge @!p1 [sflag:s20], $0x4000  }
0x2f: {  	s15 =	smov.u32 s24;
	s24 =	sadd.s32 @p5 s4, s17;
	[sflag:s20] =	ssyncset.done @!p1 $0x0  }
0x30: {  	s25 =	sshll.u32 @p5 s22, $0x7;
	s24 =	sshll.u32 @p5 s24, $0x4;
	[sflag:s20] =	ssyncadd.s32 @!p1 $0xFFFFC000  }
0x31: {  	s20 =	sadd.s32 @p5 $0x1, s22;
	s22 =	sand.u32 @p5 $0x1FFFFFF0, s24;
	_ =	strace @!p1 $0x9000005A  }
0x32: {  	s24 =	simm.s32 @p5 $0x0;
	s22 =	sadd.s32 @p5 s3, s22;
	_ =	strace @p5 $0x80000056  }
0x33: {  	[tilespmem:s25], [sflag:s20] =	stream.linear.gather @p5 [hbm4b:s22+s24], $0x80, $0x200038;
	[tilespmem:$0x8100] =	vst v63  }
0x34: {  	s16 =	sadd.s32 s26, s16;
	s26 =	sand.u32 $0x1, s19;
	_ =	strace @p5 $0x90000056  }
0x35: {  	s24 =	sadd.s32 $0x1, s26;
	_ =	strace $0x80000057  }
0x36: {  	_ =	swait.ge [sflag:s24], $0x80  }
0x37: {  	[sflag:s24] =	ssyncset.done $0x0  }
0x38: {  	s20 =	simm.s32 $0x1;
	[sflag:s24] =	ssyncadd.s32 $0xFFFFFF80  }
0x39: {  	s20 =	simm.s32 @!p5 $0x0;
	_ =	strace $0x90000057  }
0x3a: {  	s14 =	sadd.s32 s20, s14;
	s20 =	sand.u32 $0x1, s16;
	_ =	strace $0x80000058  }
0x3b: {  	s29 =	sshll.u32 s19, $0x7;
	s25 =	sshll.u32 s20, $0xE;
	s26 =	rddreg [dreg:$0x3]  }
0x3c: {  	s29 =	sand.u32 $0x80, s29;
	s22 =	sor.u32 $0x100, s25;
	s30 =	rddreg [dreg:$0x2]  }
0x3d: {  	[tilespmem:s22], [sflag:$0x5] =	stream.indirect.gather [hbm4b:s30+s26], $0x80, s29, s26, $0x2000b8;
	[tilespmem:$0x8100] =	vst v63  }
0x3e: {  	_ =	swait.ge [sflag:s8], $0x4000  }
0x3f: {  	s31 =	sadd.s32 $0x1, s17;
	[sflag:s8] =	ssyncset.done $0x0  }
0x40: {  	s23 =	sadd.s32 s4, s11;
	s11 =	smov.u32 s17;
	[sflag:s8] =	ssyncadd.s32 $0xFFFFC000  }
0x41: {  	p3 =	seq.s32 s31, $0x8;
	s17 =	smov.u32 s31;
	_ =	strace $0x90000058  }
0x42: {  	s17 =	simm.s32 @p3 $0x0;
	s31 =	sld [smem:$0x7FD]  }
0x43: {  	p6 =	sne.s32 s12, $0x1;
	p0 =	sne.s32 s21, $0x8;
	p3 =	sne.s32 s11, s17  }
0x44: {  	p5 =	por !p6, !p3;
	p6 =	seq.s32 s21, $0x1;
	s21 =	simm.s32 $0x1  }
0x45: {  	s21 =	simm.s32 @!p0 $0x0;
	p0 =	seq.s32 s31, $0x1  }
.Ltmp0:
0x46: {  	s30 =	sld [smem:$0x7FC];
	(pc) =	sbr.rel @p0 .LBB2_2-.Ltmp0, $4  }
0x47: {  	_ = 	snop  }
0x48: {  	p4 =	seq.s32 s12, $0x8  }
0x49: {  	p1 =	por p2, p2;
	p2 =	por p4, p4;
	p4 =	seq.s32 s30, $0x1  }
0x4a: {  	p6 =	por p6, p4  }
0x4b: {  	_ =	strace @p6 $0x80000059;
	s23 =	sshll.u32 @p6 s23, $0xB  }
0x4c: {  	s18 =	rddreg [dreg:$0x4];
	s23 =	sand.u32 @p6 $0x1FFFF800, s23  }
0x4d: {  	s20 =	sadd.s32 @p6 $0x3, s20;
	s18 =	sadd.s32 @p6 s18, s23;
	s23 =	simm.s32 @p6 $0x0  }
0x4e: {  	[hbm4b:s18+s23] =	stream.linear.scatter @p6 [tilespmem:s22], [sflag:s20], $0x4000, $0x200038;
	[tilespmem:$0x8100] =	vst v63  }
0x4f: {  	p0 =	por !p5, !p5;
	_ =	strace @p6 $0x90000059  }
0x50: {  	s15 =	sadd.s32 @!p1 $0x3, s15;
	s17 =	sadd.s32 @p0 s4, s17;
	_ =	strace @!p1 $0x8000005A  }
0x51: {  	s14 =	sand.u32 @p0 $0x1, s14;
	s17 =	sshll.u32 @p0 s17, $0x4;
	_ =	swait.ge @!p1 [sflag:s15], $0x4000  }
0x52: {  	s18 =	simm.s32 $0x1;
	s20 =	sshll.u32 @p0 s14, $0x7;
	[sflag:s15] =	ssyncset.done @!p1 $0x0  }
0x53: {  	s14 =	sadd.s32 @p0 $0x1, s14;
	s18 =	simm.s32 @!p6 $0x0;
	[sflag:s15] =	ssyncadd.s32 @!p1 $0xFFFFC000  }
0x54: {  	s19 =	sadd.s32 s18, s19;
	s15 =	sand.u32 @p0 $0x1FFFFFF0, s17;
	_ =	strace @!p1 $0x9000005A  }
0x55: {  	s17 =	simm.s32 @p0 $0x0;
	s15 =	sadd.s32 @p0 s3, s15;
	_ =	strace @p0 $0x80000056  }
0x56: {  	[tilespmem:s20], [sflag:s14] =	stream.linear.gather @p0 [hbm4b:s15+s17], $0x80, $0x200038;
	[tilespmem:$0x8100] =	vst v63  }
0x57: {  	s25 =	sand.u32 $0x1, s19;
	_ =	strace @p0 $0x90000056  }
0x58: {  	s14 =	sadd.s32 $0x1, s25;
	_ =	strace $0x80000057  }
0x59: {  	_ =	swait.ge [sflag:s14], $0x80  }
0x5a: {  	[sflag:s14] =	ssyncset.done $0x0  }
0x5b: {  	[sflag:s14] =	ssyncadd.s32 $0xFFFFFF80  }
0x5c: {  	s26 =	sadd.s32 s18, s16;
	_ =	strace $0x90000057  }
0x5d: {  	s14 =	sand.u32 $0x1, s26;
	_ =	strace $0x80000058  }
0x5e: {  	s30 =	sshll.u32 s19, $0x7;
	s31 =	sshll.u32 s14, $0xE;
	s28 =	rddreg [dreg:$0x3]  }
0x5f: {  	s17 =	sand.u32 $0x80, s30;
	s18 =	sor.u32 $0x100, s31;
	s29 =	rddreg [dreg:$0x2]  }
0x60: {  	[tilespmem:s18], [sflag:$0x5] =	stream.indirect.gather [hbm4b:s29+s28], $0x80, s17, s28, $0x2000b8;
	[tilespmem:$0x8100] =	vst v63  }
0x61: {  	_ =	swait.ge [sflag:s8], $0x4000  }
0x62: {  	[sflag:s8] =	ssyncset.done $0x0  }
0x63: {  	p5 =	por p3, p3;
	p6 =	seq.s32 s12, $0x1;
	[sflag:s8] =	ssyncadd.s32 $0xFFFFC000  }
0x64: {  	s11 =	sadd.s32 s4, s11;
	p0 =	por p6, p5;
	_ =	strace $0x90000058  }
0x65: {  	s11 =	sshll.u32 @p0 s11, $0xB;
	_ =	strace @p0 $0x80000059  }
0x66: {  	s13 =	sadd.s32 s21, s13;
	s11 =	sand.u32 @p0 $0x1FFFF800, s11;
	s12 =	rddreg [dreg:$0x4]  }
0x67: {  	s14 =	sadd.s32 @p0 $0x3, s14;
	s11 =	sadd.s32 @p0 s12, s11;
	s12 =	simm.s32 @p0 $0x0  }
0x68: {  	[hbm4b:s11+s12] =	stream.linear.scatter @p0 [tilespmem:s18], [sflag:s14], $0x4000, $0x200038;
	[tilespmem:$0x8100] =	vst v63  }
0x69: {  	p1 =	por p2, p2;
	s11 =	sand.u32 @!p2 $0x1, s13;
	_ =	strace @p0 $0x90000059  }
0x6a: {  	s11 =	sadd.s32 @!p1 $0x3, s11;
	_ =	strace @!p1 $0x8000005A  }
0x6b: {  	_ =	swait.ge @!p1 [sflag:s11], $0x4000  }
0x6c: {  	[sflag:s11] =	ssyncset.done @!p1 $0x0  }
0x6d: {  	s10 =	sadd.s32 $0x1, s10;
	[sflag:s11] =	ssyncadd.s32 @!p1 $0xFFFFC000  }
0x6e: {  	p0 =	sne.s32 s10, s6;
	_ =	strace @!p1 $0x9000005A  }
.Ltmp1:
0x6f: {  	_ =	strace $0x8000005B;
	(pc) =	sbr.rel @p0 .LBB2_1-.Ltmp1, $4  }
0x70: {  	_ =	swait.ge [sflag:s9], $0x4000  }
0x71: {  	[sflag:s9] =	ssyncset.done $0x0  }
0x72: {  	[sflag:s9] =	ssyncadd.s32 $0xFFFFC000  }
0x73: {  	_ =	strace $0x9000005B  }
0x74: {  	_ =	sfence.sel $0x180000  }
0x75: {  	[bflag:$0x0] =	sbarrier.arrive $0xFFFF  }
0x76: {  	p0 =	sne.s32 s2, $0x0;
	_ =	strace $0x90000054  }
0x77: {  	s0 =	sadd.s32 @!p0 $0x100000, s0;
	[bflag:$0x2] =	sbarrier.arrive $0xFFFF  }
0x78: {  	[sflag:s0] =	ssyncadd.tile.s32 @!p0 $0x1;
	_ =	shalt  }
.Lfunc_end2:
_tile_overlayer_lowered:
.L_overlay_start_2:
0x79: {  	(tag) =	ssettag $0x2  }
0x7a: {  	s0 =	rddreg [dreg:$0x0];
	s2 =	stileid.u32  }
0x7b: {  	s1 =	rddreg [dreg:$0x1];
	p0 =	sne.s32 s2, $0x0  }
0x7c: {  	s3 =	rddreg [dreg:$0x2];
	[bflag:$0x3] =	sbarrier.arrive $0xFFFF;
	s2 =	simm.s32 @!p0 $0x1C01  }
0x7d: {  	[timem:s3], [sflag:s2] =	dma.local @!p0 [hbm:s0], s1  }
0x7e: {  	s0 =	simm.s32 @!p0 $0x1  }
0x7f: {  	_ =	swait.ge @!p0 [sflag:s0], s1  }
0x80: {  	s1 =	ssub.s32 @!p0 $0x0, s1;
	[sflag:s0] =	ssyncset.done @!p0 $0x0  }
0x81: {  	[sflag:s0] =	ssyncadd.s32 @!p0 s1  }
0x82: {  	[bflag:$0x3] =	sbarrier.arrive $0xFFFF  }
0x83: {  	_ =	shalt  }

</sc_bundles>
